<compile_context>
chip_gen: v7x
topology: tpu7x:2x2x1
jax: 0.10.2.dev20260603
libtpu: 0.0.44.dev20260713+nightly
codegen_flags: <defaults>
</compile_context>

<pallas_src>
import jax
import jax.numpy as jnp
from jax import lax
from jax.experimental import pallas as pl
from jax.experimental.pallas import tpu as pltpu
from jax.experimental.pallas import tpu_sc as plsc

N_ATOMS = 4096
N_ELEM = 118
W_LEN = N_ELEM * (N_ELEM + 1) // 2
W_PAD = 7040
COULOMB = -231000.0
L = 16
NSUB = 16
APT = N_ATOMS // NSUB
FPT = 3 * APT


def _sc_body(xs_hbm, ai_hbm, w_hbm, bias_hbm, out_hbm,
             xs_v, ai_v, w_v, cnt_v, cnt2_v, comb_v, miscc_v, wpc_v,
             tmp_v, bias_v, out_v, cnt_sh, misc_sh, wp_sh, wsem):
    cid = lax.axis_index("c")
    sid = lax.axis_index("s")
    zero16 = jnp.zeros((L,), jnp.float32)
    ones16 = jnp.ones((L,), jnp.float32)
    iota = lax.iota(jnp.int32, L)

    @pl.when(cid == 0)
    def _():
        s = sid
        wdma = pltpu.async_copy(w_hbm, w_v, wsem)
        pltpu.sync_copy(ai_hbm.at[pl.ds(s * APT, APT)], ai_v)
        pltpu.sync_copy(xs_hbm.at[pl.ds(s * FPT, FPT)], xs_v)

        for k in range(8):
            cnt_v[pl.ds(k * L, L)] = zero16

        def hist_body(i, carry):
            idx = ai_v[pl.ds(i * L, L)]
            plsc.addupdate_scatter(cnt_v, [idx], ones16)
            return carry
        lax.fori_loop(0, APT // L, hist_body, 0)

        masks = [[(iota + r) % 3 == c for c in range(3)] for r in range(3)]

        def coord_body(g, carry):
            s1, sxv, syv, szv = carry
            for r in range(3):
                v = xs_v[pl.ds((g * 3 + r) * L, L)]
                s1 = s1 + v * v
                sxv = sxv + jnp.where(masks[r][0], v, 0.0)
                syv = syv + jnp.where(masks[r][1], v, 0.0)
                szv = szv + jnp.where(masks[r][2], v, 0.0)
            return (s1, sxv, syv, szv)
        s1v, sxv, syv, szv = lax.fori_loop(
            0, FPT // (3 * L), coord_body, (zero16, zero16, zero16, zero16))

        s1 = jnp.sum(s1v)
        sx = jnp.sum(sxv)
        sy = jnp.sum(syv)
        sz = jnp.sum(szv)
        misc = (jnp.where(iota == 0, s1, 0.0) + jnp.where(iota == 1, sx, 0.0)
                + jnp.where(iota == 2, sy, 0.0) + jnp.where(iota == 3, sz, 0.0))
        tmp_v[pl.ds(0, L)] = misc
        pltpu.sync_copy(cnt_v, cnt_sh.at[pl.ds(s * 128, 128)])
        pltpu.sync_copy(tmp_v, misc_sh.at[pl.ds(s * L, L)])
        wdma.wait()

    plsc.subcore_barrier()

    @pl.when(cid == 0)
    def _():
        s = sid
        pltpu.sync_copy(cnt_sh, comb_v)
        for k in range(8):
            acc = zero16
            for r in range(NSUB):
                acc = acc + comb_v[pl.ds(r * 128 + k * L, L)]
            cnt2_v[pl.ds(k * L, L)] = acc

        wacc = zero16
        for k in range(8):
            a = s + NSUB * k
            t = a * (a + 1) // 2
            racc = zero16
            for kb in range(8):
                idx = jnp.minimum(t + kb * L + iota, W_PAD - 1)
                wv = plsc.load_gather(w_v, [idx])
                cb = cnt2_v[pl.ds(kb * L, L)]
                racc = racc + wv * cb
            cnta = plsc.load_gather(cnt2_v, [jnp.full((L,), 0, jnp.int32) + a])
            wacc = wacc + cnta * racc
        tmp_v[pl.ds(0, L)] = wacc
        pltpu.sync_copy(tmp_v, wp_sh.at[pl.ds(s * L, L)])

    plsc.subcore_barrier()

    @pl.when(jnp.logical_and(cid == 0, sid == 0))
    def _():
        pltpu.sync_copy(bias_hbm, bias_v)
        pltpu.sync_copy(wp_sh, wpc_v)
        pltpu.sync_copy(misc_sh, miscc_v)
        wv = zero16
        mv = zero16
        for r in range(NSUB):
            wv = wv + wpc_v[pl.ds(r * L, L)]
            mv = mv + miscc_v[pl.ds(r * L, L)]
        wsum = jnp.sum(wv)
        s1 = jnp.sum(jnp.where(iota == 0, mv, 0.0))
        sx = jnp.sum(jnp.where(iota == 1, mv, 0.0))
        sy = jnp.sum(jnp.where(iota == 2, mv, 0.0))
        sz = jnp.sum(jnp.where(iota == 3, mv, 0.0))
        d2 = 2.0 * N_ATOMS * s1 - 2.0 * (sx * sx + sy * sy + sz * sz)

        d2v = jnp.full((L,), d2)
        bits = lax.bitcast_convert_type(d2v, jnp.int32)
        y = lax.bitcast_convert_type(jnp.int32(0x5F3759DF) - (bits >> 1),
                                     jnp.float32)
        for _ in range(4):
            y = y * (1.5 - 0.5 * d2v * y * y)
        rd = jnp.where(d2v > 0.0, y, jnp.float32(3.4028235e38))

        bv = bias_v[pl.ds(0, L)]
        out_v[pl.ds(0, L)] = COULOMB * wsum * rd + bv
        pltpu.sync_copy(out_v, out_hbm)


_mesh = plsc.VectorSubcoreMesh(core_axis_name="c", subcore_axis_name="s")

_sc_run = pl.kernel(
    _sc_body,
    out_type=jax.ShapeDtypeStruct((L,), jnp.float32),
    mesh=_mesh,
    compiler_params=pltpu.CompilerParams(needs_layout_passes=False),
    scratch_types=[
        pltpu.VMEM((FPT,), jnp.float32),
        pltpu.VMEM((APT,), jnp.int32),
        pltpu.VMEM((W_PAD,), jnp.float32),
        pltpu.VMEM((128,), jnp.float32),
        pltpu.VMEM((128,), jnp.float32),
        pltpu.VMEM((NSUB * 128,), jnp.float32),
        pltpu.VMEM((NSUB * L,), jnp.float32),
        pltpu.VMEM((NSUB * L,), jnp.float32),
        pltpu.VMEM((L,), jnp.float32),
        pltpu.VMEM((L,), jnp.float32),
        pltpu.VMEM((L,), jnp.float32),
        pltpu.VMEM_SHARED((NSUB * 128,), jnp.float32),
        pltpu.VMEM_SHARED((NSUB * L,), jnp.float32),
        pltpu.VMEM_SHARED((NSUB * L,), jnp.float32),
        pltpu.SemaphoreType.DMA,
    ],
)


def kernel(coordinates, atom_ix, weights, bias):
    xs = coordinates.reshape(-1)
    ai = atom_ix.astype(jnp.int32)
    wpad = jnp.pad(weights, (0, W_PAD - W_LEN))
    b16 = jnp.broadcast_to(bias.astype(jnp.float32), (L,))
    out16 = _sc_run(xs, ai, wpad, b16)
    return out16[:1]

# --- scband reference (transcript-rebuilt; emitter-appended) ---
"""Pipeline reference for scband-simple-energy-model-29867202576942 (READ-ONLY COPY).

The authoritative reference and input builder live on the scoring server;
editing this copy changes nothing except your own understanding.
"""

import jax, jax.numpy as jnp
import numpy as np

COULOMB_CONSTANT = -231000.0
N_ATOMS = 4096
MAX_ELEMENT = 118


def setup_inputs(seed: int = 0) -> dict:
    key = jax.random.key(seed)
    k1, k2, k3, k4 = jax.random.split(key, 4)
    coordinates = jax.random.normal(k1, (N_ATOMS, 3), dtype=jnp.float32)
    atom_ix = jax.random.randint(k2, (N_ATOMS,), 0, MAX_ELEMENT, dtype=jnp.int64) if jax.config.jax_enable_x64 else jax.random.randint(k2, (N_ATOMS,), 0, MAX_ELEMENT, dtype=jnp.int32)
    weights = jax.random.normal(k3, (MAX_ELEMENT * (MAX_ELEMENT + 1) // 2,), dtype=jnp.float32)
    bias = jax.random.normal(k4, (1,), dtype=jnp.float32)
    return {"coordinates": coordinates, "atom_ix": atom_ix, "weights": weights, "bias": bias}


def reference(coordinates, atom_ix, weights, bias):
    # torch.norm with no dim -> scalar Frobenius norm of the full [N, N, 3] diff tensor
    diff = coordinates[None, :, :] - coordinates[:, None, :]
    d = jnp.sqrt(jnp.sum(diff * diff))
    reciprocal_d = jnp.nan_to_num(1.0 / d, nan=0.0)
    ai = atom_ix.astype(jnp.int32)
    pairwise_atom_ix = ai[:, None] * (ai[:, None] + 1) // 2 + ai[None, :]
    atom_weights = jnp.take(weights, pairwise_atom_ix, axis=0)
    return COULOMB_CONSTANT * (atom_weights * reciprocal_d).sum() + bias

if __name__ == "__main__":
    import jax
    _d = setup_inputs()
    print(jax.jit(kernel)(*tuple(_d.values())))

</pallas_src>

<mosaic_0001>
#map = affine_map<(d0, d1) -> (0)>
module attributes {stable_mosaic.version = 14 : i64} {
  func.func @_sc_body(%arg0: i32, %arg1: i32, %arg2: memref<12288xf32, #tpu.memory_space<hbm>>, %arg3: memref<4096xi32, #tpu.memory_space<hbm>>, %arg4: memref<7040xf32, #tpu.memory_space<hbm>>, %arg5: memref<16xf32, #tpu.memory_space<hbm>>, %arg6: memref<16xf32, #tpu.memory_space<hbm>>, %arg7: memref<768xf32, #tpu.memory_space<vmem>>, %arg8: memref<256xi32, #tpu.memory_space<vmem>>, %arg9: memref<7040xf32, #tpu.memory_space<vmem>>, %arg10: memref<128xf32, #tpu.memory_space<vmem>>, %arg11: memref<128xf32, #tpu.memory_space<vmem>>, %arg12: memref<2048xf32, #tpu.memory_space<vmem>>, %arg13: memref<256xf32, #tpu.memory_space<vmem>>, %arg14: memref<256xf32, #tpu.memory_space<vmem>>, %arg15: memref<16xf32, #tpu.memory_space<vmem>>, %arg16: memref<16xf32, #tpu.memory_space<vmem>>, %arg17: memref<16xf32, #tpu.memory_space<vmem>>, %arg18: memref<2048xf32, #tpu.memory_space<vmem_shared>>, %arg19: memref<256xf32, #tpu.memory_space<vmem_shared>>, %arg20: memref<256xf32, #tpu.memory_space<vmem_shared>>, %arg21: memref<!tpu.dma_semaphore, #tpu.memory_space<semaphore_mem>>) attributes {dimension_semantics = [#tpu.dimension_semantics<core_parallel>, #tpu.dimension_semantics<subcore_parallel>], iteration_bounds = array<i64: 2, 16>, scalar_prefetch = 0 : i64, scratch_operands = 15 : i64, tpu.core_type = #tpu.core_type<sc_vector_subcore>, window_params = [{transform_indices = #map}, {transform_indices = #map}, {transform_indices = #map}, {transform_indices = #map}, {transform_indices = #map}]} {
    %broadcast_in_dim3A = arith.constant 0.000000e+00 : f32
    %broadcast_in_dim3A_0 = vector.broadcast %broadcast_in_dim3A : f32 to vector<16xf32>
    %broadcast_in_dim3A_1 = arith.constant 1.000000e+00 : f32
    %broadcast_in_dim3A_2 = vector.broadcast %broadcast_in_dim3A_1 : f32 to vector<16xf32>
    %iota3A = tpu.iota {dimensions = array<i32: 0>} : vector<16xi32>
    %eq3A = arith.constant 0 : i32
    %eq3A_3 = arith.cmpi eq, %arg0, %eq3A : i32
    %convert_element_type3A = arith.extui %eq3A_3 : i1 to i32
    %cond3A = arith.constant 0 : i32
    %cond3A_4 = arith.cmpi ne, %convert_element_type3A, %cond3A : i32
    scf.if %cond3A_4 {
      tpu.enqueue_dma source(%arg4 : memref<7040xf32, #tpu.memory_space<hbm>>) target(%arg9 : memref<7040xf32, #tpu.memory_space<vmem>>) target_semaphore(%arg21 : memref<!tpu.dma_semaphore, #tpu.memory_space<semaphore_mem>>)
      %mul3A = arith.constant 256 : i32
      %mul3A_18 = arith.muli %arg1, %mul3A : i32
      "tpu.region"() ({
        %run_scoped3A = tpu.sem_alloc : memref<!tpu.dma_semaphore, #tpu.memory_space<semaphore_mem>>
        %dma_start3A = tpu.memref_slice %arg3[%mul3A_18] : memref<4096xi32, #tpu.memory_space<hbm>> -> memref<256xi32, #tpu.memory_space<hbm>>
        %dma_start3A_345 = tpu.memref_slice %arg3[%mul3A_18] : memref<4096xi32, #tpu.memory_space<hbm>> -> memref<256xi32, #tpu.memory_space<hbm>>
        tpu.enqueue_dma source(%dma_start3A_345 : memref<256xi32, #tpu.memory_space<hbm>>) target(%arg8 : memref<256xi32, #tpu.memory_space<vmem>>) target_semaphore(%run_scoped3A : memref<!tpu.dma_semaphore, #tpu.memory_space<semaphore_mem>>)
        %dma_wait3A = tpu.memref_slice %arg3[%mul3A_18] : memref<4096xi32, #tpu.memory_space<hbm>> -> memref<256xi32, #tpu.memory_space<hbm>>
        %dma_wait3A_346 = tpu.memref_slice %arg3[%mul3A_18] : memref<4096xi32, #tpu.memory_space<hbm>> -> memref<256xi32, #tpu.memory_space<hbm>>
        tpu.wait_dma2 semaphore(%run_scoped3A : memref<!tpu.dma_semaphore, #tpu.memory_space<semaphore_mem>>) src(%dma_wait3A_346 : memref<256xi32, #tpu.memory_space<hbm>>) dst(%arg8 : memref<256xi32, #tpu.memory_space<vmem>>)
        tpu.yield
      }) : () -> ()
      %mul3A_19 = arith.constant 768 : i32
      %mul3A_20 = arith.muli %arg1, %mul3A_19 : i32
      "tpu.region"() ({
        %run_scoped3A = tpu.sem_alloc : memref<!tpu.dma_semaphore, #tpu.memory_space<semaphore_mem>>
        %dma_start3A = tpu.memref_slice %arg2[%mul3A_20] : memref<12288xf32, #tpu.memory_space<hbm>> -> memref<768xf32, #tpu.memory_space<hbm>>
        %dma_start3A_345 = tpu.memref_slice %arg2[%mul3A_20] : memref<12288xf32, #tpu.memory_space<hbm>> -> memref<768xf32, #tpu.memory_space<hbm>>
        tpu.enqueue_dma source(%dma_start3A_345 : memref<768xf32, #tpu.memory_space<hbm>>) target(%arg7 : memref<768xf32, #tpu.memory_space<vmem>>) target_semaphore(%run_scoped3A : memref<!tpu.dma_semaphore, #tpu.memory_space<semaphore_mem>>)
        %dma_wait3A = tpu.memref_slice %arg2[%mul3A_20] : memref<12288xf32, #tpu.memory_space<hbm>> -> memref<768xf32, #tpu.memory_space<hbm>>
        %dma_wait3A_346 = tpu.memref_slice %arg2[%mul3A_20] : memref<12288xf32, #tpu.memory_space<hbm>> -> memref<768xf32, #tpu.memory_space<hbm>>
        tpu.wait_dma2 semaphore(%run_scoped3A : memref<!tpu.dma_semaphore, #tpu.memory_space<semaphore_mem>>) src(%dma_wait3A_346 : memref<768xf32, #tpu.memory_space<hbm>>) dst(%arg7 : memref<768xf32, #tpu.memory_space<vmem>>)
        tpu.yield
      }) : () -> ()
      %swap3A = arith.constant 0 : index
      %swap3A_21 = tpu.vector_load %arg10[%swap3A] {strides = array<i32>} : memref<128xf32, #tpu.memory_space<vmem>>, vector<16xf32>,
      tpu.vector_store %arg10[%swap3A], %broadcast_in_dim3A_0 {strides = array<i32>} : memref<128xf32, #tpu.memory_space<vmem>>, vector<16xf32>,
      %swap3A_22 = arith.constant 16 : index
      %swap3A_23 = tpu.vector_load %arg10[%swap3A_22] {strides = array<i32>} : memref<128xf32, #tpu.memory_space<vmem>>, vector<16xf32>,
      tpu.vector_store %arg10[%swap3A_22], %broadcast_in_dim3A_0 {strides = array<i32>} : memref<128xf32, #tpu.memory_space<vmem>>, vector<16xf32>,
      %swap3A_24 = arith.constant 32 : index
      %swap3A_25 = tpu.vector_load %arg10[%swap3A_24] {strides = array<i32>} : memref<128xf32, #tpu.memory_space<vmem>>, vector<16xf32>,
      tpu.vector_store %arg10[%swap3A_24], %broadcast_in_dim3A_0 {strides = array<i32>} : memref<128xf32, #tpu.memory_space<vmem>>, vector<16xf32>,
      %swap3A_26 = arith.constant 48 : index
      %swap3A_27 = tpu.vector_load %arg10[%swap3A_26] {strides = array<i32>} : memref<128xf32, #tpu.memory_space<vmem>>, vector<16xf32>,
      tpu.vector_store %arg10[%swap3A_26], %broadcast_in_dim3A_0 {strides = array<i32>} : memref<128xf32, #tpu.memory_space<vmem>>, vector<16xf32>,
      %swap3A_28 = arith.constant 64 : index
      %swap3A_29 = tpu.vector_load %arg10[%swap3A_28] {strides = array<i32>} : memref<128xf32, #tpu.memory_space<vmem>>, vector<16xf32>,
      tpu.vector_store %arg10[%swap3A_28], %broadcast_in_dim3A_0 {strides = array<i32>} : memref<128xf32, #tpu.memory_space<vmem>>, vector<16xf32>,
      %swap3A_30 = arith.constant 80 : index
      %swap3A_31 = tpu.vector_load %arg10[%swap3A_30] {strides = array<i32>} : memref<128xf32, #tpu.memory_space<vmem>>, vector<16xf32>,
      tpu.vector_store %arg10[%swap3A_30], %broadcast_in_dim3A_0 {strides = array<i32>} : memref<128xf32, #tpu.memory_space<vmem>>, vector<16xf32>,
      %swap3A_32 = arith.constant 96 : index
      %swap3A_33 = tpu.vector_load %arg10[%swap3A_32] {strides = array<i32>} : memref<128xf32, #tpu.memory_space<vmem>>, vector<16xf32>,
      tpu.vector_store %arg10[%swap3A_32], %broadcast_in_dim3A_0 {strides = array<i32>} : memref<128xf32, #tpu.memory_space<vmem>>, vector<16xf32>,
      %swap3A_34 = arith.constant 112 : index
      %swap3A_35 = tpu.vector_load %arg10[%swap3A_34] {strides = array<i32>} : memref<128xf32, #tpu.memory_space<vmem>>, vector<16xf32>,
      tpu.vector_store %arg10[%swap3A_34], %broadcast_in_dim3A_0 {strides = array<i32>} : memref<128xf32, #tpu.memory_space<vmem>>, vector<16xf32>,
      %scan3A = arith.constant 0 : i32
      %scan3A_36 = arith.constant 0 : i32
      %scan3A_37 = arith.constant 16 : i32
      %scan3A_38 = arith.addi %scan3A_36, %scan3A_37 : i32
      %scan3A_39 = arith.constant 1 : i32
      scf.for %scan3A_345 = %scan3A_36 to %scan3A_38 step %scan3A_39  : i32 {
        %mul3A_346 = arith.constant 16 : i32
        %mul3A_347 = arith.muli %scan3A_345, %mul3A_346 : i32
        %get3A = arith.index_cast %mul3A_347 : i32 to index
        %get3A_348 = tpu.vector_load %arg8[%get3A] {strides = array<i32>} : memref<256xi32, #tpu.memory_space<vmem>>, vector<16xi32>,
        tpu.vector_store_idx %arg10[%get3A_348], %broadcast_in_dim3A_2 {add = true} : memref<128xf32, #tpu.memory_space<vmem>>[vector<16xi32>], vector<16xf32>,
      }
      %scan3A_40 = arith.constant 16 : i32
      %add3A = arith.constant 0 : i32
      %add3A_41 = vector.broadcast %add3A : i32 to vector<16xi32>
      %add3A_42 = arith.addi %iota3A, %add3A_41 : vector<16xi32>
      %jit3A = arith.constant 3 : i32
      %eq3A_43 = arith.constant 0 : i32
      %eq3A_44 = arith.cmpi eq, %jit3A, %eq3A_43 : i32
      %jit3A_45 = arith.constant 1 : i32
      %select_n3A = arith.select %eq3A_44, %jit3A_45, %jit3A : i32
      %rem3A = vector.broadcast %select_n3A : i32 to vector<16xi32>
      %rem3A_46 = arith.remsi %add3A_42, %rem3A : vector<16xi32>
      %ne3A = arith.constant 0 : i32
      %ne3A_47 = vector.broadcast %ne3A : i32 to vector<16xi32>
      %ne3A_48 = arith.cmpi ne, %rem3A_46, %ne3A_47 : vector<16xi32>
      %lt3A = arith.constant 0 : i32
      %lt3A_49 = vector.broadcast %lt3A : i32 to vector<16xi32>
      %lt3A_50 = arith.cmpi slt, %rem3A_46, %lt3A_49 : vector<16xi32>
      %lt3A_51 = arith.constant 0 : i32
      %lt3A_52 = arith.cmpi slt, %select_n3A, %lt3A_51 : i32
      %ne3A_53 = vector.broadcast %lt3A_52 : i1 to vector<16xi1>
      %ne3A_54 = vector.broadcast %ne3A_53 : vector<16xi1> to vector<16xi1>
      %ne3A_55 = arith.xori %lt3A_50, %ne3A_54 : vector<16xi1>
      %and3A_56 = arith.andi %ne3A_55, %ne3A_48 : vector<16xi1>
      %add3A_57 = vector.broadcast %select_n3A : i32 to vector<16xi32>
      %add3A_58 = arith.addi %rem3A_46, %add3A_57 : vector<16xi32>
      %select_n3A_59 = arith.select %and3A_56, %add3A_58, %rem3A_46 : vector<16xi1>, vector<16xi32>
      %eq3A_60 = arith.constant 0 : i32
      %eq3A_61 = vector.broadcast %eq3A_60 : i32 to vector<16xi32>
      %eq3A_62 = arith.cmpi eq, %select_n3A_59, %eq3A_61 : vector<16xi32>
      %add3A_63 = arith.constant 0 : i32
      %add3A_64 = vector.broadcast %add3A_63 : i32 to vector<16xi32>
      %add3A_65 = arith.addi %iota3A, %add3A_64 : vector<16xi32>
      %jit3A_66 = arith.constant 3 : i32
      %eq3A_67 = arith.constant 0 : i32
      %eq3A_68 = arith.cmpi eq, %jit3A_66, %eq3A_67 : i32
      %jit3A_69 = arith.constant 1 : i32
      %select_n3A_70 = arith.select %eq3A_68, %jit3A_69, %jit3A_66 : i32
      %rem3A_71 = vector.broadcast %select_n3A_70 : i32 to vector<16xi32>
      %rem3A_72 = arith.remsi %add3A_65, %rem3A_71 : vector<16xi32>
      %ne3A_73 = arith.constant 0 : i32
      %ne3A_74 = vector.broadcast %ne3A_73 : i32 to vector<16xi32>
      %ne3A_75 = arith.cmpi ne, %rem3A_72, %ne3A_74 : vector<16xi32>
      %lt3A_76 = arith.constant 0 : i32
      %lt3A_77 = vector.broadcast %lt3A_76 : i32 to vector<16xi32>
      %lt3A_78 = arith.cmpi slt, %rem3A_72, %lt3A_77 : vector<16xi32>
      %lt3A_79 = arith.constant 0 : i32
      %lt3A_80 = arith.cmpi slt, %select_n3A_70, %lt3A_79 : i32
      %ne3A_81 = vector.broadcast %lt3A_80 : i1 to vector<16xi1>
      %ne3A_82 = vector.broadcast %ne3A_81 : vector<16xi1> to vector<16xi1>
      %ne3A_83 = arith.xori %lt3A_78, %ne3A_82 : vector<16xi1>
      %and3A_84 = arith.andi %ne3A_83, %ne3A_75 : vector<16xi1>
      %add3A_85 = vector.broadcast %select_n3A_70 : i32 to vector<16xi32>
      %add3A_86 = arith.addi %rem3A_72, %add3A_85 : vector<16xi32>
      %select_n3A_87 = arith.select %and3A_84, %add3A_86, %rem3A_72 : vector<16xi1>, vector<16xi32>
      %eq3A_88 = arith.constant 1 : i32
      %eq3A_89 = vector.broadcast %eq3A_88 : i32 to vector<16xi32>
      %eq3A_90 = arith.cmpi eq, %select_n3A_87, %eq3A_89 : vector<16xi32>
      %add3A_91 = arith.constant 0 : i32
      %add3A_92 = vector.broadcast %add3A_91 : i32 to vector<16xi32>
      %add3A_93 = arith.addi %iota3A, %add3A_92 : vector<16xi32>
      %jit3A_94 = arith.constant 3 : i32
      %eq3A_95 = arith.constant 0 : i32
      %eq3A_96 = arith.cmpi eq, %jit3A_94, %eq3A_95 : i32
      %jit3A_97 = arith.constant 1 : i32
      %select_n3A_98 = arith.select %eq3A_96, %jit3A_97, %jit3A_94 : i32
      %rem3A_99 = vector.broadcast %select_n3A_98 : i32 to vector<16xi32>
      %rem3A_100 = arith.remsi %add3A_93, %rem3A_99 : vector<16xi32>
      %ne3A_101 = arith.constant 0 : i32
      %ne3A_102 = vector.broadcast %ne3A_101 : i32 to vector<16xi32>
      %ne3A_103 = arith.cmpi ne, %rem3A_100, %ne3A_102 : vector<16xi32>
      %lt3A_104 = arith.constant 0 : i32
      %lt3A_105 = vector.broadcast %lt3A_104 : i32 to vector<16xi32>
      %lt3A_106 = arith.cmpi slt, %rem3A_100, %lt3A_105 : vector<16xi32>
      %lt3A_107 = arith.constant 0 : i32
      %lt3A_108 = arith.cmpi slt, %select_n3A_98, %lt3A_107 : i32
      %ne3A_109 = vector.broadcast %lt3A_108 : i1 to vector<16xi1>
      %ne3A_110 = vector.broadcast %ne3A_109 : vector<16xi1> to vector<16xi1>
      %ne3A_111 = arith.xori %lt3A_106, %ne3A_110 : vector<16xi1>
      %and3A_112 = arith.andi %ne3A_111, %ne3A_103 : vector<16xi1>
      %add3A_113 = vector.broadcast %select_n3A_98 : i32 to vector<16xi32>
      %add3A_114 = arith.addi %rem3A_100, %add3A_113 : vector<16xi32>
      %select_n3A_115 = arith.select %and3A_112, %add3A_114, %rem3A_100 : vector<16xi1>, vector<16xi32>
      %eq3A_116 = arith.constant 2 : i32
      %eq3A_117 = vector.broadcast %eq3A_116 : i32 to vector<16xi32>
      %eq3A_118 = arith.cmpi eq, %select_n3A_115, %eq3A_117 : vector<16xi32>
      %add3A_119 = arith.constant 1 : i32
      %add3A_120 = vector.broadcast %add3A_119 : i32 to vector<16xi32>
      %add3A_121 = arith.addi %iota3A, %add3A_120 : vector<16xi32>
      %jit3A_122 = arith.constant 3 : i32
      %eq3A_123 = arith.constant 0 : i32
      %eq3A_124 = arith.cmpi eq, %jit3A_122, %eq3A_123 : i32
      %jit3A_125 = arith.constant 1 : i32
      %select_n3A_126 = arith.select %eq3A_124, %jit3A_125, %jit3A_122 : i32
      %rem3A_127 = vector.broadcast %select_n3A_126 : i32 to vector<16xi32>
      %rem3A_128 = arith.remsi %add3A_121, %rem3A_127 : vector<16xi32>
      %ne3A_129 = arith.constant 0 : i32
      %ne3A_130 = vector.broadcast %ne3A_129 : i32 to vector<16xi32>
      %ne3A_131 = arith.cmpi ne, %rem3A_128, %ne3A_130 : vector<16xi32>
      %lt3A_132 = arith.constant 0 : i32
      %lt3A_133 = vector.broadcast %lt3A_132 : i32 to vector<16xi32>
      %lt3A_134 = arith.cmpi slt, %rem3A_128, %lt3A_133 : vector<16xi32>
      %lt3A_135 = arith.constant 0 : i32
      %lt3A_136 = arith.cmpi slt, %select_n3A_126, %lt3A_135 : i32
      %ne3A_137 = vector.broadcast %lt3A_136 : i1 to vector<16xi1>
      %ne3A_138 = vector.broadcast %ne3A_137 : vector<16xi1> to vector<16xi1>
      %ne3A_139 = arith.xori %lt3A_134, %ne3A_138 : vector<16xi1>
      %and3A_140 = arith.andi %ne3A_139, %ne3A_131 : vector<16xi1>
      %add3A_141 = vector.broadcast %select_n3A_126 : i32 to vector<16xi32>
      %add3A_142 = arith.addi %rem3A_128, %add3A_141 : vector<16xi32>
      %select_n3A_143 = arith.select %and3A_140, %add3A_142, %rem3A_128 : vector<16xi1>, vector<16xi32>
      %eq3A_144 = arith.constant 0 : i32
      %eq3A_145 = vector.broadcast %eq3A_144 : i32 to vector<16xi32>
      %eq3A_146 = arith.cmpi eq, %select_n3A_143, %eq3A_145 : vector<16xi32>
      %add3A_147 = arith.constant 1 : i32
      %add3A_148 = vector.broadcast %add3A_147 : i32 to vector<16xi32>
      %add3A_149 = arith.addi %iota3A, %add3A_148 : vector<16xi32>
      %jit3A_150 = arith.constant 3 : i32
      %eq3A_151 = arith.constant 0 : i32
      %eq3A_152 = arith.cmpi eq, %jit3A_150, %eq3A_151 : i32
      %jit3A_153 = arith.constant 1 : i32
      %select_n3A_154 = arith.select %eq3A_152, %jit3A_153, %jit3A_150 : i32
      %rem3A_155 = vector.broadcast %select_n3A_154 : i32 to vector<16xi32>
      %rem3A_156 = arith.remsi %add3A_149, %rem3A_155 : vector<16xi32>
      %ne3A_157 = arith.constant 0 : i32
      %ne3A_158 = vector.broadcast %ne3A_157 : i32 to vector<16xi32>
      %ne3A_159 = arith.cmpi ne, %rem3A_156, %ne3A_158 : vector<16xi32>
      %lt3A_160 = arith.constant 0 : i32
      %lt3A_161 = vector.broadcast %lt3A_160 : i32 to vector<16xi32>
      %lt3A_162 = arith.cmpi slt, %rem3A_156, %lt3A_161 : vector<16xi32>
      %lt3A_163 = arith.constant 0 : i32
      %lt3A_164 = arith.cmpi slt, %select_n3A_154, %lt3A_163 : i32
      %ne3A_165 = vector.broadcast %lt3A_164 : i1 to vector<16xi1>
      %ne3A_166 = vector.broadcast %ne3A_165 : vector<16xi1> to vector<16xi1>
      %ne3A_167 = arith.xori %lt3A_162, %ne3A_166 : vector<16xi1>
      %and3A_168 = arith.andi %ne3A_167, %ne3A_159 : vector<16xi1>
      %add3A_169 = vector.broadcast %select_n3A_154 : i32 to vector<16xi32>
      %add3A_170 = arith.addi %rem3A_156, %add3A_169 : vector<16xi32>
      %select_n3A_171 = arith.select %and3A_168, %add3A_170, %rem3A_156 : vector<16xi1>, vector<16xi32>
      %eq3A_172 = arith.constant 1 : i32
      %eq3A_173 = vector.broadcast %eq3A_172 : i32 to vector<16xi32>
      %eq3A_174 = arith.cmpi eq, %select_n3A_171, %eq3A_173 : vector<16xi32>
      %add3A_175 = arith.constant 1 : i32
      %add3A_176 = vector.broadcast %add3A_175 : i32 to vector<16xi32>
      %add3A_177 = arith.addi %iota3A, %add3A_176 : vector<16xi32>
      %jit3A_178 = arith.constant 3 : i32
      %eq3A_179 = arith.constant 0 : i32
      %eq3A_180 = arith.cmpi eq, %jit3A_178, %eq3A_179 : i32
      %jit3A_181 = arith.constant 1 : i32
      %select_n3A_182 = arith.select %eq3A_180, %jit3A_181, %jit3A_178 : i32
      %rem3A_183 = vector.broadcast %select_n3A_182 : i32 to vector<16xi32>
      %rem3A_184 = arith.remsi %add3A_177, %rem3A_183 : vector<16xi32>
      %ne3A_185 = arith.constant 0 : i32
      %ne3A_186 = vector.broadcast %ne3A_185 : i32 to vector<16xi32>
      %ne3A_187 = arith.cmpi ne, %rem3A_184, %ne3A_186 : vector<16xi32>
      %lt3A_188 = arith.constant 0 : i32
      %lt3A_189 = vector.broadcast %lt3A_188 : i32 to vector<16xi32>
      %lt3A_190 = arith.cmpi slt, %rem3A_184, %lt3A_189 : vector<16xi32>
      %lt3A_191 = arith.constant 0 : i32
      %lt3A_192 = arith.cmpi slt, %select_n3A_182, %lt3A_191 : i32
      %ne3A_193 = vector.broadcast %lt3A_192 : i1 to vector<16xi1>
      %ne3A_194 = vector.broadcast %ne3A_193 : vector<16xi1> to vector<16xi1>
      %ne3A_195 = arith.xori %lt3A_190, %ne3A_194 : vector<16xi1>
      %and3A_196 = arith.andi %ne3A_195, %ne3A_187 : vector<16xi1>
      %add3A_197 = vector.broadcast %select_n3A_182 : i32 to vector<16xi32>
      %add3A_198 = arith.addi %rem3A_184, %add3A_197 : vector<16xi32>
      %select_n3A_199 = arith.select %and3A_196, %add3A_198, %rem3A_184 : vector<16xi1>, vector<16xi32>
      %eq3A_200 = arith.constant 2 : i32
      %eq3A_201 = vector.broadcast %eq3A_200 : i32 to vector<16xi32>
      %eq3A_202 = arith.cmpi eq, %select_n3A_199, %eq3A_201 : vector<16xi32>
      %add3A_203 = arith.constant 2 : i32
      %add3A_204 = vector.broadcast %add3A_203 : i32 to vector<16xi32>
      %add3A_205 = arith.addi %iota3A, %add3A_204 : vector<16xi32>
      %jit3A_206 = arith.constant 3 : i32
      %eq3A_207 = arith.constant 0 : i32
      %eq3A_208 = arith.cmpi eq, %jit3A_206, %eq3A_207 : i32
      %jit3A_209 = arith.constant 1 : i32
      %select_n3A_210 = arith.select %eq3A_208, %jit3A_209, %jit3A_206 : i32
      %rem3A_211 = vector.broadcast %select_n3A_210 : i32 to vector<16xi32>
      %rem3A_212 = arith.remsi %add3A_205, %rem3A_211 : vector<16xi32>
      %ne3A_213 = arith.constant 0 : i32
      %ne3A_214 = vector.broadcast %ne3A_213 : i32 to vector<16xi32>
      %ne3A_215 = arith.cmpi ne, %rem3A_212, %ne3A_214 : vector<16xi32>
      %lt3A_216 = arith.constant 0 : i32
      %lt3A_217 = vector.broadcast %lt3A_216 : i32 to vector<16xi32>
      %lt3A_218 = arith.cmpi slt, %rem3A_212, %lt3A_217 : vector<16xi32>
      %lt3A_219 = arith.constant 0 : i32
      %lt3A_220 = arith.cmpi slt, %select_n3A_210, %lt3A_219 : i32
      %ne3A_221 = vector.broadcast %lt3A_220 : i1 to vector<16xi1>
      %ne3A_222 = vector.broadcast %ne3A_221 : vector<16xi1> to vector<16xi1>
      %ne3A_223 = arith.xori %lt3A_218, %ne3A_222 : vector<16xi1>
      %and3A_224 = arith.andi %ne3A_223, %ne3A_215 : vector<16xi1>
      %add3A_225 = vector.broadcast %select_n3A_210 : i32 to vector<16xi32>
      %add3A_226 = arith.addi %rem3A_212, %add3A_225 : vector<16xi32>
      %select_n3A_227 = arith.select %and3A_224, %add3A_226, %rem3A_212 : vector<16xi1>, vector<16xi32>
      %eq3A_228 = arith.constant 0 : i32
      %eq3A_229 = vector.broadcast %eq3A_228 : i32 to vector<16xi32>
      %eq3A_230 = arith.cmpi eq, %select_n3A_227, %eq3A_229 : vector<16xi32>
      %add3A_231 = arith.constant 2 : i32
      %add3A_232 = vector.broadcast %add3A_231 : i32 to vector<16xi32>
      %add3A_233 = arith.addi %iota3A, %add3A_232 : vector<16xi32>
      %jit3A_234 = arith.constant 3 : i32
      %eq3A_235 = arith.constant 0 : i32
      %eq3A_236 = arith.cmpi eq, %jit3A_234, %eq3A_235 : i32
      %jit3A_237 = arith.constant 1 : i32
      %select_n3A_238 = arith.select %eq3A_236, %jit3A_237, %jit3A_234 : i32
      %rem3A_239 = vector.broadcast %select_n3A_238 : i32 to vector<16xi32>
      %rem3A_240 = arith.remsi %add3A_233, %rem3A_239 : vector<16xi32>
      %ne3A_241 = arith.constant 0 : i32
      %ne3A_242 = vector.broadcast %ne3A_241 : i32 to vector<16xi32>
      %ne3A_243 = arith.cmpi ne, %rem3A_240, %ne3A_242 : vector<16xi32>
      %lt3A_244 = arith.constant 0 : i32
      %lt3A_245 = vector.broadcast %lt3A_244 : i32 to vector<16xi32>
      %lt3A_246 = arith.cmpi slt, %rem3A_240, %lt3A_245 : vector<16xi32>
      %lt3A_247 = arith.constant 0 : i32
      %lt3A_248 = arith.cmpi slt, %select_n3A_238, %lt3A_247 : i32
      %ne3A_249 = vector.broadcast %lt3A_248 : i1 to vector<16xi1>
      %ne3A_250 = vector.broadcast %ne3A_249 : vector<16xi1> to vector<16xi1>
      %ne3A_251 = arith.xori %lt3A_246, %ne3A_250 : vector<16xi1>
      %and3A_252 = arith.andi %ne3A_251, %ne3A_243 : vector<16xi1>
      %add3A_253 = vector.broadcast %select_n3A_238 : i32 to vector<16xi32>
      %add3A_254 = arith.addi %rem3A_240, %add3A_253 : vector<16xi32>
      %select_n3A_255 = arith.select %and3A_252, %add3A_254, %rem3A_240 : vector<16xi1>, vector<16xi32>
      %eq3A_256 = arith.constant 1 : i32
      %eq3A_257 = vector.broadcast %eq3A_256 : i32 to vector<16xi32>
      %eq3A_258 = arith.cmpi eq, %select_n3A_255, %eq3A_257 : vector<16xi32>
      %add3A_259 = arith.constant 2 : i32
      %add3A_260 = vector.broadcast %add3A_259 : i32 to vector<16xi32>
      %add3A_261 = arith.addi %iota3A, %add3A_260 : vector<16xi32>
      %jit3A_262 = arith.constant 3 : i32
      %eq3A_263 = arith.constant 0 : i32
      %eq3A_264 = arith.cmpi eq, %jit3A_262, %eq3A_263 : i32
      %jit3A_265 = arith.constant 1 : i32
      %select_n3A_266 = arith.select %eq3A_264, %jit3A_265, %jit3A_262 : i32
      %rem3A_267 = vector.broadcast %select_n3A_266 : i32 to vector<16xi32>
      %rem3A_268 = arith.remsi %add3A_261, %rem3A_267 : vector<16xi32>
      %ne3A_269 = arith.constant 0 : i32
      %ne3A_270 = vector.broadcast %ne3A_269 : i32 to vector<16xi32>
      %ne3A_271 = arith.cmpi ne, %rem3A_268, %ne3A_270 : vector<16xi32>
      %lt3A_272 = arith.constant 0 : i32
      %lt3A_273 = vector.broadcast %lt3A_272 : i32 to vector<16xi32>
      %lt3A_274 = arith.cmpi slt, %rem3A_268, %lt3A_273 : vector<16xi32>
      %lt3A_275 = arith.constant 0 : i32
      %lt3A_276 = arith.cmpi slt, %select_n3A_266, %lt3A_275 : i32
      %ne3A_277 = vector.broadcast %lt3A_276 : i1 to vector<16xi1>
      %ne3A_278 = vector.broadcast %ne3A_277 : vector<16xi1> to vector<16xi1>
      %ne3A_279 = arith.xori %lt3A_274, %ne3A_278 : vector<16xi1>
      %and3A_280 = arith.andi %ne3A_279, %ne3A_271 : vector<16xi1>
      %add3A_281 = vector.broadcast %select_n3A_266 : i32 to vector<16xi32>
      %add3A_282 = arith.addi %rem3A_268, %add3A_281 : vector<16xi32>
      %select_n3A_283 = arith.select %and3A_280, %add3A_282, %rem3A_268 : vector<16xi1>, vector<16xi32>
      %eq3A_284 = arith.constant 2 : i32
      %eq3A_285 = vector.broadcast %eq3A_284 : i32 to vector<16xi32>
      %eq3A_286 = arith.cmpi eq, %select_n3A_283, %eq3A_285 : vector<16xi32>
      %scan3A_287 = arith.constant 0 : i32
      %scan3A_288 = arith.constant 16 : i32
      %scan3A_289 = arith.addi %scan3A_287, %scan3A_288 : i32
      %scan3A_290 = arith.constant 1 : i32
      %scan3A_291:4 = scf.for %scan3A_345 = %scan3A_287 to %scan3A_289 step %scan3A_290 iter_args(%scan3A_346 = %broadcast_in_dim3A_0, %scan3A_347 = %broadcast_in_dim3A_0, %scan3A_348 = %broadcast_in_dim3A_0, %scan3A_349 = %broadcast_in_dim3A_0) -> (vector<16xf32>, vector<16xf32>, vector<16xf32>, vector<16xf32>)  : i32 {
        %mul3A_350 = arith.constant 3 : i32
        %mul3A_351 = arith.muli %scan3A_345, %mul3A_350 : i32
        %add3A_352 = arith.constant 0 : i32
        %add3A_353 = arith.addi %mul3A_351, %add3A_352 : i32
        %mul3A_354 = arith.constant 16 : i32
        %mul3A_355 = arith.muli %add3A_353, %mul3A_354 : i32
        %get3A = arith.index_cast %mul3A_355 : i32 to index
        %get3A_356 = tpu.vector_load %arg7[%get3A] {strides = array<i32>} : memref<768xf32, #tpu.memory_space<vmem>>, vector<16xf32>,
        %mul3A_357 = arith.mulf %get3A_356, %get3A_356 : vector<16xf32>
        %add3A_358 = arith.addf %scan3A_346, %mul3A_357 : vector<16xf32>
        %jit3A_359 = arith.constant 0.000000e+00 : f32
        %broadcast_in_dim3A_360 = vector.broadcast %jit3A_359 : f32 to vector<16xf32>
        %select_n3A_361 = arith.select %eq3A_62, %get3A_356, %broadcast_in_dim3A_360 : vector<16xi1>, vector<16xf32>
        %add3A_362 = arith.addf %scan3A_347, %select_n3A_361 : vector<16xf32>
        %jit3A_363 = arith.constant 0.000000e+00 : f32
        %broadcast_in_dim3A_364 = vector.broadcast %jit3A_363 : f32 to vector<16xf32>
        %select_n3A_365 = arith.select %eq3A_90, %get3A_356, %broadcast_in_dim3A_364 : vector<16xi1>, vector<16xf32>
        %add3A_366 = arith.addf %scan3A_348, %select_n3A_365 : vector<16xf32>
        %jit3A_367 = arith.constant 0.000000e+00 : f32
        %broadcast_in_dim3A_368 = vector.broadcast %jit3A_367 : f32 to vector<16xf32>
        %select_n3A_369 = arith.select %eq3A_118, %get3A_356, %broadcast_in_dim3A_368 : vector<16xi1>, vector<16xf32>
        %add3A_370 = arith.addf %scan3A_349, %select_n3A_369 : vector<16xf32>
        %mul3A_371 = arith.constant 3 : i32
        %mul3A_372 = arith.muli %scan3A_345, %mul3A_371 : i32
        %add3A_373 = arith.constant 1 : i32
        %add3A_374 = arith.addi %mul3A_372, %add3A_373 : i32
        %mul3A_375 = arith.constant 16 : i32
        %mul3A_376 = arith.muli %add3A_374, %mul3A_375 : i32
        %get3A_377 = arith.index_cast %mul3A_376 : i32 to index
        %get3A_378 = tpu.vector_load %arg7[%get3A_377] {strides = array<i32>} : memref<768xf32, #tpu.memory_space<vmem>>, vector<16xf32>,
        %mul3A_379 = arith.mulf %get3A_378, %get3A_378 : vector<16xf32>
        %add3A_380 = arith.addf %add3A_358, %mul3A_379 : vector<16xf32>
        %jit3A_381 = arith.constant 0.000000e+00 : f32
        %broadcast_in_dim3A_382 = vector.broadcast %jit3A_381 : f32 to vector<16xf32>
        %select_n3A_383 = arith.select %eq3A_146, %get3A_378, %broadcast_in_dim3A_382 : vector<16xi1>, vector<16xf32>
        %add3A_384 = arith.addf %add3A_362, %select_n3A_383 : vector<16xf32>
        %jit3A_385 = arith.constant 0.000000e+00 : f32
        %broadcast_in_dim3A_386 = vector.broadcast %jit3A_385 : f32 to vector<16xf32>
        %select_n3A_387 = arith.select %eq3A_174, %get3A_378, %broadcast_in_dim3A_386 : vector<16xi1>, vector<16xf32>
        %add3A_388 = arith.addf %add3A_366, %select_n3A_387 : vector<16xf32>
        %jit3A_389 = arith.constant 0.000000e+00 : f32
        %broadcast_in_dim3A_390 = vector.broadcast %jit3A_389 : f32 to vector<16xf32>
        %select_n3A_391 = arith.select %eq3A_202, %get3A_378, %broadcast_in_dim3A_390 : vector<16xi1>, vector<16xf32>
        %add3A_392 = arith.addf %add3A_370, %select_n3A_391 : vector<16xf32>
        %mul3A_393 = arith.constant 3 : i32
        %mul3A_394 = arith.muli %scan3A_345, %mul3A_393 : i32
        %add3A_395 = arith.constant 2 : i32
        %add3A_396 = arith.addi %mul3A_394, %add3A_395 : i32
        %mul3A_397 = arith.constant 16 : i32
        %mul3A_398 = arith.muli %add3A_396, %mul3A_397 : i32
        %get3A_399 = arith.index_cast %mul3A_398 : i32 to index
        %get3A_400 = tpu.vector_load %arg7[%get3A_399] {strides = array<i32>} : memref<768xf32, #tpu.memory_space<vmem>>, vector<16xf32>,
        %mul3A_401 = arith.mulf %get3A_400, %get3A_400 : vector<16xf32>
        %add3A_402 = arith.addf %add3A_380, %mul3A_401 : vector<16xf32>
        %jit3A_403 = arith.constant 0.000000e+00 : f32
        %broadcast_in_dim3A_404 = vector.broadcast %jit3A_403 : f32 to vector<16xf32>
        %select_n3A_405 = arith.select %eq3A_230, %get3A_400, %broadcast_in_dim3A_404 : vector<16xi1>, vector<16xf32>
        %add3A_406 = arith.addf %add3A_384, %select_n3A_405 : vector<16xf32>
        %jit3A_407 = arith.constant 0.000000e+00 : f32
        %broadcast_in_dim3A_408 = vector.broadcast %jit3A_407 : f32 to vector<16xf32>
        %select_n3A_409 = arith.select %eq3A_258, %get3A_400, %broadcast_in_dim3A_408 : vector<16xi1>, vector<16xf32>
        %add3A_410 = arith.addf %add3A_388, %select_n3A_409 : vector<16xf32>
        %jit3A_411 = arith.constant 0.000000e+00 : f32
        %broadcast_in_dim3A_412 = vector.broadcast %jit3A_411 : f32 to vector<16xf32>
        %select_n3A_413 = arith.select %eq3A_286, %get3A_400, %broadcast_in_dim3A_412 : vector<16xi1>, vector<16xf32>
        %add3A_414 = arith.addf %add3A_392, %select_n3A_413 : vector<16xf32>
        scf.yield %add3A_402, %add3A_406, %add3A_410, %add3A_414 : vector<16xf32>, vector<16xf32>, vector<16xf32>, vector<16xf32>
      }
      %scan3A_292 = arith.constant 16 : i32
      %reduce_sum3A = arith.constant true
      %reduce_sum3A_293 = vector.broadcast %reduce_sum3A : i1 to vector<16xi1>
      %reduce_sum3A_294 = tpu.scan <sum>, %scan3A_291#0 masked %reduce_sum3A_293 : vector<16xf32>, vector<16xi1> -> vector<16xf32>
      %reduce_sum3A_295 = vector.extract %reduce_sum3A_294[15] : f32 from vector<16xf32>
      %reduce_sum3A_296 = arith.constant true
      %reduce_sum3A_297 = vector.broadcast %reduce_sum3A_296 : i1 to vector<16xi1>
      %reduce_sum3A_298 = tpu.scan <sum>, %scan3A_291#1 masked %reduce_sum3A_297 : vector<16xf32>, vector<16xi1> -> vector<16xf32>
      %reduce_sum3A_299 = vector.extract %reduce_sum3A_298[15] : f32 from vector<16xf32>
      %reduce_sum3A_300 = arith.constant true
      %reduce_sum3A_301 = vector.broadcast %reduce_sum3A_300 : i1 to vector<16xi1>
      %reduce_sum3A_302 = tpu.scan <sum>, %scan3A_291#2 masked %reduce_sum3A_301 : vector<16xf32>, vector<16xi1> -> vector<16xf32>
      %reduce_sum3A_303 = vector.extract %reduce_sum3A_302[15] : f32 from vector<16xf32>
      %reduce_sum3A_304 = arith.constant true
      %reduce_sum3A_305 = vector.broadcast %reduce_sum3A_304 : i1 to vector<16xi1>
      %reduce_sum3A_306 = tpu.scan <sum>, %scan3A_291#3 masked %reduce_sum3A_305 : vector<16xf32>, vector<16xi1> -> vector<16xf32>
      %reduce_sum3A_307 = vector.extract %reduce_sum3A_306[15] : f32 from vector<16xf32>
      %eq3A_308 = arith.constant 0 : i32
      %eq3A_309 = vector.broadcast %eq3A_308 : i32 to vector<16xi32>
      %eq3A_310 = arith.cmpi eq, %iota3A, %eq3A_309 : vector<16xi32>
      %jit3A_311 = arith.constant 0.000000e+00 : f32
      %broadcast_in_dim3A_312 = vector.broadcast %reduce_sum3A_295 : f32 to vector<16xf32>
      %broadcast_in_dim3A_313 = vector.broadcast %jit3A_311 : f32 to vector<16xf32>
      %select_n3A_314 = arith.select %eq3A_310, %broadcast_in_dim3A_312, %broadcast_in_dim3A_313 : vector<16xi1>, vector<16xf32>
      %eq3A_315 = arith.constant 1 : i32
      %eq3A_316 = vector.broadcast %eq3A_315 : i32 to vector<16xi32>
      %eq3A_317 = arith.cmpi eq, %iota3A, %eq3A_316 : vector<16xi32>
      %jit3A_318 = arith.constant 0.000000e+00 : f32
      %broadcast_in_dim3A_319 = vector.broadcast %reduce_sum3A_299 : f32 to vector<16xf32>
      %broadcast_in_dim3A_320 = vector.broadcast %jit3A_318 : f32 to vector<16xf32>
      %select_n3A_321 = arith.select %eq3A_317, %broadcast_in_dim3A_319, %broadcast_in_dim3A_320 : vector<16xi1>, vector<16xf32>
      %add3A_322 = arith.addf %select_n3A_314, %select_n3A_321 : vector<16xf32>
      %eq3A_323 = arith.constant 2 : i32
      %eq3A_324 = vector.broadcast %eq3A_323 : i32 to vector<16xi32>
      %eq3A_325 = arith.cmpi eq, %iota3A, %eq3A_324 : vector<16xi32>
      %jit3A_326 = arith.constant 0.000000e+00 : f32
      %broadcast_in_dim3A_327 = vector.broadcast %reduce_sum3A_303 : f32 to vector<16xf32>
      %broadcast_in_dim3A_328 = vector.broadcast %jit3A_326 : f32 to vector<16xf32>
      %select_n3A_329 = arith.select %eq3A_325, %broadcast_in_dim3A_327, %broadcast_in_dim3A_328 : vector<16xi1>, vector<16xf32>
      %add3A_330 = arith.addf %add3A_322, %select_n3A_329 : vector<16xf32>
      %eq3A_331 = arith.constant 3 : i32
      %eq3A_332 = vector.broadcast %eq3A_331 : i32 to vector<16xi32>
      %eq3A_333 = arith.cmpi eq, %iota3A, %eq3A_332 : vector<16xi32>
      %jit3A_334 = arith.constant 0.000000e+00 : f32
      %broadcast_in_dim3A_335 = vector.broadcast %reduce_sum3A_307 : f32 to vector<16xf32>
      %broadcast_in_dim3A_336 = vector.broadcast %jit3A_334 : f32 to vector<16xf32>
      %select_n3A_337 = arith.select %eq3A_333, %broadcast_in_dim3A_335, %broadcast_in_dim3A_336 : vector<16xi1>, vector<16xf32>
      %add3A_338 = arith.addf %add3A_330, %select_n3A_337 : vector<16xf32>
      %swap3A_339 = arith.constant 0 : index
      %swap3A_340 = tpu.vector_load %arg15[%swap3A_339] {strides = array<i32>} : memref<16xf32, #tpu.memory_space<vmem>>, vector<16xf32>,
      tpu.vector_store %arg15[%swap3A_339], %add3A_338 {strides = array<i32>} : memref<16xf32, #tpu.memory_space<vmem>>, vector<16xf32>,
      %mul3A_341 = arith.constant 128 : i32
      %mul3A_342 = arith.muli %arg1, %mul3A_341 : i32
      "tpu.region"() ({
        %run_scoped3A = tpu.sem_alloc : memref<!tpu.dma_semaphore, #tpu.memory_space<semaphore_mem>>
        %dma_start3A = tpu.memref_slice %arg18[%mul3A_342] : memref<2048xf32, #tpu.memory_space<vmem_shared>> -> memref<128xf32, #tpu.memory_space<vmem_shared>>
        %dma_start3A_345 = tpu.memref_slice %arg18[%mul3A_342] : memref<2048xf32, #tpu.memory_space<vmem_shared>> -> memref<128xf32, #tpu.memory_space<vmem_shared>>
        tpu.enqueue_dma source(%arg10 : memref<128xf32, #tpu.memory_space<vmem>>) target(%dma_start3A_345 : memref<128xf32, #tpu.memory_space<vmem_shared>>) target_semaphore(%run_scoped3A : memref<!tpu.dma_semaphore, #tpu.memory_space<semaphore_mem>>)
        %dma_wait3A = tpu.memref_slice %arg18[%mul3A_342] : memref<2048xf32, #tpu.memory_space<vmem_shared>> -> memref<128xf32, #tpu.memory_space<vmem_shared>>
        %dma_wait3A_346 = tpu.memref_slice %arg18[%mul3A_342] : memref<2048xf32, #tpu.memory_space<vmem_shared>> -> memref<128xf32, #tpu.memory_space<vmem_shared>>
        tpu.wait_dma2 semaphore(%run_scoped3A : memref<!tpu.dma_semaphore, #tpu.memory_space<semaphore_mem>>) src(%arg10 : memref<128xf32, #tpu.memory_space<vmem>>) dst(%dma_wait3A_346 : memref<128xf32, #tpu.memory_space<vmem_shared>>)
        tpu.yield
      }) : () -> ()
      %mul3A_343 = arith.constant 16 : i32
      %mul3A_344 = arith.muli %arg1, %mul3A_343 : i32
      "tpu.region"() ({
        %run_scoped3A = tpu.sem_alloc : memref<!tpu.dma_semaphore, #tpu.memory_space<semaphore_mem>>
        %dma_start3A = tpu.memref_slice %arg19[%mul3A_344] : memref<256xf32, #tpu.memory_space<vmem_shared>> -> memref<16xf32, #tpu.memory_space<vmem_shared>>
        %dma_start3A_345 = tpu.memref_slice %arg19[%mul3A_344] : memref<256xf32, #tpu.memory_space<vmem_shared>> -> memref<16xf32, #tpu.memory_space<vmem_shared>>
        tpu.enqueue_dma source(%arg15 : memref<16xf32, #tpu.memory_space<vmem>>) target(%dma_start3A_345 : memref<16xf32, #tpu.memory_space<vmem_shared>>) target_semaphore(%run_scoped3A : memref<!tpu.dma_semaphore, #tpu.memory_space<semaphore_mem>>)
        %dma_wait3A = tpu.memref_slice %arg19[%mul3A_344] : memref<256xf32, #tpu.memory_space<vmem_shared>> -> memref<16xf32, #tpu.memory_space<vmem_shared>>
        %dma_wait3A_346 = tpu.memref_slice %arg19[%mul3A_344] : memref<256xf32, #tpu.memory_space<vmem_shared>> -> memref<16xf32, #tpu.memory_space<vmem_shared>>
        tpu.wait_dma2 semaphore(%run_scoped3A : memref<!tpu.dma_semaphore, #tpu.memory_space<semaphore_mem>>) src(%arg15 : memref<16xf32, #tpu.memory_space<vmem>>) dst(%dma_wait3A_346 : memref<16xf32, #tpu.memory_space<vmem_shared>>)
        tpu.yield
      }) : () -> ()
      tpu.wait_dma2 semaphore(%arg21 : memref<!tpu.dma_semaphore, #tpu.memory_space<semaphore_mem>>) src(%arg4 : memref<7040xf32, #tpu.memory_space<hbm>>) dst(%arg9 : memref<7040xf32, #tpu.memory_space<vmem>>)
    } else {
    }
    %barrier3A = arith.constant 0 : index
    tpu.barrier barrier_id(%barrier3A)
    %eq3A_5 = arith.constant 0 : i32
    %eq3A_6 = arith.cmpi eq, %arg0, %eq3A_5 : i32
    %convert_element_type3A_7 = arith.extui %eq3A_6 : i1 to i32
    %cond3A_8 = arith.constant 0 : i32
    %cond3A_9 = arith.cmpi ne, %convert_element_type3A_7, %cond3A_8 : i32
    scf.if %cond3A_9 {
      "tpu.region"() ({
        %run_scoped3A = tpu.sem_alloc : memref<!tpu.dma_semaphore, #tpu.memory_space<semaphore_mem>>
        tpu.enqueue_dma source(%arg18 : memref<2048xf32, #tpu.memory_space<vmem_shared>>) target(%arg12 : memref<2048xf32, #tpu.memory_space<vmem>>) target_semaphore(%run_scoped3A : memref<!tpu.dma_semaphore, #tpu.memory_space<semaphore_mem>>)
        tpu.wait_dma2 semaphore(%run_scoped3A : memref<!tpu.dma_semaphore, #tpu.memory_space<semaphore_mem>>) src(%arg18 : memref<2048xf32, #tpu.memory_space<vmem_shared>>) dst(%arg12 : memref<2048xf32, #tpu.memory_space<vmem>>)
        tpu.yield
      }) : () -> ()
      %get3A = arith.constant 0 : index
      %get3A_18 = tpu.vector_load %arg12[%get3A] {strides = array<i32>} : memref<2048xf32, #tpu.memory_space<vmem>>, vector<16xf32>,
      %add3A = arith.addf %broadcast_in_dim3A_0, %get3A_18 : vector<16xf32>
      %get3A_19 = arith.constant 128 : index
      %get3A_20 = tpu.vector_load %arg12[%get3A_19] {strides = array<i32>} : memref<2048xf32, #tpu.memory_space<vmem>>, vector<16xf32>,
      %add3A_21 = arith.addf %add3A, %get3A_20 : vector<16xf32>
      %get3A_22 = arith.constant 256 : index
      %get3A_23 = tpu.vector_load %arg12[%get3A_22] {strides = array<i32>} : memref<2048xf32, #tpu.memory_space<vmem>>, vector<16xf32>,
      %add3A_24 = arith.addf %add3A_21, %get3A_23 : vector<16xf32>
      %get3A_25 = arith.constant 384 : index
      %get3A_26 = tpu.vector_load %arg12[%get3A_25] {strides = array<i32>} : memref<2048xf32, #tpu.memory_space<vmem>>, vector<16xf32>,
      %add3A_27 = arith.addf %add3A_24, %get3A_26 : vector<16xf32>
      %get3A_28 = arith.constant 512 : index
      %get3A_29 = tpu.vector_load %arg12[%get3A_28] {strides = array<i32>} : memref<2048xf32, #tpu.memory_space<vmem>>, vector<16xf32>,
      %add3A_30 = arith.addf %add3A_27, %get3A_29 : vector<16xf32>
      %get3A_31 = arith.constant 640 : index
      %get3A_32 = tpu.vector_load %arg12[%get3A_31] {strides = array<i32>} : memref<2048xf32, #tpu.memory_space<vmem>>, vector<16xf32>,
      %add3A_33 = arith.addf %add3A_30, %get3A_32 : vector<16xf32>
      %get3A_34 = arith.constant 768 : index
      %get3A_35 = tpu.vector_load %arg12[%get3A_34] {strides = array<i32>} : memref<2048xf32, #tpu.memory_space<vmem>>, vector<16xf32>,
      %add3A_36 = arith.addf %add3A_33, %get3A_35 : vector<16xf32>
      %get3A_37 = arith.constant 896 : index
      %get3A_38 = tpu.vector_load %arg12[%get3A_37] {strides = array<i32>} : memref<2048xf32, #tpu.memory_space<vmem>>, vector<16xf32>,
      %add3A_39 = arith.addf %add3A_36, %get3A_38 : vector<16xf32>
      %get3A_40 = arith.constant 1024 : index
      %get3A_41 = tpu.vector_load %arg12[%get3A_40] {strides = array<i32>} : memref<2048xf32, #tpu.memory_space<vmem>>, vector<16xf32>,
      %add3A_42 = arith.addf %add3A_39, %get3A_41 : vector<16xf32>
      %get3A_43 = arith.constant 1152 : index
      %get3A_44 = tpu.vector_load %arg12[%get3A_43] {strides = array<i32>} : memref<2048xf32, #tpu.memory_space<vmem>>, vector<16xf32>,
      %add3A_45 = arith.addf %add3A_42, %get3A_44 : vector<16xf32>
      %get3A_46 = arith.constant 1280 : index
      %get3A_47 = tpu.vector_load %arg12[%get3A_46] {strides = array<i32>} : memref<2048xf32, #tpu.memory_space<vmem>>, vector<16xf32>,
      %add3A_48 = arith.addf %add3A_45, %get3A_47 : vector<16xf32>
      %get3A_49 = arith.constant 1408 : index
      %get3A_50 = tpu.vector_load %arg12[%get3A_49] {strides = array<i32>} : memref<2048xf32, #tpu.memory_space<vmem>>, vector<16xf32>,
      %add3A_51 = arith.addf %add3A_48, %get3A_50 : vector<16xf32>
      %get3A_52 = arith.constant 1536 : index
      %get3A_53 = tpu.vector_load %arg12[%get3A_52] {strides = array<i32>} : memref<2048xf32, #tpu.memory_space<vmem>>, vector<16xf32>,
      %add3A_54 = arith.addf %add3A_51, %get3A_53 : vector<16xf32>
      %get3A_55 = arith.constant 1664 : index
      %get3A_56 = tpu.vector_load %arg12[%get3A_55] {strides = array<i32>} : memref<2048xf32, #tpu.memory_space<vmem>>, vector<16xf32>,
      %add3A_57 = arith.addf %add3A_54, %get3A_56 : vector<16xf32>
      %get3A_58 = arith.constant 1792 : index
      %get3A_59 = tpu.vector_load %arg12[%get3A_58] {strides = array<i32>} : memref<2048xf32, #tpu.memory_space<vmem>>, vector<16xf32>,
      %add3A_60 = arith.addf %add3A_57, %get3A_59 : vector<16xf32>
      %get3A_61 = arith.constant 1920 : index
      %get3A_62 = tpu.vector_load %arg12[%get3A_61] {strides = array<i32>} : memref<2048xf32, #tpu.memory_space<vmem>>, vector<16xf32>,
      %add3A_63 = arith.addf %add3A_60, %get3A_62 : vector<16xf32>
      %swap3A = arith.constant 0 : index
      %swap3A_64 = tpu.vector_load %arg11[%swap3A] {strides = array<i32>} : memref<128xf32, #tpu.memory_space<vmem>>, vector<16xf32>,
      tpu.vector_store %arg11[%swap3A], %add3A_63 {strides = array<i32>} : memref<128xf32, #tpu.memory_space<vmem>>, vector<16xf32>,
      %get3A_65 = arith.constant 16 : index
      %get3A_66 = tpu.vector_load %arg12[%get3A_65] {strides = array<i32>} : memref<2048xf32, #tpu.memory_space<vmem>>, vector<16xf32>,
      %add3A_67 = arith.addf %broadcast_in_dim3A_0, %get3A_66 : vector<16xf32>
      %get3A_68 = arith.constant 144 : index
      %get3A_69 = tpu.vector_load %arg12[%get3A_68] {strides = array<i32>} : memref<2048xf32, #tpu.memory_space<vmem>>, vector<16xf32>,
      %add3A_70 = arith.addf %add3A_67, %get3A_69 : vector<16xf32>
      %get3A_71 = arith.constant 272 : index
      %get3A_72 = tpu.vector_load %arg12[%get3A_71] {strides = array<i32>} : memref<2048xf32, #tpu.memory_space<vmem>>, vector<16xf32>,
      %add3A_73 = arith.addf %add3A_70, %get3A_72 : vector<16xf32>
      %get3A_74 = arith.constant 400 : index
      %get3A_75 = tpu.vector_load %arg12[%get3A_74] {strides = array<i32>} : memref<2048xf32, #tpu.memory_space<vmem>>, vector<16xf32>,
      %add3A_76 = arith.addf %add3A_73, %get3A_75 : vector<16xf32>
      %get3A_77 = arith.constant 528 : index
      %get3A_78 = tpu.vector_load %arg12[%get3A_77] {strides = array<i32>} : memref<2048xf32, #tpu.memory_space<vmem>>, vector<16xf32>,
      %add3A_79 = arith.addf %add3A_76, %get3A_78 : vector<16xf32>
      %get3A_80 = arith.constant 656 : index
      %get3A_81 = tpu.vector_load %arg12[%get3A_80] {strides = array<i32>} : memref<2048xf32, #tpu.memory_space<vmem>>, vector<16xf32>,
      %add3A_82 = arith.addf %add3A_79, %get3A_81 : vector<16xf32>
      %get3A_83 = arith.constant 784 : index
      %get3A_84 = tpu.vector_load %arg12[%get3A_83] {strides = array<i32>} : memref<2048xf32, #tpu.memory_space<vmem>>, vector<16xf32>,
      %add3A_85 = arith.addf %add3A_82, %get3A_84 : vector<16xf32>
      %get3A_86 = arith.constant 912 : index
      %get3A_87 = tpu.vector_load %arg12[%get3A_86] {strides = array<i32>} : memref<2048xf32, #tpu.memory_space<vmem>>, vector<16xf32>,
      %add3A_88 = arith.addf %add3A_85, %get3A_87 : vector<16xf32>
      %get3A_89 = arith.constant 1040 : index
      %get3A_90 = tpu.vector_load %arg12[%get3A_89] {strides = array<i32>} : memref<2048xf32, #tpu.memory_space<vmem>>, vector<16xf32>,
      %add3A_91 = arith.addf %add3A_88, %get3A_90 : vector<16xf32>
      %get3A_92 = arith.constant 1168 : index
      %get3A_93 = tpu.vector_load %arg12[%get3A_92] {strides = array<i32>} : memref<2048xf32, #tpu.memory_space<vmem>>, vector<16xf32>,
      %add3A_94 = arith.addf %add3A_91, %get3A_93 : vector<16xf32>
      %get3A_95 = arith.constant 1296 : index
      %get3A_96 = tpu.vector_load %arg12[%get3A_95] {strides = array<i32>} : memref<2048xf32, #tpu.memory_space<vmem>>, vector<16xf32>,
      %add3A_97 = arith.addf %add3A_94, %get3A_96 : vector<16xf32>
      %get3A_98 = arith.constant 1424 : index
      %get3A_99 = tpu.vector_load %arg12[%get3A_98] {strides = array<i32>} : memref<2048xf32, #tpu.memory_space<vmem>>, vector<16xf32>,
      %add3A_100 = arith.addf %add3A_97, %get3A_99 : vector<16xf32>
      %get3A_101 = arith.constant 1552 : index
      %get3A_102 = tpu.vector_load %arg12[%get3A_101] {strides = array<i32>} : memref<2048xf32, #tpu.memory_space<vmem>>, vector<16xf32>,
      %add3A_103 = arith.addf %add3A_100, %get3A_102 : vector<16xf32>
      %get3A_104 = arith.constant 1680 : index
      %get3A_105 = tpu.vector_load %arg12[%get3A_104] {strides = array<i32>} : memref<2048xf32, #tpu.memory_space<vmem>>, vector<16xf32>,
      %add3A_106 = arith.addf %add3A_103, %get3A_105 : vector<16xf32>
      %get3A_107 = arith.constant 1808 : index
      %get3A_108 = tpu.vector_load %arg12[%get3A_107] {strides = array<i32>} : memref<2048xf32, #tpu.memory_space<vmem>>, vector<16xf32>,
      %add3A_109 = arith.addf %add3A_106, %get3A_108 : vector<16xf32>
      %get3A_110 = arith.constant 1936 : index
      %get3A_111 = tpu.vector_load %arg12[%get3A_110] {strides = array<i32>} : memref<2048xf32, #tpu.memory_space<vmem>>, vector<16xf32>,
      %add3A_112 = arith.addf %add3A_109, %get3A_111 : vector<16xf32>
      %swap3A_113 = arith.constant 16 : index
      %swap3A_114 = tpu.vector_load %arg11[%swap3A_113] {strides = array<i32>} : memref<128xf32, #tpu.memory_space<vmem>>, vector<16xf32>,
      tpu.vector_store %arg11[%swap3A_113], %add3A_112 {strides = array<i32>} : memref<128xf32, #tpu.memory_space<vmem>>, vector<16xf32>,
      %get3A_115 = arith.constant 32 : index
      %get3A_116 = tpu.vector_load %arg12[%get3A_115] {strides = array<i32>} : memref<2048xf32, #tpu.memory_space<vmem>>, vector<16xf32>,
      %add3A_117 = arith.addf %broadcast_in_dim3A_0, %get3A_116 : vector<16xf32>
      %get3A_118 = arith.constant 160 : index
      %get3A_119 = tpu.vector_load %arg12[%get3A_118] {strides = array<i32>} : memref<2048xf32, #tpu.memory_space<vmem>>, vector<16xf32>,
      %add3A_120 = arith.addf %add3A_117, %get3A_119 : vector<16xf32>
      %get3A_121 = arith.constant 288 : index
      %get3A_122 = tpu.vector_load %arg12[%get3A_121] {strides = array<i32>} : memref<2048xf32, #tpu.memory_space<vmem>>, vector<16xf32>,
      %add3A_123 = arith.addf %add3A_120, %get3A_122 : vector<16xf32>
      %get3A_124 = arith.constant 416 : index
      %get3A_125 = tpu.vector_load %arg12[%get3A_124] {strides = array<i32>} : memref<2048xf32, #tpu.memory_space<vmem>>, vector<16xf32>,
      %add3A_126 = arith.addf %add3A_123, %get3A_125 : vector<16xf32>
      %get3A_127 = arith.constant 544 : index
      %get3A_128 = tpu.vector_load %arg12[%get3A_127] {strides = array<i32>} : memref<2048xf32, #tpu.memory_space<vmem>>, vector<16xf32>,
      %add3A_129 = arith.addf %add3A_126, %get3A_128 : vector<16xf32>
      %get3A_130 = arith.constant 672 : index
      %get3A_131 = tpu.vector_load %arg12[%get3A_130] {strides = array<i32>} : memref<2048xf32, #tpu.memory_space<vmem>>, vector<16xf32>,
      %add3A_132 = arith.addf %add3A_129, %get3A_131 : vector<16xf32>
      %get3A_133 = arith.constant 800 : index
      %get3A_134 = tpu.vector_load %arg12[%get3A_133] {strides = array<i32>} : memref<2048xf32, #tpu.memory_space<vmem>>, vector<16xf32>,
      %add3A_135 = arith.addf %add3A_132, %get3A_134 : vector<16xf32>
      %get3A_136 = arith.constant 928 : index
      %get3A_137 = tpu.vector_load %arg12[%get3A_136] {strides = array<i32>} : memref<2048xf32, #tpu.memory_space<vmem>>, vector<16xf32>,
      %add3A_138 = arith.addf %add3A_135, %get3A_137 : vector<16xf32>
      %get3A_139 = arith.constant 1056 : index
      %get3A_140 = tpu.vector_load %arg12[%get3A_139] {strides = array<i32>} : memref<2048xf32, #tpu.memory_space<vmem>>, vector<16xf32>,
      %add3A_141 = arith.addf %add3A_138, %get3A_140 : vector<16xf32>
      %get3A_142 = arith.constant 1184 : index
      %get3A_143 = tpu.vector_load %arg12[%get3A_142] {strides = array<i32>} : memref<2048xf32, #tpu.memory_space<vmem>>, vector<16xf32>,
      %add3A_144 = arith.addf %add3A_141, %get3A_143 : vector<16xf32>
      %get3A_145 = arith.constant 1312 : index
      %get3A_146 = tpu.vector_load %arg12[%get3A_145] {strides = array<i32>} : memref<2048xf32, #tpu.memory_space<vmem>>, vector<16xf32>,
      %add3A_147 = arith.addf %add3A_144, %get3A_146 : vector<16xf32>
      %get3A_148 = arith.constant 1440 : index
      %get3A_149 = tpu.vector_load %arg12[%get3A_148] {strides = array<i32>} : memref<2048xf32, #tpu.memory_space<vmem>>, vector<16xf32>,
      %add3A_150 = arith.addf %add3A_147, %get3A_149 : vector<16xf32>
      %get3A_151 = arith.constant 1568 : index
      %get3A_152 = tpu.vector_load %arg12[%get3A_151] {strides = array<i32>} : memref<2048xf32, #tpu.memory_space<vmem>>, vector<16xf32>,
      %add3A_153 = arith.addf %add3A_150, %get3A_152 : vector<16xf32>
      %get3A_154 = arith.constant 1696 : index
      %get3A_155 = tpu.vector_load %arg12[%get3A_154] {strides = array<i32>} : memref<2048xf32, #tpu.memory_space<vmem>>, vector<16xf32>,
      %add3A_156 = arith.addf %add3A_153, %get3A_155 : vector<16xf32>
      %get3A_157 = arith.constant 1824 : index
      %get3A_158 = tpu.vector_load %arg12[%get3A_157] {strides = array<i32>} : memref<2048xf32, #tpu.memory_space<vmem>>, vector<16xf32>,
      %add3A_159 = arith.addf %add3A_156, %get3A_158 : vector<16xf32>
      %get3A_160 = arith.constant 1952 : index
      %get3A_161 = tpu.vector_load %arg12[%get3A_160] {strides = array<i32>} : memref<2048xf32, #tpu.memory_space<vmem>>, vector<16xf32>,
      %add3A_162 = arith.addf %add3A_159, %get3A_161 : vector<16xf32>
      %swap3A_163 = arith.constant 32 : index
      %swap3A_164 = tpu.vector_load %arg11[%swap3A_163] {strides = array<i32>} : memref<128xf32, #tpu.memory_space<vmem>>, vector<16xf32>,
      tpu.vector_store %arg11[%swap3A_163], %add3A_162 {strides = array<i32>} : memref<128xf32, #tpu.memory_space<vmem>>, vector<16xf32>,
      %get3A_165 = arith.constant 48 : index
      %get3A_166 = tpu.vector_load %arg12[%get3A_165] {strides = array<i32>} : memref<2048xf32, #tpu.memory_space<vmem>>, vector<16xf32>,
      %add3A_167 = arith.addf %broadcast_in_dim3A_0, %get3A_166 : vector<16xf32>
      %get3A_168 = arith.constant 176 : index
      %get3A_169 = tpu.vector_load %arg12[%get3A_168] {strides = array<i32>} : memref<2048xf32, #tpu.memory_space<vmem>>, vector<16xf32>,
      %add3A_170 = arith.addf %add3A_167, %get3A_169 : vector<16xf32>
      %get3A_171 = arith.constant 304 : index
      %get3A_172 = tpu.vector_load %arg12[%get3A_171] {strides = array<i32>} : memref<2048xf32, #tpu.memory_space<vmem>>, vector<16xf32>,
      %add3A_173 = arith.addf %add3A_170, %get3A_172 : vector<16xf32>
      %get3A_174 = arith.constant 432 : index
      %get3A_175 = tpu.vector_load %arg12[%get3A_174] {strides = array<i32>} : memref<2048xf32, #tpu.memory_space<vmem>>, vector<16xf32>,
      %add3A_176 = arith.addf %add3A_173, %get3A_175 : vector<16xf32>
      %get3A_177 = arith.constant 560 : index
      %get3A_178 = tpu.vector_load %arg12[%get3A_177] {strides = array<i32>} : memref<2048xf32, #tpu.memory_space<vmem>>, vector<16xf32>,
      %add3A_179 = arith.addf %add3A_176, %get3A_178 : vector<16xf32>
      %get3A_180 = arith.constant 688 : index
      %get3A_181 = tpu.vector_load %arg12[%get3A_180] {strides = array<i32>} : memref<2048xf32, #tpu.memory_space<vmem>>, vector<16xf32>,
      %add3A_182 = arith.addf %add3A_179, %get3A_181 : vector<16xf32>
      %get3A_183 = arith.constant 816 : index
      %get3A_184 = tpu.vector_load %arg12[%get3A_183] {strides = array<i32>} : memref<2048xf32, #tpu.memory_space<vmem>>, vector<16xf32>,
      %add3A_185 = arith.addf %add3A_182, %get3A_184 : vector<16xf32>
      %get3A_186 = arith.constant 944 : index
      %get3A_187 = tpu.vector_load %arg12[%get3A_186] {strides = array<i32>} : memref<2048xf32, #tpu.memory_space<vmem>>, vector<16xf32>,
      %add3A_188 = arith.addf %add3A_185, %get3A_187 : vector<16xf32>
      %get3A_189 = arith.constant 1072 : index
      %get3A_190 = tpu.vector_load %arg12[%get3A_189] {strides = array<i32>} : memref<2048xf32, #tpu.memory_space<vmem>>, vector<16xf32>,
      %add3A_191 = arith.addf %add3A_188, %get3A_190 : vector<16xf32>
      %get3A_192 = arith.constant 1200 : index
      %get3A_193 = tpu.vector_load %arg12[%get3A_192] {strides = array<i32>} : memref<2048xf32, #tpu.memory_space<vmem>>, vector<16xf32>,
      %add3A_194 = arith.addf %add3A_191, %get3A_193 : vector<16xf32>
      %get3A_195 = arith.constant 1328 : index
      %get3A_196 = tpu.vector_load %arg12[%get3A_195] {strides = array<i32>} : memref<2048xf32, #tpu.memory_space<vmem>>, vector<16xf32>,
      %add3A_197 = arith.addf %add3A_194, %get3A_196 : vector<16xf32>
      %get3A_198 = arith.constant 1456 : index
      %get3A_199 = tpu.vector_load %arg12[%get3A_198] {strides = array<i32>} : memref<2048xf32, #tpu.memory_space<vmem>>, vector<16xf32>,
      %add3A_200 = arith.addf %add3A_197, %get3A_199 : vector<16xf32>
      %get3A_201 = arith.constant 1584 : index
      %get3A_202 = tpu.vector_load %arg12[%get3A_201] {strides = array<i32>} : memref<2048xf32, #tpu.memory_space<vmem>>, vector<16xf32>,
      %add3A_203 = arith.addf %add3A_200, %get3A_202 : vector<16xf32>
      %get3A_204 = arith.constant 1712 : index
      %get3A_205 = tpu.vector_load %arg12[%get3A_204] {strides = array<i32>} : memref<2048xf32, #tpu.memory_space<vmem>>, vector<16xf32>,
      %add3A_206 = arith.addf %add3A_203, %get3A_205 : vector<16xf32>
      %get3A_207 = arith.constant 1840 : index
      %get3A_208 = tpu.vector_load %arg12[%get3A_207] {strides = array<i32>} : memref<2048xf32, #tpu.memory_space<vmem>>, vector<16xf32>,
      %add3A_209 = arith.addf %add3A_206, %get3A_208 : vector<16xf32>
      %get3A_210 = arith.constant 1968 : index
      %get3A_211 = tpu.vector_load %arg12[%get3A_210] {strides = array<i32>} : memref<2048xf32, #tpu.memory_space<vmem>>, vector<16xf32>,
      %add3A_212 = arith.addf %add3A_209, %get3A_211 : vector<16xf32>
      %swap3A_213 = arith.constant 48 : index
      %swap3A_214 = tpu.vector_load %arg11[%swap3A_213] {strides = array<i32>} : memref<128xf32, #tpu.memory_space<vmem>>, vector<16xf32>,
      tpu.vector_store %arg11[%swap3A_213], %add3A_212 {strides = array<i32>} : memref<128xf32, #tpu.memory_space<vmem>>, vector<16xf32>,
      %get3A_215 = arith.constant 64 : index
      %get3A_216 = tpu.vector_load %arg12[%get3A_215] {strides = array<i32>} : memref<2048xf32, #tpu.memory_space<vmem>>, vector<16xf32>,
      %add3A_217 = arith.addf %broadcast_in_dim3A_0, %get3A_216 : vector<16xf32>
      %get3A_218 = arith.constant 192 : index
      %get3A_219 = tpu.vector_load %arg12[%get3A_218] {strides = array<i32>} : memref<2048xf32, #tpu.memory_space<vmem>>, vector<16xf32>,
      %add3A_220 = arith.addf %add3A_217, %get3A_219 : vector<16xf32>
      %get3A_221 = arith.constant 320 : index
      %get3A_222 = tpu.vector_load %arg12[%get3A_221] {strides = array<i32>} : memref<2048xf32, #tpu.memory_space<vmem>>, vector<16xf32>,
      %add3A_223 = arith.addf %add3A_220, %get3A_222 : vector<16xf32>
      %get3A_224 = arith.constant 448 : index
      %get3A_225 = tpu.vector_load %arg12[%get3A_224] {strides = array<i32>} : memref<2048xf32, #tpu.memory_space<vmem>>, vector<16xf32>,
      %add3A_226 = arith.addf %add3A_223, %get3A_225 : vector<16xf32>
      %get3A_227 = arith.constant 576 : index
      %get3A_228 = tpu.vector_load %arg12[%get3A_227] {strides = array<i32>} : memref<2048xf32, #tpu.memory_space<vmem>>, vector<16xf32>,
      %add3A_229 = arith.addf %add3A_226, %get3A_228 : vector<16xf32>
      %get3A_230 = arith.constant 704 : index
      %get3A_231 = tpu.vector_load %arg12[%get3A_230] {strides = array<i32>} : memref<2048xf32, #tpu.memory_space<vmem>>, vector<16xf32>,
      %add3A_232 = arith.addf %add3A_229, %get3A_231 : vector<16xf32>
      %get3A_233 = arith.constant 832 : index
      %get3A_234 = tpu.vector_load %arg12[%get3A_233] {strides = array<i32>} : memref<2048xf32, #tpu.memory_space<vmem>>, vector<16xf32>,
      %add3A_235 = arith.addf %add3A_232, %get3A_234 : vector<16xf32>
      %get3A_236 = arith.constant 960 : index
      %get3A_237 = tpu.vector_load %arg12[%get3A_236] {strides = array<i32>} : memref<2048xf32, #tpu.memory_space<vmem>>, vector<16xf32>,
      %add3A_238 = arith.addf %add3A_235, %get3A_237 : vector<16xf32>
      %get3A_239 = arith.constant 1088 : index
      %get3A_240 = tpu.vector_load %arg12[%get3A_239] {strides = array<i32>} : memref<2048xf32, #tpu.memory_space<vmem>>, vector<16xf32>,
      %add3A_241 = arith.addf %add3A_238, %get3A_240 : vector<16xf32>
      %get3A_242 = arith.constant 1216 : index
      %get3A_243 = tpu.vector_load %arg12[%get3A_242] {strides = array<i32>} : memref<2048xf32, #tpu.memory_space<vmem>>, vector<16xf32>,
      %add3A_244 = arith.addf %add3A_241, %get3A_243 : vector<16xf32>
      %get3A_245 = arith.constant 1344 : index
      %get3A_246 = tpu.vector_load %arg12[%get3A_245] {strides = array<i32>} : memref<2048xf32, #tpu.memory_space<vmem>>, vector<16xf32>,
      %add3A_247 = arith.addf %add3A_244, %get3A_246 : vector<16xf32>
      %get3A_248 = arith.constant 1472 : index
      %get3A_249 = tpu.vector_load %arg12[%get3A_248] {strides = array<i32>} : memref<2048xf32, #tpu.memory_space<vmem>>, vector<16xf32>,
      %add3A_250 = arith.addf %add3A_247, %get3A_249 : vector<16xf32>
      %get3A_251 = arith.constant 1600 : index
      %get3A_252 = tpu.vector_load %arg12[%get3A_251] {strides = array<i32>} : memref<2048xf32, #tpu.memory_space<vmem>>, vector<16xf32>,
      %add3A_253 = arith.addf %add3A_250, %get3A_252 : vector<16xf32>
      %get3A_254 = arith.constant 1728 : index
      %get3A_255 = tpu.vector_load %arg12[%get3A_254] {strides = array<i32>} : memref<2048xf32, #tpu.memory_space<vmem>>, vector<16xf32>,
      %add3A_256 = arith.addf %add3A_253, %get3A_255 : vector<16xf32>
      %get3A_257 = arith.constant 1856 : index
      %get3A_258 = tpu.vector_load %arg12[%get3A_257] {strides = array<i32>} : memref<2048xf32, #tpu.memory_space<vmem>>, vector<16xf32>,
      %add3A_259 = arith.addf %add3A_256, %get3A_258 : vector<16xf32>
      %get3A_260 = arith.constant 1984 : index
      %get3A_261 = tpu.vector_load %arg12[%get3A_260] {strides = array<i32>} : memref<2048xf32, #tpu.memory_space<vmem>>, vector<16xf32>,
      %add3A_262 = arith.addf %add3A_259, %get3A_261 : vector<16xf32>
      %swap3A_263 = arith.constant 64 : index
      %swap3A_264 = tpu.vector_load %arg11[%swap3A_263] {strides = array<i32>} : memref<128xf32, #tpu.memory_space<vmem>>, vector<16xf32>,
      tpu.vector_store %arg11[%swap3A_263], %add3A_262 {strides = array<i32>} : memref<128xf32, #tpu.memory_space<vmem>>, vector<16xf32>,
      %get3A_265 = arith.constant 80 : index
      %get3A_266 = tpu.vector_load %arg12[%get3A_265] {strides = array<i32>} : memref<2048xf32, #tpu.memory_space<vmem>>, vector<16xf32>,
      %add3A_267 = arith.addf %broadcast_in_dim3A_0, %get3A_266 : vector<16xf32>
      %get3A_268 = arith.constant 208 : index
      %get3A_269 = tpu.vector_load %arg12[%get3A_268] {strides = array<i32>} : memref<2048xf32, #tpu.memory_space<vmem>>, vector<16xf32>,
      %add3A_270 = arith.addf %add3A_267, %get3A_269 : vector<16xf32>
      %get3A_271 = arith.constant 336 : index
      %get3A_272 = tpu.vector_load %arg12[%get3A_271] {strides = array<i32>} : memref<2048xf32, #tpu.memory_space<vmem>>, vector<16xf32>,
      %add3A_273 = arith.addf %add3A_270, %get3A_272 : vector<16xf32>
      %get3A_274 = arith.constant 464 : index
      %get3A_275 = tpu.vector_load %arg12[%get3A_274] {strides = array<i32>} : memref<2048xf32, #tpu.memory_space<vmem>>, vector<16xf32>,
      %add3A_276 = arith.addf %add3A_273, %get3A_275 : vector<16xf32>
      %get3A_277 = arith.constant 592 : index
      %get3A_278 = tpu.vector_load %arg12[%get3A_277] {strides = array<i32>} : memref<2048xf32, #tpu.memory_space<vmem>>, vector<16xf32>,
      %add3A_279 = arith.addf %add3A_276, %get3A_278 : vector<16xf32>
      %get3A_280 = arith.constant 720 : index
      %get3A_281 = tpu.vector_load %arg12[%get3A_280] {strides = array<i32>} : memref<2048xf32, #tpu.memory_space<vmem>>, vector<16xf32>,
      %add3A_282 = arith.addf %add3A_279, %get3A_281 : vector<16xf32>
      %get3A_283 = arith.constant 848 : index
      %get3A_284 = tpu.vector_load %arg12[%get3A_283] {strides = array<i32>} : memref<2048xf32, #tpu.memory_space<vmem>>, vector<16xf32>,
      %add3A_285 = arith.addf %add3A_282, %get3A_284 : vector<16xf32>
      %get3A_286 = arith.constant 976 : index
      %get3A_287 = tpu.vector_load %arg12[%get3A_286] {strides = array<i32>} : memref<2048xf32, #tpu.memory_space<vmem>>, vector<16xf32>,
      %add3A_288 = arith.addf %add3A_285, %get3A_287 : vector<16xf32>
      %get3A_289 = arith.constant 1104 : index
      %get3A_290 = tpu.vector_load %arg12[%get3A_289] {strides = array<i32>} : memref<2048xf32, #tpu.memory_space<vmem>>, vector<16xf32>,
      %add3A_291 = arith.addf %add3A_288, %get3A_290 : vector<16xf32>
      %get3A_292 = arith.constant 1232 : index
      %get3A_293 = tpu.vector_load %arg12[%get3A_292] {strides = array<i32>} : memref<2048xf32, #tpu.memory_space<vmem>>, vector<16xf32>,
      %add3A_294 = arith.addf %add3A_291, %get3A_293 : vector<16xf32>
      %get3A_295 = arith.constant 1360 : index
      %get3A_296 = tpu.vector_load %arg12[%get3A_295] {strides = array<i32>} : memref<2048xf32, #tpu.memory_space<vmem>>, vector<16xf32>,
      %add3A_297 = arith.addf %add3A_294, %get3A_296 : vector<16xf32>
      %get3A_298 = arith.constant 1488 : index
      %get3A_299 = tpu.vector_load %arg12[%get3A_298] {strides = array<i32>} : memref<2048xf32, #tpu.memory_space<vmem>>, vector<16xf32>,
      %add3A_300 = arith.addf %add3A_297, %get3A_299 : vector<16xf32>
      %get3A_301 = arith.constant 1616 : index
      %get3A_302 = tpu.vector_load %arg12[%get3A_301] {strides = array<i32>} : memref<2048xf32, #tpu.memory_space<vmem>>, vector<16xf32>,
      %add3A_303 = arith.addf %add3A_300, %get3A_302 : vector<16xf32>
      %get3A_304 = arith.constant 1744 : index
      %get3A_305 = tpu.vector_load %arg12[%get3A_304] {strides = array<i32>} : memref<2048xf32, #tpu.memory_space<vmem>>, vector<16xf32>,
      %add3A_306 = arith.addf %add3A_303, %get3A_305 : vector<16xf32>
      %get3A_307 = arith.constant 1872 : index
      %get3A_308 = tpu.vector_load %arg12[%get3A_307] {strides = array<i32>} : memref<2048xf32, #tpu.memory_space<vmem>>, vector<16xf32>,
      %add3A_309 = arith.addf %add3A_306, %get3A_308 : vector<16xf32>
      %get3A_310 = arith.constant 2000 : index
      %get3A_311 = tpu.vector_load %arg12[%get3A_310] {strides = array<i32>} : memref<2048xf32, #tpu.memory_space<vmem>>, vector<16xf32>,
      %add3A_312 = arith.addf %add3A_309, %get3A_311 : vector<16xf32>
      %swap3A_313 = arith.constant 80 : index
      %swap3A_314 = tpu.vector_load %arg11[%swap3A_313] {strides = array<i32>} : memref<128xf32, #tpu.memory_space<vmem>>, vector<16xf32>,
      tpu.vector_store %arg11[%swap3A_313], %add3A_312 {strides = array<i32>} : memref<128xf32, #tpu.memory_space<vmem>>, vector<16xf32>,
      %get3A_315 = arith.constant 96 : index
      %get3A_316 = tpu.vector_load %arg12[%get3A_315] {strides = array<i32>} : memref<2048xf32, #tpu.memory_space<vmem>>, vector<16xf32>,
      %add3A_317 = arith.addf %broadcast_in_dim3A_0, %get3A_316 : vector<16xf32>
      %get3A_318 = arith.constant 224 : index
      %get3A_319 = tpu.vector_load %arg12[%get3A_318] {strides = array<i32>} : memref<2048xf32, #tpu.memory_space<vmem>>, vector<16xf32>,
      %add3A_320 = arith.addf %add3A_317, %get3A_319 : vector<16xf32>
      %get3A_321 = arith.constant 352 : index
      %get3A_322 = tpu.vector_load %arg12[%get3A_321] {strides = array<i32>} : memref<2048xf32, #tpu.memory_space<vmem>>, vector<16xf32>,
      %add3A_323 = arith.addf %add3A_320, %get3A_322 : vector<16xf32>
      %get3A_324 = arith.constant 480 : index
      %get3A_325 = tpu.vector_load %arg12[%get3A_324] {strides = array<i32>} : memref<2048xf32, #tpu.memory_space<vmem>>, vector<16xf32>,
      %add3A_326 = arith.addf %add3A_323, %get3A_325 : vector<16xf32>
      %get3A_327 = arith.constant 608 : index
      %get3A_328 = tpu.vector_load %arg12[%get3A_327] {strides = array<i32>} : memref<2048xf32, #tpu.memory_space<vmem>>, vector<16xf32>,
      %add3A_329 = arith.addf %add3A_326, %get3A_328 : vector<16xf32>
      %get3A_330 = arith.constant 736 : index
      %get3A_331 = tpu.vector_load %arg12[%get3A_330] {strides = array<i32>} : memref<2048xf32, #tpu.memory_space<vmem>>, vector<16xf32>,
      %add3A_332 = arith.addf %add3A_329, %get3A_331 : vector<16xf32>
      %get3A_333 = arith.constant 864 : index
      %get3A_334 = tpu.vector_load %arg12[%get3A_333] {strides = array<i32>} : memref<2048xf32, #tpu.memory_space<vmem>>, vector<16xf32>,
      %add3A_335 = arith.addf %add3A_332, %get3A_334 : vector<16xf32>
      %get3A_336 = arith.constant 992 : index
      %get3A_337 = tpu.vector_load %arg12[%get3A_336] {strides = array<i32>} : memref<2048xf32, #tpu.memory_space<vmem>>, vector<16xf32>,
      %add3A_338 = arith.addf %add3A_335, %get3A_337 : vector<16xf32>
      %get3A_339 = arith.constant 1120 : index
      %get3A_340 = tpu.vector_load %arg12[%get3A_339] {strides = array<i32>} : memref<2048xf32, #tpu.memory_space<vmem>>, vector<16xf32>,
      %add3A_341 = arith.addf %add3A_338, %get3A_340 : vector<16xf32>
      %get3A_342 = arith.constant 1248 : index
      %get3A_343 = tpu.vector_load %arg12[%get3A_342] {strides = array<i32>} : memref<2048xf32, #tpu.memory_space<vmem>>, vector<16xf32>,
      %add3A_344 = arith.addf %add3A_341, %get3A_343 : vector<16xf32>
      %get3A_345 = arith.constant 1376 : index
      %get3A_346 = tpu.vector_load %arg12[%get3A_345] {strides = array<i32>} : memref<2048xf32, #tpu.memory_space<vmem>>, vector<16xf32>,
      %add3A_347 = arith.addf %add3A_344, %get3A_346 : vector<16xf32>
      %get3A_348 = arith.constant 1504 : index
      %get3A_349 = tpu.vector_load %arg12[%get3A_348] {strides = array<i32>} : memref<2048xf32, #tpu.memory_space<vmem>>, vector<16xf32>,
      %add3A_350 = arith.addf %add3A_347, %get3A_349 : vector<16xf32>
      %get3A_351 = arith.constant 1632 : index
      %get3A_352 = tpu.vector_load %arg12[%get3A_351] {strides = array<i32>} : memref<2048xf32, #tpu.memory_space<vmem>>, vector<16xf32>,
      %add3A_353 = arith.addf %add3A_350, %get3A_352 : vector<16xf32>
      %get3A_354 = arith.constant 1760 : index
      %get3A_355 = tpu.vector_load %arg12[%get3A_354] {strides = array<i32>} : memref<2048xf32, #tpu.memory_space<vmem>>, vector<16xf32>,
      %add3A_356 = arith.addf %add3A_353, %get3A_355 : vector<16xf32>
      %get3A_357 = arith.constant 1888 : index
      %get3A_358 = tpu.vector_load %arg12[%get3A_357] {strides = array<i32>} : memref<2048xf32, #tpu.memory_space<vmem>>, vector<16xf32>,
      %add3A_359 = arith.addf %add3A_356, %get3A_358 : vector<16xf32>
      %get3A_360 = arith.constant 2016 : index
      %get3A_361 = tpu.vector_load %arg12[%get3A_360] {strides = array<i32>} : memref<2048xf32, #tpu.memory_space<vmem>>, vector<16xf32>,
      %add3A_362 = arith.addf %add3A_359, %get3A_361 : vector<16xf32>
      %swap3A_363 = arith.constant 96 : index
      %swap3A_364 = tpu.vector_load %arg11[%swap3A_363] {strides = array<i32>} : memref<128xf32, #tpu.memory_space<vmem>>, vector<16xf32>,
      tpu.vector_store %arg11[%swap3A_363], %add3A_362 {strides = array<i32>} : memref<128xf32, #tpu.memory_space<vmem>>, vector<16xf32>,
      %get3A_365 = arith.constant 112 : index
      %get3A_366 = tpu.vector_load %arg12[%get3A_365] {strides = array<i32>} : memref<2048xf32, #tpu.memory_space<vmem>>, vector<16xf32>,
      %add3A_367 = arith.addf %broadcast_in_dim3A_0, %get3A_366 : vector<16xf32>
      %get3A_368 = arith.constant 240 : index
      %get3A_369 = tpu.vector_load %arg12[%get3A_368] {strides = array<i32>} : memref<2048xf32, #tpu.memory_space<vmem>>, vector<16xf32>,
      %add3A_370 = arith.addf %add3A_367, %get3A_369 : vector<16xf32>
      %get3A_371 = arith.constant 368 : index
      %get3A_372 = tpu.vector_load %arg12[%get3A_371] {strides = array<i32>} : memref<2048xf32, #tpu.memory_space<vmem>>, vector<16xf32>,
      %add3A_373 = arith.addf %add3A_370, %get3A_372 : vector<16xf32>
      %get3A_374 = arith.constant 496 : index
      %get3A_375 = tpu.vector_load %arg12[%get3A_374] {strides = array<i32>} : memref<2048xf32, #tpu.memory_space<vmem>>, vector<16xf32>,
      %add3A_376 = arith.addf %add3A_373, %get3A_375 : vector<16xf32>
      %get3A_377 = arith.constant 624 : index
      %get3A_378 = tpu.vector_load %arg12[%get3A_377] {strides = array<i32>} : memref<2048xf32, #tpu.memory_space<vmem>>, vector<16xf32>,
      %add3A_379 = arith.addf %add3A_376, %get3A_378 : vector<16xf32>
      %get3A_380 = arith.constant 752 : index
      %get3A_381 = tpu.vector_load %arg12[%get3A_380] {strides = array<i32>} : memref<2048xf32, #tpu.memory_space<vmem>>, vector<16xf32>,
      %add3A_382 = arith.addf %add3A_379, %get3A_381 : vector<16xf32>
      %get3A_383 = arith.constant 880 : index
      %get3A_384 = tpu.vector_load %arg12[%get3A_383] {strides = array<i32>} : memref<2048xf32, #tpu.memory_space<vmem>>, vector<16xf32>,
      %add3A_385 = arith.addf %add3A_382, %get3A_384 : vector<16xf32>
      %get3A_386 = arith.constant 1008 : index
      %get3A_387 = tpu.vector_load %arg12[%get3A_386] {strides = array<i32>} : memref<2048xf32, #tpu.memory_space<vmem>>, vector<16xf32>,
      %add3A_388 = arith.addf %add3A_385, %get3A_387 : vector<16xf32>
      %get3A_389 = arith.constant 1136 : index
      %get3A_390 = tpu.vector_load %arg12[%get3A_389] {strides = array<i32>} : memref<2048xf32, #tpu.memory_space<vmem>>, vector<16xf32>,
      %add3A_391 = arith.addf %add3A_388, %get3A_390 : vector<16xf32>
      %get3A_392 = arith.constant 1264 : index
      %get3A_393 = tpu.vector_load %arg12[%get3A_392] {strides = array<i32>} : memref<2048xf32, #tpu.memory_space<vmem>>, vector<16xf32>,
      %add3A_394 = arith.addf %add3A_391, %get3A_393 : vector<16xf32>
      %get3A_395 = arith.constant 1392 : index
      %get3A_396 = tpu.vector_load %arg12[%get3A_395] {strides = array<i32>} : memref<2048xf32, #tpu.memory_space<vmem>>, vector<16xf32>,
      %add3A_397 = arith.addf %add3A_394, %get3A_396 : vector<16xf32>
      %get3A_398 = arith.constant 1520 : index
      %get3A_399 = tpu.vector_load %arg12[%get3A_398] {strides = array<i32>} : memref<2048xf32, #tpu.memory_space<vmem>>, vector<16xf32>,
      %add3A_400 = arith.addf %add3A_397, %get3A_399 : vector<16xf32>
      %get3A_401 = arith.constant 1648 : index
      %get3A_402 = tpu.vector_load %arg12[%get3A_401] {strides = array<i32>} : memref<2048xf32, #tpu.memory_space<vmem>>, vector<16xf32>,
      %add3A_403 = arith.addf %add3A_400, %get3A_402 : vector<16xf32>
      %get3A_404 = arith.constant 1776 : index
      %get3A_405 = tpu.vector_load %arg12[%get3A_404] {strides = array<i32>} : memref<2048xf32, #tpu.memory_space<vmem>>, vector<16xf32>,
      %add3A_406 = arith.addf %add3A_403, %get3A_405 : vector<16xf32>
      %get3A_407 = arith.constant 1904 : index
      %get3A_408 = tpu.vector_load %arg12[%get3A_407] {strides = array<i32>} : memref<2048xf32, #tpu.memory_space<vmem>>, vector<16xf32>,
      %add3A_409 = arith.addf %add3A_406, %get3A_408 : vector<16xf32>
      %get3A_410 = arith.constant 2032 : index
      %get3A_411 = tpu.vector_load %arg12[%get3A_410] {strides = array<i32>} : memref<2048xf32, #tpu.memory_space<vmem>>, vector<16xf32>,
      %add3A_412 = arith.addf %add3A_409, %get3A_411 : vector<16xf32>
      %swap3A_413 = arith.constant 112 : index
      %swap3A_414 = tpu.vector_load %arg11[%swap3A_413] {strides = array<i32>} : memref<128xf32, #tpu.memory_space<vmem>>, vector<16xf32>,
      tpu.vector_store %arg11[%swap3A_413], %add3A_412 {strides = array<i32>} : memref<128xf32, #tpu.memory_space<vmem>>, vector<16xf32>,
      %add3A_415 = arith.constant 0 : i32
      %add3A_416 = arith.addi %arg1, %add3A_415 : i32
      %add3A_417 = arith.constant 1 : i32
      %add3A_418 = arith.addi %add3A_416, %add3A_417 : i32
      %mul3A = arith.muli %add3A_416, %add3A_418 : i32
      %jit3A = arith.constant 2 : i32
      %div3A = arith.divsi %mul3A, %jit3A : i32
      %sign3A = arith.constant 0 : i32
      %sign3A_419 = arith.cmpi sgt, %mul3A, %sign3A : i32
      %sign3A_420 = arith.extui %sign3A_419 : i1 to i32
      %sign3A_421 = arith.constant 0 : i32
      %sign3A_422 = arith.cmpi slt, %mul3A, %sign3A_421 : i32
      %sign3A_423 = arith.extui %sign3A_422 : i1 to i32
      %sign3A_424 = arith.subi %sign3A_420, %sign3A_423 : i32
      %sign3A_425 = arith.constant 0 : i32
      %sign3A_426 = arith.cmpi sgt, %jit3A, %sign3A_425 : i32
      %sign3A_427 = arith.extui %sign3A_426 : i1 to i32
      %sign3A_428 = arith.constant 0 : i32
      %sign3A_429 = arith.cmpi slt, %jit3A, %sign3A_428 : i32
      %sign3A_430 = arith.extui %sign3A_429 : i1 to i32
      %sign3A_431 = arith.subi %sign3A_427, %sign3A_430 : i32
      %ne3A = arith.cmpi ne, %sign3A_424, %sign3A_431 : i32
      %rem3A = arith.remsi %mul3A, %jit3A : i32
      %ne3A_432 = arith.constant 0 : i32
      %ne3A_433 = arith.cmpi ne, %rem3A, %ne3A_432 : i32
      %and3A_434 = arith.andi %ne3A, %ne3A_433 : i1
      %sub3A = arith.constant 1 : i32
      %sub3A_435 = arith.subi %div3A, %sub3A : i32
      %select_n3A = arith.select %and3A_434, %sub3A_435, %div3A : i32
      %add3A_436 = arith.constant 0 : i32
      %add3A_437 = arith.addi %select_n3A, %add3A_436 : i32
      %add3A_438 = vector.broadcast %add3A_437 : i32 to vector<16xi32>
      %add3A_439 = arith.addi %add3A_438, %iota3A : vector<16xi32>
      %min3A = arith.constant 7039 : i32
      %min3A_440 = vector.broadcast %min3A : i32 to vector<16xi32>
      %min3A_441 = arith.minsi %add3A_439, %min3A_440 : vector<16xi32>
      %gather3A = tpu.vector_load_idx %arg9[%min3A_441] : memref<7040xf32, #tpu.memory_space<vmem>>[vector<16xi32>], vector<16xf32>,
      %get3A_442 = arith.constant 0 : index
      %get3A_443 = tpu.vector_load %arg11[%get3A_442] {strides = array<i32>} : memref<128xf32, #tpu.memory_space<vmem>>, vector<16xf32>,
      %mul3A_444 = arith.mulf %gather3A, %get3A_443 : vector<16xf32>
      %add3A_445 = arith.addf %broadcast_in_dim3A_0, %mul3A_444 : vector<16xf32>
      %add3A_446 = arith.constant 16 : i32
      %add3A_447 = arith.addi %select_n3A, %add3A_446 : i32
      %add3A_448 = vector.broadcast %add3A_447 : i32 to vector<16xi32>
      %add3A_449 = arith.addi %add3A_448, %iota3A : vector<16xi32>
      %min3A_450 = arith.constant 7039 : i32
      %min3A_451 = vector.broadcast %min3A_450 : i32 to vector<16xi32>
      %min3A_452 = arith.minsi %add3A_449, %min3A_451 : vector<16xi32>
      %gather3A_453 = tpu.vector_load_idx %arg9[%min3A_452] : memref<7040xf32, #tpu.memory_space<vmem>>[vector<16xi32>], vector<16xf32>,
      %get3A_454 = arith.constant 16 : index
      %get3A_455 = tpu.vector_load %arg11[%get3A_454] {strides = array<i32>} : memref<128xf32, #tpu.memory_space<vmem>>, vector<16xf32>,
      %mul3A_456 = arith.mulf %gather3A_453, %get3A_455 : vector<16xf32>
      %add3A_457 = arith.addf %add3A_445, %mul3A_456 : vector<16xf32>
      %add3A_458 = arith.constant 32 : i32
      %add3A_459 = arith.addi %select_n3A, %add3A_458 : i32
      %add3A_460 = vector.broadcast %add3A_459 : i32 to vector<16xi32>
      %add3A_461 = arith.addi %add3A_460, %iota3A : vector<16xi32>
      %min3A_462 = arith.constant 7039 : i32
      %min3A_463 = vector.broadcast %min3A_462 : i32 to vector<16xi32>
      %min3A_464 = arith.minsi %add3A_461, %min3A_463 : vector<16xi32>
      %gather3A_465 = tpu.vector_load_idx %arg9[%min3A_464] : memref<7040xf32, #tpu.memory_space<vmem>>[vector<16xi32>], vector<16xf32>,
      %get3A_466 = arith.constant 32 : index
      %get3A_467 = tpu.vector_load %arg11[%get3A_466] {strides = array<i32>} : memref<128xf32, #tpu.memory_space<vmem>>, vector<16xf32>,
      %mul3A_468 = arith.mulf %gather3A_465, %get3A_467 : vector<16xf32>
      %add3A_469 = arith.addf %add3A_457, %mul3A_468 : vector<16xf32>
      %add3A_470 = arith.constant 48 : i32
      %add3A_471 = arith.addi %select_n3A, %add3A_470 : i32
      %add3A_472 = vector.broadcast %add3A_471 : i32 to vector<16xi32>
      %add3A_473 = arith.addi %add3A_472, %iota3A : vector<16xi32>
      %min3A_474 = arith.constant 7039 : i32
      %min3A_475 = vector.broadcast %min3A_474 : i32 to vector<16xi32>
      %min3A_476 = arith.minsi %add3A_473, %min3A_475 : vector<16xi32>
      %gather3A_477 = tpu.vector_load_idx %arg9[%min3A_476] : memref<7040xf32, #tpu.memory_space<vmem>>[vector<16xi32>], vector<16xf32>,
      %get3A_478 = arith.constant 48 : index
      %get3A_479 = tpu.vector_load %arg11[%get3A_478] {strides = array<i32>} : memref<128xf32, #tpu.memory_space<vmem>>, vector<16xf32>,
      %mul3A_480 = arith.mulf %gather3A_477, %get3A_479 : vector<16xf32>
      %add3A_481 = arith.addf %add3A_469, %mul3A_480 : vector<16xf32>
      %add3A_482 = arith.constant 64 : i32
      %add3A_483 = arith.addi %select_n3A, %add3A_482 : i32
      %add3A_484 = vector.broadcast %add3A_483 : i32 to vector<16xi32>
      %add3A_485 = arith.addi %add3A_484, %iota3A : vector<16xi32>
      %min3A_486 = arith.constant 7039 : i32
      %min3A_487 = vector.broadcast %min3A_486 : i32 to vector<16xi32>
      %min3A_488 = arith.minsi %add3A_485, %min3A_487 : vector<16xi32>
      %gather3A_489 = tpu.vector_load_idx %arg9[%min3A_488] : memref<7040xf32, #tpu.memory_space<vmem>>[vector<16xi32>], vector<16xf32>,
      %get3A_490 = arith.constant 64 : index
      %get3A_491 = tpu.vector_load %arg11[%get3A_490] {strides = array<i32>} : memref<128xf32, #tpu.memory_space<vmem>>, vector<16xf32>,
      %mul3A_492 = arith.mulf %gather3A_489, %get3A_491 : vector<16xf32>
      %add3A_493 = arith.addf %add3A_481, %mul3A_492 : vector<16xf32>
      %add3A_494 = arith.constant 80 : i32
      %add3A_495 = arith.addi %select_n3A, %add3A_494 : i32
      %add3A_496 = vector.broadcast %add3A_495 : i32 to vector<16xi32>
      %add3A_497 = arith.addi %add3A_496, %iota3A : vector<16xi32>
      %min3A_498 = arith.constant 7039 : i32
      %min3A_499 = vector.broadcast %min3A_498 : i32 to vector<16xi32>
      %min3A_500 = arith.minsi %add3A_497, %min3A_499 : vector<16xi32>
      %gather3A_501 = tpu.vector_load_idx %arg9[%min3A_500] : memref<7040xf32, #tpu.memory_space<vmem>>[vector<16xi32>], vector<16xf32>,
      %get3A_502 = arith.constant 80 : index
      %get3A_503 = tpu.vector_load %arg11[%get3A_502] {strides = array<i32>} : memref<128xf32, #tpu.memory_space<vmem>>, vector<16xf32>,
      %mul3A_504 = arith.mulf %gather3A_501, %get3A_503 : vector<16xf32>
      %add3A_505 = arith.addf %add3A_493, %mul3A_504 : vector<16xf32>
      %add3A_506 = arith.constant 96 : i32
      %add3A_507 = arith.addi %select_n3A, %add3A_506 : i32
      %add3A_508 = vector.broadcast %add3A_507 : i32 to vector<16xi32>
      %add3A_509 = arith.addi %add3A_508, %iota3A : vector<16xi32>
      %min3A_510 = arith.constant 7039 : i32
      %min3A_511 = vector.broadcast %min3A_510 : i32 to vector<16xi32>
      %min3A_512 = arith.minsi %add3A_509, %min3A_511 : vector<16xi32>
      %gather3A_513 = tpu.vector_load_idx %arg9[%min3A_512] : memref<7040xf32, #tpu.memory_space<vmem>>[vector<16xi32>], vector<16xf32>,
      %get3A_514 = arith.constant 96 : index
      %get3A_515 = tpu.vector_load %arg11[%get3A_514] {strides = array<i32>} : memref<128xf32, #tpu.memory_space<vmem>>, vector<16xf32>,
      %mul3A_516 = arith.mulf %gather3A_513, %get3A_515 : vector<16xf32>
      %add3A_517 = arith.addf %add3A_505, %mul3A_516 : vector<16xf32>
      %add3A_518 = arith.constant 112 : i32
      %add3A_519 = arith.addi %select_n3A, %add3A_518 : i32
      %add3A_520 = vector.broadcast %add3A_519 : i32 to vector<16xi32>
      %add3A_521 = arith.addi %add3A_520, %iota3A : vector<16xi32>
      %min3A_522 = arith.constant 7039 : i32
      %min3A_523 = vector.broadcast %min3A_522 : i32 to vector<16xi32>
      %min3A_524 = arith.minsi %add3A_521, %min3A_523 : vector<16xi32>
      %gather3A_525 = tpu.vector_load_idx %arg9[%min3A_524] : memref<7040xf32, #tpu.memory_space<vmem>>[vector<16xi32>], vector<16xf32>,
      %get3A_526 = arith.constant 112 : index
      %get3A_527 = tpu.vector_load %arg11[%get3A_526] {strides = array<i32>} : memref<128xf32, #tpu.memory_space<vmem>>, vector<16xf32>,
      %mul3A_528 = arith.mulf %gather3A_525, %get3A_527 : vector<16xf32>
      %add3A_529 = arith.addf %add3A_517, %mul3A_528 : vector<16xf32>
      %broadcast_in_dim3A_530 = arith.constant 0 : i32
      %broadcast_in_dim3A_531 = vector.broadcast %broadcast_in_dim3A_530 : i32 to vector<16xi32>
      %add3A_532 = vector.broadcast %add3A_416 : i32 to vector<16xi32>
      %add3A_533 = arith.addi %broadcast_in_dim3A_531, %add3A_532 : vector<16xi32>
      %gather3A_534 = tpu.vector_load_idx %arg11[%add3A_533] : memref<128xf32, #tpu.memory_space<vmem>>[vector<16xi32>], vector<16xf32>,
      %mul3A_535 = arith.mulf %gather3A_534, %add3A_529 : vector<16xf32>
      %add3A_536 = arith.addf %broadcast_in_dim3A_0, %mul3A_535 : vector<16xf32>
      %add3A_537 = arith.constant 16 : i32
      %add3A_538 = arith.addi %arg1, %add3A_537 : i32
      %add3A_539 = arith.constant 1 : i32
      %add3A_540 = arith.addi %add3A_538, %add3A_539 : i32
      %mul3A_541 = arith.muli %add3A_538, %add3A_540 : i32
      %jit3A_542 = arith.constant 2 : i32
      %div3A_543 = arith.divsi %mul3A_541, %jit3A_542 : i32
      %sign3A_544 = arith.constant 0 : i32
      %sign3A_545 = arith.cmpi sgt, %mul3A_541, %sign3A_544 : i32
      %sign3A_546 = arith.extui %sign3A_545 : i1 to i32
      %sign3A_547 = arith.constant 0 : i32
      %sign3A_548 = arith.cmpi slt, %mul3A_541, %sign3A_547 : i32
      %sign3A_549 = arith.extui %sign3A_548 : i1 to i32
      %sign3A_550 = arith.subi %sign3A_546, %sign3A_549 : i32
      %sign3A_551 = arith.constant 0 : i32
      %sign3A_552 = arith.cmpi sgt, %jit3A_542, %sign3A_551 : i32
      %sign3A_553 = arith.extui %sign3A_552 : i1 to i32
      %sign3A_554 = arith.constant 0 : i32
      %sign3A_555 = arith.cmpi slt, %jit3A_542, %sign3A_554 : i32
      %sign3A_556 = arith.extui %sign3A_555 : i1 to i32
      %sign3A_557 = arith.subi %sign3A_553, %sign3A_556 : i32
      %ne3A_558 = arith.cmpi ne, %sign3A_550, %sign3A_557 : i32
      %rem3A_559 = arith.remsi %mul3A_541, %jit3A_542 : i32
      %ne3A_560 = arith.constant 0 : i32
      %ne3A_561 = arith.cmpi ne, %rem3A_559, %ne3A_560 : i32
      %and3A_562 = arith.andi %ne3A_558, %ne3A_561 : i1
      %sub3A_563 = arith.constant 1 : i32
      %sub3A_564 = arith.subi %div3A_543, %sub3A_563 : i32
      %select_n3A_565 = arith.select %and3A_562, %sub3A_564, %div3A_543 : i32
      %add3A_566 = arith.constant 0 : i32
      %add3A_567 = arith.addi %select_n3A_565, %add3A_566 : i32
      %add3A_568 = vector.broadcast %add3A_567 : i32 to vector<16xi32>
      %add3A_569 = arith.addi %add3A_568, %iota3A : vector<16xi32>
      %min3A_570 = arith.constant 7039 : i32
      %min3A_571 = vector.broadcast %min3A_570 : i32 to vector<16xi32>
      %min3A_572 = arith.minsi %add3A_569, %min3A_571 : vector<16xi32>
      %gather3A_573 = tpu.vector_load_idx %arg9[%min3A_572] : memref<7040xf32, #tpu.memory_space<vmem>>[vector<16xi32>], vector<16xf32>,
      %get3A_574 = arith.constant 0 : index
      %get3A_575 = tpu.vector_load %arg11[%get3A_574] {strides = array<i32>} : memref<128xf32, #tpu.memory_space<vmem>>, vector<16xf32>,
      %mul3A_576 = arith.mulf %gather3A_573, %get3A_575 : vector<16xf32>
      %add3A_577 = arith.addf %broadcast_in_dim3A_0, %mul3A_576 : vector<16xf32>
      %add3A_578 = arith.constant 16 : i32
      %add3A_579 = arith.addi %select_n3A_565, %add3A_578 : i32
      %add3A_580 = vector.broadcast %add3A_579 : i32 to vector<16xi32>
      %add3A_581 = arith.addi %add3A_580, %iota3A : vector<16xi32>
      %min3A_582 = arith.constant 7039 : i32
      %min3A_583 = vector.broadcast %min3A_582 : i32 to vector<16xi32>
      %min3A_584 = arith.minsi %add3A_581, %min3A_583 : vector<16xi32>
      %gather3A_585 = tpu.vector_load_idx %arg9[%min3A_584] : memref<7040xf32, #tpu.memory_space<vmem>>[vector<16xi32>], vector<16xf32>,
      %get3A_586 = arith.constant 16 : index
      %get3A_587 = tpu.vector_load %arg11[%get3A_586] {strides = array<i32>} : memref<128xf32, #tpu.memory_space<vmem>>, vector<16xf32>,
      %mul3A_588 = arith.mulf %gather3A_585, %get3A_587 : vector<16xf32>
      %add3A_589 = arith.addf %add3A_577, %mul3A_588 : vector<16xf32>
      %add3A_590 = arith.constant 32 : i32
      %add3A_591 = arith.addi %select_n3A_565, %add3A_590 : i32
      %add3A_592 = vector.broadcast %add3A_591 : i32 to vector<16xi32>
      %add3A_593 = arith.addi %add3A_592, %iota3A : vector<16xi32>
      %min3A_594 = arith.constant 7039 : i32
      %min3A_595 = vector.broadcast %min3A_594 : i32 to vector<16xi32>
      %min3A_596 = arith.minsi %add3A_593, %min3A_595 : vector<16xi32>
      %gather3A_597 = tpu.vector_load_idx %arg9[%min3A_596] : memref<7040xf32, #tpu.memory_space<vmem>>[vector<16xi32>], vector<16xf32>,
      %get3A_598 = arith.constant 32 : index
      %get3A_599 = tpu.vector_load %arg11[%get3A_598] {strides = array<i32>} : memref<128xf32, #tpu.memory_space<vmem>>, vector<16xf32>,
      %mul3A_600 = arith.mulf %gather3A_597, %get3A_599 : vector<16xf32>
      %add3A_601 = arith.addf %add3A_589, %mul3A_600 : vector<16xf32>
      %add3A_602 = arith.constant 48 : i32
      %add3A_603 = arith.addi %select_n3A_565, %add3A_602 : i32
      %add3A_604 = vector.broadcast %add3A_603 : i32 to vector<16xi32>
      %add3A_605 = arith.addi %add3A_604, %iota3A : vector<16xi32>
      %min3A_606 = arith.constant 7039 : i32
      %min3A_607 = vector.broadcast %min3A_606 : i32 to vector<16xi32>
      %min3A_608 = arith.minsi %add3A_605, %min3A_607 : vector<16xi32>
      %gather3A_609 = tpu.vector_load_idx %arg9[%min3A_608] : memref<7040xf32, #tpu.memory_space<vmem>>[vector<16xi32>], vector<16xf32>,
      %get3A_610 = arith.constant 48 : index
      %get3A_611 = tpu.vector_load %arg11[%get3A_610] {strides = array<i32>} : memref<128xf32, #tpu.memory_space<vmem>>, vector<16xf32>,
      %mul3A_612 = arith.mulf %gather3A_609, %get3A_611 : vector<16xf32>
      %add3A_613 = arith.addf %add3A_601, %mul3A_612 : vector<16xf32>
      %add3A_614 = arith.constant 64 : i32
      %add3A_615 = arith.addi %select_n3A_565, %add3A_614 : i32
      %add3A_616 = vector.broadcast %add3A_615 : i32 to vector<16xi32>
      %add3A_617 = arith.addi %add3A_616, %iota3A : vector<16xi32>
      %min3A_618 = arith.constant 7039 : i32
      %min3A_619 = vector.broadcast %min3A_618 : i32 to vector<16xi32>
      %min3A_620 = arith.minsi %add3A_617, %min3A_619 : vector<16xi32>
      %gather3A_621 = tpu.vector_load_idx %arg9[%min3A_620] : memref<7040xf32, #tpu.memory_space<vmem>>[vector<16xi32>], vector<16xf32>,
      %get3A_622 = arith.constant 64 : index
      %get3A_623 = tpu.vector_load %arg11[%get3A_622] {strides = array<i32>} : memref<128xf32, #tpu.memory_space<vmem>>, vector<16xf32>,
      %mul3A_624 = arith.mulf %gather3A_621, %get3A_623 : vector<16xf32>
      %add3A_625 = arith.addf %add3A_613, %mul3A_624 : vector<16xf32>
      %add3A_626 = arith.constant 80 : i32
      %add3A_627 = arith.addi %select_n3A_565, %add3A_626 : i32
      %add3A_628 = vector.broadcast %add3A_627 : i32 to vector<16xi32>
      %add3A_629 = arith.addi %add3A_628, %iota3A : vector<16xi32>
      %min3A_630 = arith.constant 7039 : i32
      %min3A_631 = vector.broadcast %min3A_630 : i32 to vector<16xi32>
      %min3A_632 = arith.minsi %add3A_629, %min3A_631 : vector<16xi32>
      %gather3A_633 = tpu.vector_load_idx %arg9[%min3A_632] : memref<7040xf32, #tpu.memory_space<vmem>>[vector<16xi32>], vector<16xf32>,
      %get3A_634 = arith.constant 80 : index
      %get3A_635 = tpu.vector_load %arg11[%get3A_634] {strides = array<i32>} : memref<128xf32, #tpu.memory_space<vmem>>, vector<16xf32>,
      %mul3A_636 = arith.mulf %gather3A_633, %get3A_635 : vector<16xf32>
      %add3A_637 = arith.addf %add3A_625, %mul3A_636 : vector<16xf32>
      %add3A_638 = arith.constant 96 : i32
      %add3A_639 = arith.addi %select_n3A_565, %add3A_638 : i32
      %add3A_640 = vector.broadcast %add3A_639 : i32 to vector<16xi32>
      %add3A_641 = arith.addi %add3A_640, %iota3A : vector<16xi32>
      %min3A_642 = arith.constant 7039 : i32
      %min3A_643 = vector.broadcast %min3A_642 : i32 to vector<16xi32>
      %min3A_644 = arith.minsi %add3A_641, %min3A_643 : vector<16xi32>
      %gather3A_645 = tpu.vector_load_idx %arg9[%min3A_644] : memref<7040xf32, #tpu.memory_space<vmem>>[vector<16xi32>], vector<16xf32>,
      %get3A_646 = arith.constant 96 : index
      %get3A_647 = tpu.vector_load %arg11[%get3A_646] {strides = array<i32>} : memref<128xf32, #tpu.memory_space<vmem>>, vector<16xf32>,
      %mul3A_648 = arith.mulf %gather3A_645, %get3A_647 : vector<16xf32>
      %add3A_649 = arith.addf %add3A_637, %mul3A_648 : vector<16xf32>
      %add3A_650 = arith.constant 112 : i32
      %add3A_651 = arith.addi %select_n3A_565, %add3A_650 : i32
      %add3A_652 = vector.broadcast %add3A_651 : i32 to vector<16xi32>
      %add3A_653 = arith.addi %add3A_652, %iota3A : vector<16xi32>
      %min3A_654 = arith.constant 7039 : i32
      %min3A_655 = vector.broadcast %min3A_654 : i32 to vector<16xi32>
      %min3A_656 = arith.minsi %add3A_653, %min3A_655 : vector<16xi32>
      %gather3A_657 = tpu.vector_load_idx %arg9[%min3A_656] : memref<7040xf32, #tpu.memory_space<vmem>>[vector<16xi32>], vector<16xf32>,
      %get3A_658 = arith.constant 112 : index
      %get3A_659 = tpu.vector_load %arg11[%get3A_658] {strides = array<i32>} : memref<128xf32, #tpu.memory_space<vmem>>, vector<16xf32>,
      %mul3A_660 = arith.mulf %gather3A_657, %get3A_659 : vector<16xf32>
      %add3A_661 = arith.addf %add3A_649, %mul3A_660 : vector<16xf32>
      %broadcast_in_dim3A_662 = arith.constant 0 : i32
      %broadcast_in_dim3A_663 = vector.broadcast %broadcast_in_dim3A_662 : i32 to vector<16xi32>
      %add3A_664 = vector.broadcast %add3A_538 : i32 to vector<16xi32>
      %add3A_665 = arith.addi %broadcast_in_dim3A_663, %add3A_664 : vector<16xi32>
      %gather3A_666 = tpu.vector_load_idx %arg11[%add3A_665] : memref<128xf32, #tpu.memory_space<vmem>>[vector<16xi32>], vector<16xf32>,
      %mul3A_667 = arith.mulf %gather3A_666, %add3A_661 : vector<16xf32>
      %add3A_668 = arith.addf %add3A_536, %mul3A_667 : vector<16xf32>
      %add3A_669 = arith.constant 32 : i32
      %add3A_670 = arith.addi %arg1, %add3A_669 : i32
      %add3A_671 = arith.constant 1 : i32
      %add3A_672 = arith.addi %add3A_670, %add3A_671 : i32
      %mul3A_673 = arith.muli %add3A_670, %add3A_672 : i32
      %jit3A_674 = arith.constant 2 : i32
      %div3A_675 = arith.divsi %mul3A_673, %jit3A_674 : i32
      %sign3A_676 = arith.constant 0 : i32
      %sign3A_677 = arith.cmpi sgt, %mul3A_673, %sign3A_676 : i32
      %sign3A_678 = arith.extui %sign3A_677 : i1 to i32
      %sign3A_679 = arith.constant 0 : i32
      %sign3A_680 = arith.cmpi slt, %mul3A_673, %sign3A_679 : i32
      %sign3A_681 = arith.extui %sign3A_680 : i1 to i32
      %sign3A_682 = arith.subi %sign3A_678, %sign3A_681 : i32
      %sign3A_683 = arith.constant 0 : i32
      %sign3A_684 = arith.cmpi sgt, %jit3A_674, %sign3A_683 : i32
      %sign3A_685 = arith.extui %sign3A_684 : i1 to i32
      %sign3A_686 = arith.constant 0 : i32
      %sign3A_687 = arith.cmpi slt, %jit3A_674, %sign3A_686 : i32
      %sign3A_688 = arith.extui %sign3A_687 : i1 to i32
      %sign3A_689 = arith.subi %sign3A_685, %sign3A_688 : i32
      %ne3A_690 = arith.cmpi ne, %sign3A_682, %sign3A_689 : i32
      %rem3A_691 = arith.remsi %mul3A_673, %jit3A_674 : i32
      %ne3A_692 = arith.constant 0 : i32
      %ne3A_693 = arith.cmpi ne, %rem3A_691, %ne3A_692 : i32
      %and3A_694 = arith.andi %ne3A_690, %ne3A_693 : i1
      %sub3A_695 = arith.constant 1 : i32
      %sub3A_696 = arith.subi %div3A_675, %sub3A_695 : i32
      %select_n3A_697 = arith.select %and3A_694, %sub3A_696, %div3A_675 : i32
      %add3A_698 = arith.constant 0 : i32
      %add3A_699 = arith.addi %select_n3A_697, %add3A_698 : i32
      %add3A_700 = vector.broadcast %add3A_699 : i32 to vector<16xi32>
      %add3A_701 = arith.addi %add3A_700, %iota3A : vector<16xi32>
      %min3A_702 = arith.constant 7039 : i32
      %min3A_703 = vector.broadcast %min3A_702 : i32 to vector<16xi32>
      %min3A_704 = arith.minsi %add3A_701, %min3A_703 : vector<16xi32>
      %gather3A_705 = tpu.vector_load_idx %arg9[%min3A_704] : memref<7040xf32, #tpu.memory_space<vmem>>[vector<16xi32>], vector<16xf32>,
      %get3A_706 = arith.constant 0 : index
      %get3A_707 = tpu.vector_load %arg11[%get3A_706] {strides = array<i32>} : memref<128xf32, #tpu.memory_space<vmem>>, vector<16xf32>,
      %mul3A_708 = arith.mulf %gather3A_705, %get3A_707 : vector<16xf32>
      %add3A_709 = arith.addf %broadcast_in_dim3A_0, %mul3A_708 : vector<16xf32>
      %add3A_710 = arith.constant 16 : i32
      %add3A_711 = arith.addi %select_n3A_697, %add3A_710 : i32
      %add3A_712 = vector.broadcast %add3A_711 : i32 to vector<16xi32>
      %add3A_713 = arith.addi %add3A_712, %iota3A : vector<16xi32>
      %min3A_714 = arith.constant 7039 : i32
      %min3A_715 = vector.broadcast %min3A_714 : i32 to vector<16xi32>
      %min3A_716 = arith.minsi %add3A_713, %min3A_715 : vector<16xi32>
      %gather3A_717 = tpu.vector_load_idx %arg9[%min3A_716] : memref<7040xf32, #tpu.memory_space<vmem>>[vector<16xi32>], vector<16xf32>,
      %get3A_718 = arith.constant 16 : index
      %get3A_719 = tpu.vector_load %arg11[%get3A_718] {strides = array<i32>} : memref<128xf32, #tpu.memory_space<vmem>>, vector<16xf32>,
      %mul3A_720 = arith.mulf %gather3A_717, %get3A_719 : vector<16xf32>
      %add3A_721 = arith.addf %add3A_709, %mul3A_720 : vector<16xf32>
      %add3A_722 = arith.constant 32 : i32
      %add3A_723 = arith.addi %select_n3A_697, %add3A_722 : i32
      %add3A_724 = vector.broadcast %add3A_723 : i32 to vector<16xi32>
      %add3A_725 = arith.addi %add3A_724, %iota3A : vector<16xi32>
      %min3A_726 = arith.constant 7039 : i32
      %min3A_727 = vector.broadcast %min3A_726 : i32 to vector<16xi32>
      %min3A_728 = arith.minsi %add3A_725, %min3A_727 : vector<16xi32>
      %gather3A_729 = tpu.vector_load_idx %arg9[%min3A_728] : memref<7040xf32, #tpu.memory_space<vmem>>[vector<16xi32>], vector<16xf32>,
      %get3A_730 = arith.constant 32 : index
      %get3A_731 = tpu.vector_load %arg11[%get3A_730] {strides = array<i32>} : memref<128xf32, #tpu.memory_space<vmem>>, vector<16xf32>,
      %mul3A_732 = arith.mulf %gather3A_729, %get3A_731 : vector<16xf32>
      %add3A_733 = arith.addf %add3A_721, %mul3A_732 : vector<16xf32>
      %add3A_734 = arith.constant 48 : i32
      %add3A_735 = arith.addi %select_n3A_697, %add3A_734 : i32
      %add3A_736 = vector.broadcast %add3A_735 : i32 to vector<16xi32>
      %add3A_737 = arith.addi %add3A_736, %iota3A : vector<16xi32>
      %min3A_738 = arith.constant 7039 : i32
      %min3A_739 = vector.broadcast %min3A_738 : i32 to vector<16xi32>
      %min3A_740 = arith.minsi %add3A_737, %min3A_739 : vector<16xi32>
      %gather3A_741 = tpu.vector_load_idx %arg9[%min3A_740] : memref<7040xf32, #tpu.memory_space<vmem>>[vector<16xi32>], vector<16xf32>,
      %get3A_742 = arith.constant 48 : index
      %get3A_743 = tpu.vector_load %arg11[%get3A_742] {strides = array<i32>} : memref<128xf32, #tpu.memory_space<vmem>>, vector<16xf32>,
      %mul3A_744 = arith.mulf %gather3A_741, %get3A_743 : vector<16xf32>
      %add3A_745 = arith.addf %add3A_733, %mul3A_744 : vector<16xf32>
      %add3A_746 = arith.constant 64 : i32
      %add3A_747 = arith.addi %select_n3A_697, %add3A_746 : i32
      %add3A_748 = vector.broadcast %add3A_747 : i32 to vector<16xi32>
      %add3A_749 = arith.addi %add3A_748, %iota3A : vector<16xi32>
      %min3A_750 = arith.constant 7039 : i32
      %min3A_751 = vector.broadcast %min3A_750 : i32 to vector<16xi32>
      %min3A_752 = arith.minsi %add3A_749, %min3A_751 : vector<16xi32>
      %gather3A_753 = tpu.vector_load_idx %arg9[%min3A_752] : memref<7040xf32, #tpu.memory_space<vmem>>[vector<16xi32>], vector<16xf32>,
      %get3A_754 = arith.constant 64 : index
      %get3A_755 = tpu.vector_load %arg11[%get3A_754] {strides = array<i32>} : memref<128xf32, #tpu.memory_space<vmem>>, vector<16xf32>,
      %mul3A_756 = arith.mulf %gather3A_753, %get3A_755 : vector<16xf32>
      %add3A_757 = arith.addf %add3A_745, %mul3A_756 : vector<16xf32>
      %add3A_758 = arith.constant 80 : i32
      %add3A_759 = arith.addi %select_n3A_697, %add3A_758 : i32
      %add3A_760 = vector.broadcast %add3A_759 : i32 to vector<16xi32>
      %add3A_761 = arith.addi %add3A_760, %iota3A : vector<16xi32>
      %min3A_762 = arith.constant 7039 : i32
      %min3A_763 = vector.broadcast %min3A_762 : i32 to vector<16xi32>
      %min3A_764 = arith.minsi %add3A_761, %min3A_763 : vector<16xi32>
      %gather3A_765 = tpu.vector_load_idx %arg9[%min3A_764] : memref<7040xf32, #tpu.memory_space<vmem>>[vector<16xi32>], vector<16xf32>,
      %get3A_766 = arith.constant 80 : index
      %get3A_767 = tpu.vector_load %arg11[%get3A_766] {strides = array<i32>} : memref<128xf32, #tpu.memory_space<vmem>>, vector<16xf32>,
      %mul3A_768 = arith.mulf %gather3A_765, %get3A_767 : vector<16xf32>
      %add3A_769 = arith.addf %add3A_757, %mul3A_768 : vector<16xf32>
      %add3A_770 = arith.constant 96 : i32
      %add3A_771 = arith.addi %select_n3A_697, %add3A_770 : i32
      %add3A_772 = vector.broadcast %add3A_771 : i32 to vector<16xi32>
      %add3A_773 = arith.addi %add3A_772, %iota3A : vector<16xi32>
      %min3A_774 = arith.constant 7039 : i32
      %min3A_775 = vector.broadcast %min3A_774 : i32 to vector<16xi32>
      %min3A_776 = arith.minsi %add3A_773, %min3A_775 : vector<16xi32>
      %gather3A_777 = tpu.vector_load_idx %arg9[%min3A_776] : memref<7040xf32, #tpu.memory_space<vmem>>[vector<16xi32>], vector<16xf32>,
      %get3A_778 = arith.constant 96 : index
      %get3A_779 = tpu.vector_load %arg11[%get3A_778] {strides = array<i32>} : memref<128xf32, #tpu.memory_space<vmem>>, vector<16xf32>,
      %mul3A_780 = arith.mulf %gather3A_777, %get3A_779 : vector<16xf32>
      %add3A_781 = arith.addf %add3A_769, %mul3A_780 : vector<16xf32>
      %add3A_782 = arith.constant 112 : i32
      %add3A_783 = arith.addi %select_n3A_697, %add3A_782 : i32
      %add3A_784 = vector.broadcast %add3A_783 : i32 to vector<16xi32>
      %add3A_785 = arith.addi %add3A_784, %iota3A : vector<16xi32>
      %min3A_786 = arith.constant 7039 : i32
      %min3A_787 = vector.broadcast %min3A_786 : i32 to vector<16xi32>
      %min3A_788 = arith.minsi %add3A_785, %min3A_787 : vector<16xi32>
      %gather3A_789 = tpu.vector_load_idx %arg9[%min3A_788] : memref<7040xf32, #tpu.memory_space<vmem>>[vector<16xi32>], vector<16xf32>,
      %get3A_790 = arith.constant 112 : index
      %get3A_791 = tpu.vector_load %arg11[%get3A_790] {strides = array<i32>} : memref<128xf32, #tpu.memory_space<vmem>>, vector<16xf32>,
      %mul3A_792 = arith.mulf %gather3A_789, %get3A_791 : vector<16xf32>
      %add3A_793 = arith.addf %add3A_781, %mul3A_792 : vector<16xf32>
      %broadcast_in_dim3A_794 = arith.constant 0 : i32
      %broadcast_in_dim3A_795 = vector.broadcast %broadcast_in_dim3A_794 : i32 to vector<16xi32>
      %add3A_796 = vector.broadcast %add3A_670 : i32 to vector<16xi32>
      %add3A_797 = arith.addi %broadcast_in_dim3A_795, %add3A_796 : vector<16xi32>
      %gather3A_798 = tpu.vector_load_idx %arg11[%add3A_797] : memref<128xf32, #tpu.memory_space<vmem>>[vector<16xi32>], vector<16xf32>,
      %mul3A_799 = arith.mulf %gather3A_798, %add3A_793 : vector<16xf32>
      %add3A_800 = arith.addf %add3A_668, %mul3A_799 : vector<16xf32>
      %add3A_801 = arith.constant 48 : i32
      %add3A_802 = arith.addi %arg1, %add3A_801 : i32
      %add3A_803 = arith.constant 1 : i32
      %add3A_804 = arith.addi %add3A_802, %add3A_803 : i32
      %mul3A_805 = arith.muli %add3A_802, %add3A_804 : i32
      %jit3A_806 = arith.constant 2 : i32
      %div3A_807 = arith.divsi %mul3A_805, %jit3A_806 : i32
      %sign3A_808 = arith.constant 0 : i32
      %sign3A_809 = arith.cmpi sgt, %mul3A_805, %sign3A_808 : i32
      %sign3A_810 = arith.extui %sign3A_809 : i1 to i32
      %sign3A_811 = arith.constant 0 : i32
      %sign3A_812 = arith.cmpi slt, %mul3A_805, %sign3A_811 : i32
      %sign3A_813 = arith.extui %sign3A_812 : i1 to i32
      %sign3A_814 = arith.subi %sign3A_810, %sign3A_813 : i32
      %sign3A_815 = arith.constant 0 : i32
      %sign3A_816 = arith.cmpi sgt, %jit3A_806, %sign3A_815 : i32
      %sign3A_817 = arith.extui %sign3A_816 : i1 to i32
      %sign3A_818 = arith.constant 0 : i32
      %sign3A_819 = arith.cmpi slt, %jit3A_806, %sign3A_818 : i32
      %sign3A_820 = arith.extui %sign3A_819 : i1 to i32
      %sign3A_821 = arith.subi %sign3A_817, %sign3A_820 : i32
      %ne3A_822 = arith.cmpi ne, %sign3A_814, %sign3A_821 : i32
      %rem3A_823 = arith.remsi %mul3A_805, %jit3A_806 : i32
      %ne3A_824 = arith.constant 0 : i32
      %ne3A_825 = arith.cmpi ne, %rem3A_823, %ne3A_824 : i32
      %and3A_826 = arith.andi %ne3A_822, %ne3A_825 : i1
      %sub3A_827 = arith.constant 1 : i32
      %sub3A_828 = arith.subi %div3A_807, %sub3A_827 : i32
      %select_n3A_829 = arith.select %and3A_826, %sub3A_828, %div3A_807 : i32
      %add3A_830 = arith.constant 0 : i32
      %add3A_831 = arith.addi %select_n3A_829, %add3A_830 : i32
      %add3A_832 = vector.broadcast %add3A_831 : i32 to vector<16xi32>
      %add3A_833 = arith.addi %add3A_832, %iota3A : vector<16xi32>
      %min3A_834 = arith.constant 7039 : i32
      %min3A_835 = vector.broadcast %min3A_834 : i32 to vector<16xi32>
      %min3A_836 = arith.minsi %add3A_833, %min3A_835 : vector<16xi32>
      %gather3A_837 = tpu.vector_load_idx %arg9[%min3A_836] : memref<7040xf32, #tpu.memory_space<vmem>>[vector<16xi32>], vector<16xf32>,
      %get3A_838 = arith.constant 0 : index
      %get3A_839 = tpu.vector_load %arg11[%get3A_838] {strides = array<i32>} : memref<128xf32, #tpu.memory_space<vmem>>, vector<16xf32>,
      %mul3A_840 = arith.mulf %gather3A_837, %get3A_839 : vector<16xf32>
      %add3A_841 = arith.addf %broadcast_in_dim3A_0, %mul3A_840 : vector<16xf32>
      %add3A_842 = arith.constant 16 : i32
      %add3A_843 = arith.addi %select_n3A_829, %add3A_842 : i32
      %add3A_844 = vector.broadcast %add3A_843 : i32 to vector<16xi32>
      %add3A_845 = arith.addi %add3A_844, %iota3A : vector<16xi32>
      %min3A_846 = arith.constant 7039 : i32
      %min3A_847 = vector.broadcast %min3A_846 : i32 to vector<16xi32>
      %min3A_848 = arith.minsi %add3A_845, %min3A_847 : vector<16xi32>
      %gather3A_849 = tpu.vector_load_idx %arg9[%min3A_848] : memref<7040xf32, #tpu.memory_space<vmem>>[vector<16xi32>], vector<16xf32>,
      %get3A_850 = arith.constant 16 : index
      %get3A_851 = tpu.vector_load %arg11[%get3A_850] {strides = array<i32>} : memref<128xf32, #tpu.memory_space<vmem>>, vector<16xf32>,
      %mul3A_852 = arith.mulf %gather3A_849, %get3A_851 : vector<16xf32>
      %add3A_853 = arith.addf %add3A_841, %mul3A_852 : vector<16xf32>
      %add3A_854 = arith.constant 32 : i32
      %add3A_855 = arith.addi %select_n3A_829, %add3A_854 : i32
      %add3A_856 = vector.broadcast %add3A_855 : i32 to vector<16xi32>
      %add3A_857 = arith.addi %add3A_856, %iota3A : vector<16xi32>
      %min3A_858 = arith.constant 7039 : i32
      %min3A_859 = vector.broadcast %min3A_858 : i32 to vector<16xi32>
      %min3A_860 = arith.minsi %add3A_857, %min3A_859 : vector<16xi32>
      %gather3A_861 = tpu.vector_load_idx %arg9[%min3A_860] : memref<7040xf32, #tpu.memory_space<vmem>>[vector<16xi32>], vector<16xf32>,
      %get3A_862 = arith.constant 32 : index
      %get3A_863 = tpu.vector_load %arg11[%get3A_862] {strides = array<i32>} : memref<128xf32, #tpu.memory_space<vmem>>, vector<16xf32>,
      %mul3A_864 = arith.mulf %gather3A_861, %get3A_863 : vector<16xf32>
      %add3A_865 = arith.addf %add3A_853, %mul3A_864 : vector<16xf32>
      %add3A_866 = arith.constant 48 : i32
      %add3A_867 = arith.addi %select_n3A_829, %add3A_866 : i32
      %add3A_868 = vector.broadcast %add3A_867 : i32 to vector<16xi32>
      %add3A_869 = arith.addi %add3A_868, %iota3A : vector<16xi32>
      %min3A_870 = arith.constant 7039 : i32
      %min3A_871 = vector.broadcast %min3A_870 : i32 to vector<16xi32>
      %min3A_872 = arith.minsi %add3A_869, %min3A_871 : vector<16xi32>
      %gather3A_873 = tpu.vector_load_idx %arg9[%min3A_872] : memref<7040xf32, #tpu.memory_space<vmem>>[vector<16xi32>], vector<16xf32>,
      %get3A_874 = arith.constant 48 : index
      %get3A_875 = tpu.vector_load %arg11[%get3A_874] {strides = array<i32>} : memref<128xf32, #tpu.memory_space<vmem>>, vector<16xf32>,
      %mul3A_876 = arith.mulf %gather3A_873, %get3A_875 : vector<16xf32>
      %add3A_877 = arith.addf %add3A_865, %mul3A_876 : vector<16xf32>
      %add3A_878 = arith.constant 64 : i32
      %add3A_879 = arith.addi %select_n3A_829, %add3A_878 : i32
      %add3A_880 = vector.broadcast %add3A_879 : i32 to vector<16xi32>
      %add3A_881 = arith.addi %add3A_880, %iota3A : vector<16xi32>
      %min3A_882 = arith.constant 7039 : i32
      %min3A_883 = vector.broadcast %min3A_882 : i32 to vector<16xi32>
      %min3A_884 = arith.minsi %add3A_881, %min3A_883 : vector<16xi32>
      %gather3A_885 = tpu.vector_load_idx %arg9[%min3A_884] : memref<7040xf32, #tpu.memory_space<vmem>>[vector<16xi32>], vector<16xf32>,
      %get3A_886 = arith.constant 64 : index
      %get3A_887 = tpu.vector_load %arg11[%get3A_886] {strides = array<i32>} : memref<128xf32, #tpu.memory_space<vmem>>, vector<16xf32>,
      %mul3A_888 = arith.mulf %gather3A_885, %get3A_887 : vector<16xf32>
      %add3A_889 = arith.addf %add3A_877, %mul3A_888 : vector<16xf32>
      %add3A_890 = arith.constant 80 : i32
      %add3A_891 = arith.addi %select_n3A_829, %add3A_890 : i32
      %add3A_892 = vector.broadcast %add3A_891 : i32 to vector<16xi32>
      %add3A_893 = arith.addi %add3A_892, %iota3A : vector<16xi32>
      %min3A_894 = arith.constant 7039 : i32
      %min3A_895 = vector.broadcast %min3A_894 : i32 to vector<16xi32>
      %min3A_896 = arith.minsi %add3A_893, %min3A_895 : vector<16xi32>
      %gather3A_897 = tpu.vector_load_idx %arg9[%min3A_896] : memref<7040xf32, #tpu.memory_space<vmem>>[vector<16xi32>], vector<16xf32>,
      %get3A_898 = arith.constant 80 : index
      %get3A_899 = tpu.vector_load %arg11[%get3A_898] {strides = array<i32>} : memref<128xf32, #tpu.memory_space<vmem>>, vector<16xf32>,
      %mul3A_900 = arith.mulf %gather3A_897, %get3A_899 : vector<16xf32>
      %add3A_901 = arith.addf %add3A_889, %mul3A_900 : vector<16xf32>
      %add3A_902 = arith.constant 96 : i32
      %add3A_903 = arith.addi %select_n3A_829, %add3A_902 : i32
      %add3A_904 = vector.broadcast %add3A_903 : i32 to vector<16xi32>
      %add3A_905 = arith.addi %add3A_904, %iota3A : vector<16xi32>
      %min3A_906 = arith.constant 7039 : i32
      %min3A_907 = vector.broadcast %min3A_906 : i32 to vector<16xi32>
      %min3A_908 = arith.minsi %add3A_905, %min3A_907 : vector<16xi32>
      %gather3A_909 = tpu.vector_load_idx %arg9[%min3A_908] : memref<7040xf32, #tpu.memory_space<vmem>>[vector<16xi32>], vector<16xf32>,
      %get3A_910 = arith.constant 96 : index
      %get3A_911 = tpu.vector_load %arg11[%get3A_910] {strides = array<i32>} : memref<128xf32, #tpu.memory_space<vmem>>, vector<16xf32>,
      %mul3A_912 = arith.mulf %gather3A_909, %get3A_911 : vector<16xf32>
      %add3A_913 = arith.addf %add3A_901, %mul3A_912 : vector<16xf32>
      %add3A_914 = arith.constant 112 : i32
      %add3A_915 = arith.addi %select_n3A_829, %add3A_914 : i32
      %add3A_916 = vector.broadcast %add3A_915 : i32 to vector<16xi32>
      %add3A_917 = arith.addi %add3A_916, %iota3A : vector<16xi32>
      %min3A_918 = arith.constant 7039 : i32
      %min3A_919 = vector.broadcast %min3A_918 : i32 to vector<16xi32>
      %min3A_920 = arith.minsi %add3A_917, %min3A_919 : vector<16xi32>
      %gather3A_921 = tpu.vector_load_idx %arg9[%min3A_920] : memref<7040xf32, #tpu.memory_space<vmem>>[vector<16xi32>], vector<16xf32>,
      %get3A_922 = arith.constant 112 : index
      %get3A_923 = tpu.vector_load %arg11[%get3A_922] {strides = array<i32>} : memref<128xf32, #tpu.memory_space<vmem>>, vector<16xf32>,
      %mul3A_924 = arith.mulf %gather3A_921, %get3A_923 : vector<16xf32>
      %add3A_925 = arith.addf %add3A_913, %mul3A_924 : vector<16xf32>
      %broadcast_in_dim3A_926 = arith.constant 0 : i32
      %broadcast_in_dim3A_927 = vector.broadcast %broadcast_in_dim3A_926 : i32 to vector<16xi32>
      %add3A_928 = vector.broadcast %add3A_802 : i32 to vector<16xi32>
      %add3A_929 = arith.addi %broadcast_in_dim3A_927, %add3A_928 : vector<16xi32>
      %gather3A_930 = tpu.vector_load_idx %arg11[%add3A_929] : memref<128xf32, #tpu.memory_space<vmem>>[vector<16xi32>], vector<16xf32>,
      %mul3A_931 = arith.mulf %gather3A_930, %add3A_925 : vector<16xf32>
      %add3A_932 = arith.addf %add3A_800, %mul3A_931 : vector<16xf32>
      %add3A_933 = arith.constant 64 : i32
      %add3A_934 = arith.addi %arg1, %add3A_933 : i32
      %add3A_935 = arith.constant 1 : i32
      %add3A_936 = arith.addi %add3A_934, %add3A_935 : i32
      %mul3A_937 = arith.muli %add3A_934, %add3A_936 : i32
      %jit3A_938 = arith.constant 2 : i32
      %div3A_939 = arith.divsi %mul3A_937, %jit3A_938 : i32
      %sign3A_940 = arith.constant 0 : i32
      %sign3A_941 = arith.cmpi sgt, %mul3A_937, %sign3A_940 : i32
      %sign3A_942 = arith.extui %sign3A_941 : i1 to i32
      %sign3A_943 = arith.constant 0 : i32
      %sign3A_944 = arith.cmpi slt, %mul3A_937, %sign3A_943 : i32
      %sign3A_945 = arith.extui %sign3A_944 : i1 to i32
      %sign3A_946 = arith.subi %sign3A_942, %sign3A_945 : i32
      %sign3A_947 = arith.constant 0 : i32
      %sign3A_948 = arith.cmpi sgt, %jit3A_938, %sign3A_947 : i32
      %sign3A_949 = arith.extui %sign3A_948 : i1 to i32
      %sign3A_950 = arith.constant 0 : i32
      %sign3A_951 = arith.cmpi slt, %jit3A_938, %sign3A_950 : i32
      %sign3A_952 = arith.extui %sign3A_951 : i1 to i32
      %sign3A_953 = arith.subi %sign3A_949, %sign3A_952 : i32
      %ne3A_954 = arith.cmpi ne, %sign3A_946, %sign3A_953 : i32
      %rem3A_955 = arith.remsi %mul3A_937, %jit3A_938 : i32
      %ne3A_956 = arith.constant 0 : i32
      %ne3A_957 = arith.cmpi ne, %rem3A_955, %ne3A_956 : i32
      %and3A_958 = arith.andi %ne3A_954, %ne3A_957 : i1
      %sub3A_959 = arith.constant 1 : i32
      %sub3A_960 = arith.subi %div3A_939, %sub3A_959 : i32
      %select_n3A_961 = arith.select %and3A_958, %sub3A_960, %div3A_939 : i32
      %add3A_962 = arith.constant 0 : i32
      %add3A_963 = arith.addi %select_n3A_961, %add3A_962 : i32
      %add3A_964 = vector.broadcast %add3A_963 : i32 to vector<16xi32>
      %add3A_965 = arith.addi %add3A_964, %iota3A : vector<16xi32>
      %min3A_966 = arith.constant 7039 : i32
      %min3A_967 = vector.broadcast %min3A_966 : i32 to vector<16xi32>
      %min3A_968 = arith.minsi %add3A_965, %min3A_967 : vector<16xi32>
      %gather3A_969 = tpu.vector_load_idx %arg9[%min3A_968] : memref<7040xf32, #tpu.memory_space<vmem>>[vector<16xi32>], vector<16xf32>,
      %get3A_970 = arith.constant 0 : index
      %get3A_971 = tpu.vector_load %arg11[%get3A_970] {strides = array<i32>} : memref<128xf32, #tpu.memory_space<vmem>>, vector<16xf32>,
      %mul3A_972 = arith.mulf %gather3A_969, %get3A_971 : vector<16xf32>
      %add3A_973 = arith.addf %broadcast_in_dim3A_0, %mul3A_972 : vector<16xf32>
      %add3A_974 = arith.constant 16 : i32
      %add3A_975 = arith.addi %select_n3A_961, %add3A_974 : i32
      %add3A_976 = vector.broadcast %add3A_975 : i32 to vector<16xi32>
      %add3A_977 = arith.addi %add3A_976, %iota3A : vector<16xi32>
      %min3A_978 = arith.constant 7039 : i32
      %min3A_979 = vector.broadcast %min3A_978 : i32 to vector<16xi32>
      %min3A_980 = arith.minsi %add3A_977, %min3A_979 : vector<16xi32>
      %gather3A_981 = tpu.vector_load_idx %arg9[%min3A_980] : memref<7040xf32, #tpu.memory_space<vmem>>[vector<16xi32>], vector<16xf32>,
      %get3A_982 = arith.constant 16 : index
      %get3A_983 = tpu.vector_load %arg11[%get3A_982] {strides = array<i32>} : memref<128xf32, #tpu.memory_space<vmem>>, vector<16xf32>,
      %mul3A_984 = arith.mulf %gather3A_981, %get3A_983 : vector<16xf32>
      %add3A_985 = arith.addf %add3A_973, %mul3A_984 : vector<16xf32>
      %add3A_986 = arith.constant 32 : i32
      %add3A_987 = arith.addi %select_n3A_961, %add3A_986 : i32
      %add3A_988 = vector.broadcast %add3A_987 : i32 to vector<16xi32>
      %add3A_989 = arith.addi %add3A_988, %iota3A : vector<16xi32>
      %min3A_990 = arith.constant 7039 : i32
      %min3A_991 = vector.broadcast %min3A_990 : i32 to vector<16xi32>
      %min3A_992 = arith.minsi %add3A_989, %min3A_991 : vector<16xi32>
      %gather3A_993 = tpu.vector_load_idx %arg9[%min3A_992] : memref<7040xf32, #tpu.memory_space<vmem>>[vector<16xi32>], vector<16xf32>,
      %get3A_994 = arith.constant 32 : index
      %get3A_995 = tpu.vector_load %arg11[%get3A_994] {strides = array<i32>} : memref<128xf32, #tpu.memory_space<vmem>>, vector<16xf32>,
      %mul3A_996 = arith.mulf %gather3A_993, %get3A_995 : vector<16xf32>
      %add3A_997 = arith.addf %add3A_985, %mul3A_996 : vector<16xf32>
      %add3A_998 = arith.constant 48 : i32
      %add3A_999 = arith.addi %select_n3A_961, %add3A_998 : i32
      %add3A_1000 = vector.broadcast %add3A_999 : i32 to vector<16xi32>
      %add3A_1001 = arith.addi %add3A_1000, %iota3A : vector<16xi32>
      %min3A_1002 = arith.constant 7039 : i32
      %min3A_1003 = vector.broadcast %min3A_1002 : i32 to vector<16xi32>
      %min3A_1004 = arith.minsi %add3A_1001, %min3A_1003 : vector<16xi32>
      %gather3A_1005 = tpu.vector_load_idx %arg9[%min3A_1004] : memref<7040xf32, #tpu.memory_space<vmem>>[vector<16xi32>], vector<16xf32>,
      %get3A_1006 = arith.constant 48 : index
      %get3A_1007 = tpu.vector_load %arg11[%get3A_1006] {strides = array<i32>} : memref<128xf32, #tpu.memory_space<vmem>>, vector<16xf32>,
      %mul3A_1008 = arith.mulf %gather3A_1005, %get3A_1007 : vector<16xf32>
      %add3A_1009 = arith.addf %add3A_997, %mul3A_1008 : vector<16xf32>
      %add3A_1010 = arith.constant 64 : i32
      %add3A_1011 = arith.addi %select_n3A_961, %add3A_1010 : i32
      %add3A_1012 = vector.broadcast %add3A_1011 : i32 to vector<16xi32>
      %add3A_1013 = arith.addi %add3A_1012, %iota3A : vector<16xi32>
      %min3A_1014 = arith.constant 7039 : i32
      %min3A_1015 = vector.broadcast %min3A_1014 : i32 to vector<16xi32>
      %min3A_1016 = arith.minsi %add3A_1013, %min3A_1015 : vector<16xi32>
      %gather3A_1017 = tpu.vector_load_idx %arg9[%min3A_1016] : memref<7040xf32, #tpu.memory_space<vmem>>[vector<16xi32>], vector<16xf32>,
      %get3A_1018 = arith.constant 64 : index
      %get3A_1019 = tpu.vector_load %arg11[%get3A_1018] {strides = array<i32>} : memref<128xf32, #tpu.memory_space<vmem>>, vector<16xf32>,
      %mul3A_1020 = arith.mulf %gather3A_1017, %get3A_1019 : vector<16xf32>
      %add3A_1021 = arith.addf %add3A_1009, %mul3A_1020 : vector<16xf32>
      %add3A_1022 = arith.constant 80 : i32
      %add3A_1023 = arith.addi %select_n3A_961, %add3A_1022 : i32
      %add3A_1024 = vector.broadcast %add3A_1023 : i32 to vector<16xi32>
      %add3A_1025 = arith.addi %add3A_1024, %iota3A : vector<16xi32>
      %min3A_1026 = arith.constant 7039 : i32
      %min3A_1027 = vector.broadcast %min3A_1026 : i32 to vector<16xi32>
      %min3A_1028 = arith.minsi %add3A_1025, %min3A_1027 : vector<16xi32>
      %gather3A_1029 = tpu.vector_load_idx %arg9[%min3A_1028] : memref<7040xf32, #tpu.memory_space<vmem>>[vector<16xi32>], vector<16xf32>,
      %get3A_1030 = arith.constant 80 : index
      %get3A_1031 = tpu.vector_load %arg11[%get3A_1030] {strides = array<i32>} : memref<128xf32, #tpu.memory_space<vmem>>, vector<16xf32>,
      %mul3A_1032 = arith.mulf %gather3A_1029, %get3A_1031 : vector<16xf32>
      %add3A_1033 = arith.addf %add3A_1021, %mul3A_1032 : vector<16xf32>
      %add3A_1034 = arith.constant 96 : i32
      %add3A_1035 = arith.addi %select_n3A_961, %add3A_1034 : i32
      %add3A_1036 = vector.broadcast %add3A_1035 : i32 to vector<16xi32>
      %add3A_1037 = arith.addi %add3A_1036, %iota3A : vector<16xi32>
      %min3A_1038 = arith.constant 7039 : i32
      %min3A_1039 = vector.broadcast %min3A_1038 : i32 to vector<16xi32>
      %min3A_1040 = arith.minsi %add3A_1037, %min3A_1039 : vector<16xi32>
      %gather3A_1041 = tpu.vector_load_idx %arg9[%min3A_1040] : memref<7040xf32, #tpu.memory_space<vmem>>[vector<16xi32>], vector<16xf32>,
      %get3A_1042 = arith.constant 96 : index
      %get3A_1043 = tpu.vector_load %arg11[%get3A_1042] {strides = array<i32>} : memref<128xf32, #tpu.memory_space<vmem>>, vector<16xf32>,
      %mul3A_1044 = arith.mulf %gather3A_1041, %get3A_1043 : vector<16xf32>
      %add3A_1045 = arith.addf %add3A_1033, %mul3A_1044 : vector<16xf32>
      %add3A_1046 = arith.constant 112 : i32
      %add3A_1047 = arith.addi %select_n3A_961, %add3A_1046 : i32
      %add3A_1048 = vector.broadcast %add3A_1047 : i32 to vector<16xi32>
      %add3A_1049 = arith.addi %add3A_1048, %iota3A : vector<16xi32>
      %min3A_1050 = arith.constant 7039 : i32
      %min3A_1051 = vector.broadcast %min3A_1050 : i32 to vector<16xi32>
      %min3A_1052 = arith.minsi %add3A_1049, %min3A_1051 : vector<16xi32>
      %gather3A_1053 = tpu.vector_load_idx %arg9[%min3A_1052] : memref<7040xf32, #tpu.memory_space<vmem>>[vector<16xi32>], vector<16xf32>,
      %get3A_1054 = arith.constant 112 : index
      %get3A_1055 = tpu.vector_load %arg11[%get3A_1054] {strides = array<i32>} : memref<128xf32, #tpu.memory_space<vmem>>, vector<16xf32>,
      %mul3A_1056 = arith.mulf %gather3A_1053, %get3A_1055 : vector<16xf32>
      %add3A_1057 = arith.addf %add3A_1045, %mul3A_1056 : vector<16xf32>
      %broadcast_in_dim3A_1058 = arith.constant 0 : i32
      %broadcast_in_dim3A_1059 = vector.broadcast %broadcast_in_dim3A_1058 : i32 to vector<16xi32>
      %add3A_1060 = vector.broadcast %add3A_934 : i32 to vector<16xi32>
      %add3A_1061 = arith.addi %broadcast_in_dim3A_1059, %add3A_1060 : vector<16xi32>
      %gather3A_1062 = tpu.vector_load_idx %arg11[%add3A_1061] : memref<128xf32, #tpu.memory_space<vmem>>[vector<16xi32>], vector<16xf32>,
      %mul3A_1063 = arith.mulf %gather3A_1062, %add3A_1057 : vector<16xf32>
      %add3A_1064 = arith.addf %add3A_932, %mul3A_1063 : vector<16xf32>
      %add3A_1065 = arith.constant 80 : i32
      %add3A_1066 = arith.addi %arg1, %add3A_1065 : i32
      %add3A_1067 = arith.constant 1 : i32
      %add3A_1068 = arith.addi %add3A_1066, %add3A_1067 : i32
      %mul3A_1069 = arith.muli %add3A_1066, %add3A_1068 : i32
      %jit3A_1070 = arith.constant 2 : i32
      %div3A_1071 = arith.divsi %mul3A_1069, %jit3A_1070 : i32
      %sign3A_1072 = arith.constant 0 : i32
      %sign3A_1073 = arith.cmpi sgt, %mul3A_1069, %sign3A_1072 : i32
      %sign3A_1074 = arith.extui %sign3A_1073 : i1 to i32
      %sign3A_1075 = arith.constant 0 : i32
      %sign3A_1076 = arith.cmpi slt, %mul3A_1069, %sign3A_1075 : i32
      %sign3A_1077 = arith.extui %sign3A_1076 : i1 to i32
      %sign3A_1078 = arith.subi %sign3A_1074, %sign3A_1077 : i32
      %sign3A_1079 = arith.constant 0 : i32
      %sign3A_1080 = arith.cmpi sgt, %jit3A_1070, %sign3A_1079 : i32
      %sign3A_1081 = arith.extui %sign3A_1080 : i1 to i32
      %sign3A_1082 = arith.constant 0 : i32
      %sign3A_1083 = arith.cmpi slt, %jit3A_1070, %sign3A_1082 : i32
      %sign3A_1084 = arith.extui %sign3A_1083 : i1 to i32
      %sign3A_1085 = arith.subi %sign3A_1081, %sign3A_1084 : i32
      %ne3A_1086 = arith.cmpi ne, %sign3A_1078, %sign3A_1085 : i32
      %rem3A_1087 = arith.remsi %mul3A_1069, %jit3A_1070 : i32
      %ne3A_1088 = arith.constant 0 : i32
      %ne3A_1089 = arith.cmpi ne, %rem3A_1087, %ne3A_1088 : i32
      %and3A_1090 = arith.andi %ne3A_1086, %ne3A_1089 : i1
      %sub3A_1091 = arith.constant 1 : i32
      %sub3A_1092 = arith.subi %div3A_1071, %sub3A_1091 : i32
      %select_n3A_1093 = arith.select %and3A_1090, %sub3A_1092, %div3A_1071 : i32
      %add3A_1094 = arith.constant 0 : i32
      %add3A_1095 = arith.addi %select_n3A_1093, %add3A_1094 : i32
      %add3A_1096 = vector.broadcast %add3A_1095 : i32 to vector<16xi32>
      %add3A_1097 = arith.addi %add3A_1096, %iota3A : vector<16xi32>
      %min3A_1098 = arith.constant 7039 : i32
      %min3A_1099 = vector.broadcast %min3A_1098 : i32 to vector<16xi32>
      %min3A_1100 = arith.minsi %add3A_1097, %min3A_1099 : vector<16xi32>
      %gather3A_1101 = tpu.vector_load_idx %arg9[%min3A_1100] : memref<7040xf32, #tpu.memory_space<vmem>>[vector<16xi32>], vector<16xf32>,
      %get3A_1102 = arith.constant 0 : index
      %get3A_1103 = tpu.vector_load %arg11[%get3A_1102] {strides = array<i32>} : memref<128xf32, #tpu.memory_space<vmem>>, vector<16xf32>,
      %mul3A_1104 = arith.mulf %gather3A_1101, %get3A_1103 : vector<16xf32>
      %add3A_1105 = arith.addf %broadcast_in_dim3A_0, %mul3A_1104 : vector<16xf32>
      %add3A_1106 = arith.constant 16 : i32
      %add3A_1107 = arith.addi %select_n3A_1093, %add3A_1106 : i32
      %add3A_1108 = vector.broadcast %add3A_1107 : i32 to vector<16xi32>
      %add3A_1109 = arith.addi %add3A_1108, %iota3A : vector<16xi32>
      %min3A_1110 = arith.constant 7039 : i32
      %min3A_1111 = vector.broadcast %min3A_1110 : i32 to vector<16xi32>
      %min3A_1112 = arith.minsi %add3A_1109, %min3A_1111 : vector<16xi32>
      %gather3A_1113 = tpu.vector_load_idx %arg9[%min3A_1112] : memref<7040xf32, #tpu.memory_space<vmem>>[vector<16xi32>], vector<16xf32>,
      %get3A_1114 = arith.constant 16 : index
      %get3A_1115 = tpu.vector_load %arg11[%get3A_1114] {strides = array<i32>} : memref<128xf32, #tpu.memory_space<vmem>>, vector<16xf32>,
      %mul3A_1116 = arith.mulf %gather3A_1113, %get3A_1115 : vector<16xf32>
      %add3A_1117 = arith.addf %add3A_1105, %mul3A_1116 : vector<16xf32>
      %add3A_1118 = arith.constant 32 : i32
      %add3A_1119 = arith.addi %select_n3A_1093, %add3A_1118 : i32
      %add3A_1120 = vector.broadcast %add3A_1119 : i32 to vector<16xi32>
      %add3A_1121 = arith.addi %add3A_1120, %iota3A : vector<16xi32>
      %min3A_1122 = arith.constant 7039 : i32
      %min3A_1123 = vector.broadcast %min3A_1122 : i32 to vector<16xi32>
      %min3A_1124 = arith.minsi %add3A_1121, %min3A_1123 : vector<16xi32>
      %gather3A_1125 = tpu.vector_load_idx %arg9[%min3A_1124] : memref<7040xf32, #tpu.memory_space<vmem>>[vector<16xi32>], vector<16xf32>,
      %get3A_1126 = arith.constant 32 : index
      %get3A_1127 = tpu.vector_load %arg11[%get3A_1126] {strides = array<i32>} : memref<128xf32, #tpu.memory_space<vmem>>, vector<16xf32>,
      %mul3A_1128 = arith.mulf %gather3A_1125, %get3A_1127 : vector<16xf32>
      %add3A_1129 = arith.addf %add3A_1117, %mul3A_1128 : vector<16xf32>
      %add3A_1130 = arith.constant 48 : i32
      %add3A_1131 = arith.addi %select_n3A_1093, %add3A_1130 : i32
      %add3A_1132 = vector.broadcast %add3A_1131 : i32 to vector<16xi32>
      %add3A_1133 = arith.addi %add3A_1132, %iota3A : vector<16xi32>
      %min3A_1134 = arith.constant 7039 : i32
      %min3A_1135 = vector.broadcast %min3A_1134 : i32 to vector<16xi32>
      %min3A_1136 = arith.minsi %add3A_1133, %min3A_1135 : vector<16xi32>
      %gather3A_1137 = tpu.vector_load_idx %arg9[%min3A_1136] : memref<7040xf32, #tpu.memory_space<vmem>>[vector<16xi32>], vector<16xf32>,
      %get3A_1138 = arith.constant 48 : index
      %get3A_1139 = tpu.vector_load %arg11[%get3A_1138] {strides = array<i32>} : memref<128xf32, #tpu.memory_space<vmem>>, vector<16xf32>,
      %mul3A_1140 = arith.mulf %gather3A_1137, %get3A_1139 : vector<16xf32>
      %add3A_1141 = arith.addf %add3A_1129, %mul3A_1140 : vector<16xf32>
      %add3A_1142 = arith.constant 64 : i32
      %add3A_1143 = arith.addi %select_n3A_1093, %add3A_1142 : i32
      %add3A_1144 = vector.broadcast %add3A_1143 : i32 to vector<16xi32>
      %add3A_1145 = arith.addi %add3A_1144, %iota3A : vector<16xi32>
      %min3A_1146 = arith.constant 7039 : i32
      %min3A_1147 = vector.broadcast %min3A_1146 : i32 to vector<16xi32>
      %min3A_1148 = arith.minsi %add3A_1145, %min3A_1147 : vector<16xi32>
      %gather3A_1149 = tpu.vector_load_idx %arg9[%min3A_1148] : memref<7040xf32, #tpu.memory_space<vmem>>[vector<16xi32>], vector<16xf32>,
      %get3A_1150 = arith.constant 64 : index
      %get3A_1151 = tpu.vector_load %arg11[%get3A_1150] {strides = array<i32>} : memref<128xf32, #tpu.memory_space<vmem>>, vector<16xf32>,
      %mul3A_1152 = arith.mulf %gather3A_1149, %get3A_1151 : vector<16xf32>
      %add3A_1153 = arith.addf %add3A_1141, %mul3A_1152 : vector<16xf32>
      %add3A_1154 = arith.constant 80 : i32
      %add3A_1155 = arith.addi %select_n3A_1093, %add3A_1154 : i32
      %add3A_1156 = vector.broadcast %add3A_1155 : i32 to vector<16xi32>
      %add3A_1157 = arith.addi %add3A_1156, %iota3A : vector<16xi32>
      %min3A_1158 = arith.constant 7039 : i32
      %min3A_1159 = vector.broadcast %min3A_1158 : i32 to vector<16xi32>
      %min3A_1160 = arith.minsi %add3A_1157, %min3A_1159 : vector<16xi32>
      %gather3A_1161 = tpu.vector_load_idx %arg9[%min3A_1160] : memref<7040xf32, #tpu.memory_space<vmem>>[vector<16xi32>], vector<16xf32>,
      %get3A_1162 = arith.constant 80 : index
      %get3A_1163 = tpu.vector_load %arg11[%get3A_1162] {strides = array<i32>} : memref<128xf32, #tpu.memory_space<vmem>>, vector<16xf32>,
      %mul3A_1164 = arith.mulf %gather3A_1161, %get3A_1163 : vector<16xf32>
      %add3A_1165 = arith.addf %add3A_1153, %mul3A_1164 : vector<16xf32>
      %add3A_1166 = arith.constant 96 : i32
      %add3A_1167 = arith.addi %select_n3A_1093, %add3A_1166 : i32
      %add3A_1168 = vector.broadcast %add3A_1167 : i32 to vector<16xi32>
      %add3A_1169 = arith.addi %add3A_1168, %iota3A : vector<16xi32>
      %min3A_1170 = arith.constant 7039 : i32
      %min3A_1171 = vector.broadcast %min3A_1170 : i32 to vector<16xi32>
      %min3A_1172 = arith.minsi %add3A_1169, %min3A_1171 : vector<16xi32>
      %gather3A_1173 = tpu.vector_load_idx %arg9[%min3A_1172] : memref<7040xf32, #tpu.memory_space<vmem>>[vector<16xi32>], vector<16xf32>,
      %get3A_1174 = arith.constant 96 : index
      %get3A_1175 = tpu.vector_load %arg11[%get3A_1174] {strides = array<i32>} : memref<128xf32, #tpu.memory_space<vmem>>, vector<16xf32>,
      %mul3A_1176 = arith.mulf %gather3A_1173, %get3A_1175 : vector<16xf32>
      %add3A_1177 = arith.addf %add3A_1165, %mul3A_1176 : vector<16xf32>
      %add3A_1178 = arith.constant 112 : i32
      %add3A_1179 = arith.addi %select_n3A_1093, %add3A_1178 : i32
      %add3A_1180 = vector.broadcast %add3A_1179 : i32 to vector<16xi32>
      %add3A_1181 = arith.addi %add3A_1180, %iota3A : vector<16xi32>
      %min3A_1182 = arith.constant 7039 : i32
      %min3A_1183 = vector.broadcast %min3A_1182 : i32 to vector<16xi32>
      %min3A_1184 = arith.minsi %add3A_1181, %min3A_1183 : vector<16xi32>
      %gather3A_1185 = tpu.vector_load_idx %arg9[%min3A_1184] : memref<7040xf32, #tpu.memory_space<vmem>>[vector<16xi32>], vector<16xf32>,
      %get3A_1186 = arith.constant 112 : index
      %get3A_1187 = tpu.vector_load %arg11[%get3A_1186] {strides = array<i32>} : memref<128xf32, #tpu.memory_space<vmem>>, vector<16xf32>,
      %mul3A_1188 = arith.mulf %gather3A_1185, %get3A_1187 : vector<16xf32>
      %add3A_1189 = arith.addf %add3A_1177, %mul3A_1188 : vector<16xf32>
      %broadcast_in_dim3A_1190 = arith.constant 0 : i32
      %broadcast_in_dim3A_1191 = vector.broadcast %broadcast_in_dim3A_1190 : i32 to vector<16xi32>
      %add3A_1192 = vector.broadcast %add3A_1066 : i32 to vector<16xi32>
      %add3A_1193 = arith.addi %broadcast_in_dim3A_1191, %add3A_1192 : vector<16xi32>
      %gather3A_1194 = tpu.vector_load_idx %arg11[%add3A_1193] : memref<128xf32, #tpu.memory_space<vmem>>[vector<16xi32>], vector<16xf32>,
      %mul3A_1195 = arith.mulf %gather3A_1194, %add3A_1189 : vector<16xf32>
      %add3A_1196 = arith.addf %add3A_1064, %mul3A_1195 : vector<16xf32>
      %add3A_1197 = arith.constant 96 : i32
      %add3A_1198 = arith.addi %arg1, %add3A_1197 : i32
      %add3A_1199 = arith.constant 1 : i32
      %add3A_1200 = arith.addi %add3A_1198, %add3A_1199 : i32
      %mul3A_1201 = arith.muli %add3A_1198, %add3A_1200 : i32
      %jit3A_1202 = arith.constant 2 : i32
      %div3A_1203 = arith.divsi %mul3A_1201, %jit3A_1202 : i32
      %sign3A_1204 = arith.constant 0 : i32
      %sign3A_1205 = arith.cmpi sgt, %mul3A_1201, %sign3A_1204 : i32
      %sign3A_1206 = arith.extui %sign3A_1205 : i1 to i32
      %sign3A_1207 = arith.constant 0 : i32
      %sign3A_1208 = arith.cmpi slt, %mul3A_1201, %sign3A_1207 : i32
      %sign3A_1209 = arith.extui %sign3A_1208 : i1 to i32
      %sign3A_1210 = arith.subi %sign3A_1206, %sign3A_1209 : i32
      %sign3A_1211 = arith.constant 0 : i32
      %sign3A_1212 = arith.cmpi sgt, %jit3A_1202, %sign3A_1211 : i32
      %sign3A_1213 = arith.extui %sign3A_1212 : i1 to i32
      %sign3A_1214 = arith.constant 0 : i32
      %sign3A_1215 = arith.cmpi slt, %jit3A_1202, %sign3A_1214 : i32
      %sign3A_1216 = arith.extui %sign3A_1215 : i1 to i32
      %sign3A_1217 = arith.subi %sign3A_1213, %sign3A_1216 : i32
      %ne3A_1218 = arith.cmpi ne, %sign3A_1210, %sign3A_1217 : i32
      %rem3A_1219 = arith.remsi %mul3A_1201, %jit3A_1202 : i32
      %ne3A_1220 = arith.constant 0 : i32
      %ne3A_1221 = arith.cmpi ne, %rem3A_1219, %ne3A_1220 : i32
      %and3A_1222 = arith.andi %ne3A_1218, %ne3A_1221 : i1
      %sub3A_1223 = arith.constant 1 : i32
      %sub3A_1224 = arith.subi %div3A_1203, %sub3A_1223 : i32
      %select_n3A_1225 = arith.select %and3A_1222, %sub3A_1224, %div3A_1203 : i32
      %add3A_1226 = arith.constant 0 : i32
      %add3A_1227 = arith.addi %select_n3A_1225, %add3A_1226 : i32
      %add3A_1228 = vector.broadcast %add3A_1227 : i32 to vector<16xi32>
      %add3A_1229 = arith.addi %add3A_1228, %iota3A : vector<16xi32>
      %min3A_1230 = arith.constant 7039 : i32
      %min3A_1231 = vector.broadcast %min3A_1230 : i32 to vector<16xi32>
      %min3A_1232 = arith.minsi %add3A_1229, %min3A_1231 : vector<16xi32>
      %gather3A_1233 = tpu.vector_load_idx %arg9[%min3A_1232] : memref<7040xf32, #tpu.memory_space<vmem>>[vector<16xi32>], vector<16xf32>,
      %get3A_1234 = arith.constant 0 : index
      %get3A_1235 = tpu.vector_load %arg11[%get3A_1234] {strides = array<i32>} : memref<128xf32, #tpu.memory_space<vmem>>, vector<16xf32>,
      %mul3A_1236 = arith.mulf %gather3A_1233, %get3A_1235 : vector<16xf32>
      %add3A_1237 = arith.addf %broadcast_in_dim3A_0, %mul3A_1236 : vector<16xf32>
      %add3A_1238 = arith.constant 16 : i32
      %add3A_1239 = arith.addi %select_n3A_1225, %add3A_1238 : i32
      %add3A_1240 = vector.broadcast %add3A_1239 : i32 to vector<16xi32>
      %add3A_1241 = arith.addi %add3A_1240, %iota3A : vector<16xi32>
      %min3A_1242 = arith.constant 7039 : i32
      %min3A_1243 = vector.broadcast %min3A_1242 : i32 to vector<16xi32>
      %min3A_1244 = arith.minsi %add3A_1241, %min3A_1243 : vector<16xi32>
      %gather3A_1245 = tpu.vector_load_idx %arg9[%min3A_1244] : memref<7040xf32, #tpu.memory_space<vmem>>[vector<16xi32>], vector<16xf32>,
      %get3A_1246 = arith.constant 16 : index
      %get3A_1247 = tpu.vector_load %arg11[%get3A_1246] {strides = array<i32>} : memref<128xf32, #tpu.memory_space<vmem>>, vector<16xf32>,
      %mul3A_1248 = arith.mulf %gather3A_1245, %get3A_1247 : vector<16xf32>
      %add3A_1249 = arith.addf %add3A_1237, %mul3A_1248 : vector<16xf32>
      %add3A_1250 = arith.constant 32 : i32
      %add3A_1251 = arith.addi %select_n3A_1225, %add3A_1250 : i32
      %add3A_1252 = vector.broadcast %add3A_1251 : i32 to vector<16xi32>
      %add3A_1253 = arith.addi %add3A_1252, %iota3A : vector<16xi32>
      %min3A_1254 = arith.constant 7039 : i32
      %min3A_1255 = vector.broadcast %min3A_1254 : i32 to vector<16xi32>
      %min3A_1256 = arith.minsi %add3A_1253, %min3A_1255 : vector<16xi32>
      %gather3A_1257 = tpu.vector_load_idx %arg9[%min3A_1256] : memref<7040xf32, #tpu.memory_space<vmem>>[vector<16xi32>], vector<16xf32>,
      %get3A_1258 = arith.constant 32 : index
      %get3A_1259 = tpu.vector_load %arg11[%get3A_1258] {strides = array<i32>} : memref<128xf32, #tpu.memory_space<vmem>>, vector<16xf32>,
      %mul3A_1260 = arith.mulf %gather3A_1257, %get3A_1259 : vector<16xf32>
      %add3A_1261 = arith.addf %add3A_1249, %mul3A_1260 : vector<16xf32>
      %add3A_1262 = arith.constant 48 : i32
      %add3A_1263 = arith.addi %select_n3A_1225, %add3A_1262 : i32
      %add3A_1264 = vector.broadcast %add3A_1263 : i32 to vector<16xi32>
      %add3A_1265 = arith.addi %add3A_1264, %iota3A : vector<16xi32>
      %min3A_1266 = arith.constant 7039 : i32
      %min3A_1267 = vector.broadcast %min3A_1266 : i32 to vector<16xi32>
      %min3A_1268 = arith.minsi %add3A_1265, %min3A_1267 : vector<16xi32>
      %gather3A_1269 = tpu.vector_load_idx %arg9[%min3A_1268] : memref<7040xf32, #tpu.memory_space<vmem>>[vector<16xi32>], vector<16xf32>,
      %get3A_1270 = arith.constant 48 : index
      %get3A_1271 = tpu.vector_load %arg11[%get3A_1270] {strides = array<i32>} : memref<128xf32, #tpu.memory_space<vmem>>, vector<16xf32>,
      %mul3A_1272 = arith.mulf %gather3A_1269, %get3A_1271 : vector<16xf32>
      %add3A_1273 = arith.addf %add3A_1261, %mul3A_1272 : vector<16xf32>
      %add3A_1274 = arith.constant 64 : i32
      %add3A_1275 = arith.addi %select_n3A_1225, %add3A_1274 : i32
      %add3A_1276 = vector.broadcast %add3A_1275 : i32 to vector<16xi32>
      %add3A_1277 = arith.addi %add3A_1276, %iota3A : vector<16xi32>
      %min3A_1278 = arith.constant 7039 : i32
      %min3A_1279 = vector.broadcast %min3A_1278 : i32 to vector<16xi32>
      %min3A_1280 = arith.minsi %add3A_1277, %min3A_1279 : vector<16xi32>
      %gather3A_1281 = tpu.vector_load_idx %arg9[%min3A_1280] : memref<7040xf32, #tpu.memory_space<vmem>>[vector<16xi32>], vector<16xf32>,
      %get3A_1282 = arith.constant 64 : index
      %get3A_1283 = tpu.vector_load %arg11[%get3A_1282] {strides = array<i32>} : memref<128xf32, #tpu.memory_space<vmem>>, vector<16xf32>,
      %mul3A_1284 = arith.mulf %gather3A_1281, %get3A_1283 : vector<16xf32>
      %add3A_1285 = arith.addf %add3A_1273, %mul3A_1284 : vector<16xf32>
      %add3A_1286 = arith.constant 80 : i32
      %add3A_1287 = arith.addi %select_n3A_1225, %add3A_1286 : i32
      %add3A_1288 = vector.broadcast %add3A_1287 : i32 to vector<16xi32>
      %add3A_1289 = arith.addi %add3A_1288, %iota3A : vector<16xi32>
      %min3A_1290 = arith.constant 7039 : i32
      %min3A_1291 = vector.broadcast %min3A_1290 : i32 to vector<16xi32>
      %min3A_1292 = arith.minsi %add3A_1289, %min3A_1291 : vector<16xi32>
      %gather3A_1293 = tpu.vector_load_idx %arg9[%min3A_1292] : memref<7040xf32, #tpu.memory_space<vmem>>[vector<16xi32>], vector<16xf32>,
      %get3A_1294 = arith.constant 80 : index
      %get3A_1295 = tpu.vector_load %arg11[%get3A_1294] {strides = array<i32>} : memref<128xf32, #tpu.memory_space<vmem>>, vector<16xf32>,
      %mul3A_1296 = arith.mulf %gather3A_1293, %get3A_1295 : vector<16xf32>
      %add3A_1297 = arith.addf %add3A_1285, %mul3A_1296 : vector<16xf32>
      %add3A_1298 = arith.constant 96 : i32
      %add3A_1299 = arith.addi %select_n3A_1225, %add3A_1298 : i32
      %add3A_1300 = vector.broadcast %add3A_1299 : i32 to vector<16xi32>
      %add3A_1301 = arith.addi %add3A_1300, %iota3A : vector<16xi32>
      %min3A_1302 = arith.constant 7039 : i32
      %min3A_1303 = vector.broadcast %min3A_1302 : i32 to vector<16xi32>
      %min3A_1304 = arith.minsi %add3A_1301, %min3A_1303 : vector<16xi32>
      %gather3A_1305 = tpu.vector_load_idx %arg9[%min3A_1304] : memref<7040xf32, #tpu.memory_space<vmem>>[vector<16xi32>], vector<16xf32>,
      %get3A_1306 = arith.constant 96 : index
      %get3A_1307 = tpu.vector_load %arg11[%get3A_1306] {strides = array<i32>} : memref<128xf32, #tpu.memory_space<vmem>>, vector<16xf32>,
      %mul3A_1308 = arith.mulf %gather3A_1305, %get3A_1307 : vector<16xf32>
      %add3A_1309 = arith.addf %add3A_1297, %mul3A_1308 : vector<16xf32>
      %add3A_1310 = arith.constant 112 : i32
      %add3A_1311 = arith.addi %select_n3A_1225, %add3A_1310 : i32
      %add3A_1312 = vector.broadcast %add3A_1311 : i32 to vector<16xi32>
      %add3A_1313 = arith.addi %add3A_1312, %iota3A : vector<16xi32>
      %min3A_1314 = arith.constant 7039 : i32
      %min3A_1315 = vector.broadcast %min3A_1314 : i32 to vector<16xi32>
      %min3A_1316 = arith.minsi %add3A_1313, %min3A_1315 : vector<16xi32>
      %gather3A_1317 = tpu.vector_load_idx %arg9[%min3A_1316] : memref<7040xf32, #tpu.memory_space<vmem>>[vector<16xi32>], vector<16xf32>,
      %get3A_1318 = arith.constant 112 : index
      %get3A_1319 = tpu.vector_load %arg11[%get3A_1318] {strides = array<i32>} : memref<128xf32, #tpu.memory_space<vmem>>, vector<16xf32>,
      %mul3A_1320 = arith.mulf %gather3A_1317, %get3A_1319 : vector<16xf32>
      %add3A_1321 = arith.addf %add3A_1309, %mul3A_1320 : vector<16xf32>
      %broadcast_in_dim3A_1322 = arith.constant 0 : i32
      %broadcast_in_dim3A_1323 = vector.broadcast %broadcast_in_dim3A_1322 : i32 to vector<16xi32>
      %add3A_1324 = vector.broadcast %add3A_1198 : i32 to vector<16xi32>
      %add3A_1325 = arith.addi %broadcast_in_dim3A_1323, %add3A_1324 : vector<16xi32>
      %gather3A_1326 = tpu.vector_load_idx %arg11[%add3A_1325] : memref<128xf32, #tpu.memory_space<vmem>>[vector<16xi32>], vector<16xf32>,
      %mul3A_1327 = arith.mulf %gather3A_1326, %add3A_1321 : vector<16xf32>
      %add3A_1328 = arith.addf %add3A_1196, %mul3A_1327 : vector<16xf32>
      %add3A_1329 = arith.constant 112 : i32
      %add3A_1330 = arith.addi %arg1, %add3A_1329 : i32
      %add3A_1331 = arith.constant 1 : i32
      %add3A_1332 = arith.addi %add3A_1330, %add3A_1331 : i32
      %mul3A_1333 = arith.muli %add3A_1330, %add3A_1332 : i32
      %jit3A_1334 = arith.constant 2 : i32
      %div3A_1335 = arith.divsi %mul3A_1333, %jit3A_1334 : i32
      %sign3A_1336 = arith.constant 0 : i32
      %sign3A_1337 = arith.cmpi sgt, %mul3A_1333, %sign3A_1336 : i32
      %sign3A_1338 = arith.extui %sign3A_1337 : i1 to i32
      %sign3A_1339 = arith.constant 0 : i32
      %sign3A_1340 = arith.cmpi slt, %mul3A_1333, %sign3A_1339 : i32
      %sign3A_1341 = arith.extui %sign3A_1340 : i1 to i32
      %sign3A_1342 = arith.subi %sign3A_1338, %sign3A_1341 : i32
      %sign3A_1343 = arith.constant 0 : i32
      %sign3A_1344 = arith.cmpi sgt, %jit3A_1334, %sign3A_1343 : i32
      %sign3A_1345 = arith.extui %sign3A_1344 : i1 to i32
      %sign3A_1346 = arith.constant 0 : i32
      %sign3A_1347 = arith.cmpi slt, %jit3A_1334, %sign3A_1346 : i32
      %sign3A_1348 = arith.extui %sign3A_1347 : i1 to i32
      %sign3A_1349 = arith.subi %sign3A_1345, %sign3A_1348 : i32
      %ne3A_1350 = arith.cmpi ne, %sign3A_1342, %sign3A_1349 : i32
      %rem3A_1351 = arith.remsi %mul3A_1333, %jit3A_1334 : i32
      %ne3A_1352 = arith.constant 0 : i32
      %ne3A_1353 = arith.cmpi ne, %rem3A_1351, %ne3A_1352 : i32
      %and3A_1354 = arith.andi %ne3A_1350, %ne3A_1353 : i1
      %sub3A_1355 = arith.constant 1 : i32
      %sub3A_1356 = arith.subi %div3A_1335, %sub3A_1355 : i32
      %select_n3A_1357 = arith.select %and3A_1354, %sub3A_1356, %div3A_1335 : i32
      %add3A_1358 = arith.constant 0 : i32
      %add3A_1359 = arith.addi %select_n3A_1357, %add3A_1358 : i32
      %add3A_1360 = vector.broadcast %add3A_1359 : i32 to vector<16xi32>
      %add3A_1361 = arith.addi %add3A_1360, %iota3A : vector<16xi32>
      %min3A_1362 = arith.constant 7039 : i32
      %min3A_1363 = vector.broadcast %min3A_1362 : i32 to vector<16xi32>
      %min3A_1364 = arith.minsi %add3A_1361, %min3A_1363 : vector<16xi32>
      %gather3A_1365 = tpu.vector_load_idx %arg9[%min3A_1364] : memref<7040xf32, #tpu.memory_space<vmem>>[vector<16xi32>], vector<16xf32>,
      %get3A_1366 = arith.constant 0 : index
      %get3A_1367 = tpu.vector_load %arg11[%get3A_1366] {strides = array<i32>} : memref<128xf32, #tpu.memory_space<vmem>>, vector<16xf32>,
      %mul3A_1368 = arith.mulf %gather3A_1365, %get3A_1367 : vector<16xf32>
      %add3A_1369 = arith.addf %broadcast_in_dim3A_0, %mul3A_1368 : vector<16xf32>
      %add3A_1370 = arith.constant 16 : i32
      %add3A_1371 = arith.addi %select_n3A_1357, %add3A_1370 : i32
      %add3A_1372 = vector.broadcast %add3A_1371 : i32 to vector<16xi32>
      %add3A_1373 = arith.addi %add3A_1372, %iota3A : vector<16xi32>
      %min3A_1374 = arith.constant 7039 : i32
      %min3A_1375 = vector.broadcast %min3A_1374 : i32 to vector<16xi32>
      %min3A_1376 = arith.minsi %add3A_1373, %min3A_1375 : vector<16xi32>
      %gather3A_1377 = tpu.vector_load_idx %arg9[%min3A_1376] : memref<7040xf32, #tpu.memory_space<vmem>>[vector<16xi32>], vector<16xf32>,
      %get3A_1378 = arith.constant 16 : index
      %get3A_1379 = tpu.vector_load %arg11[%get3A_1378] {strides = array<i32>} : memref<128xf32, #tpu.memory_space<vmem>>, vector<16xf32>,
      %mul3A_1380 = arith.mulf %gather3A_1377, %get3A_1379 : vector<16xf32>
      %add3A_1381 = arith.addf %add3A_1369, %mul3A_1380 : vector<16xf32>
      %add3A_1382 = arith.constant 32 : i32
      %add3A_1383 = arith.addi %select_n3A_1357, %add3A_1382 : i32
      %add3A_1384 = vector.broadcast %add3A_1383 : i32 to vector<16xi32>
      %add3A_1385 = arith.addi %add3A_1384, %iota3A : vector<16xi32>
      %min3A_1386 = arith.constant 7039 : i32
      %min3A_1387 = vector.broadcast %min3A_1386 : i32 to vector<16xi32>
      %min3A_1388 = arith.minsi %add3A_1385, %min3A_1387 : vector<16xi32>
      %gather3A_1389 = tpu.vector_load_idx %arg9[%min3A_1388] : memref<7040xf32, #tpu.memory_space<vmem>>[vector<16xi32>], vector<16xf32>,
      %get3A_1390 = arith.constant 32 : index
      %get3A_1391 = tpu.vector_load %arg11[%get3A_1390] {strides = array<i32>} : memref<128xf32, #tpu.memory_space<vmem>>, vector<16xf32>,
      %mul3A_1392 = arith.mulf %gather3A_1389, %get3A_1391 : vector<16xf32>
      %add3A_1393 = arith.addf %add3A_1381, %mul3A_1392 : vector<16xf32>
      %add3A_1394 = arith.constant 48 : i32
      %add3A_1395 = arith.addi %select_n3A_1357, %add3A_1394 : i32
      %add3A_1396 = vector.broadcast %add3A_1395 : i32 to vector<16xi32>
      %add3A_1397 = arith.addi %add3A_1396, %iota3A : vector<16xi32>
      %min3A_1398 = arith.constant 7039 : i32
      %min3A_1399 = vector.broadcast %min3A_1398 : i32 to vector<16xi32>
      %min3A_1400 = arith.minsi %add3A_1397, %min3A_1399 : vector<16xi32>
      %gather3A_1401 = tpu.vector_load_idx %arg9[%min3A_1400] : memref<7040xf32, #tpu.memory_space<vmem>>[vector<16xi32>], vector<16xf32>,
      %get3A_1402 = arith.constant 48 : index
      %get3A_1403 = tpu.vector_load %arg11[%get3A_1402] {strides = array<i32>} : memref<128xf32, #tpu.memory_space<vmem>>, vector<16xf32>,
      %mul3A_1404 = arith.mulf %gather3A_1401, %get3A_1403 : vector<16xf32>
      %add3A_1405 = arith.addf %add3A_1393, %mul3A_1404 : vector<16xf32>
      %add3A_1406 = arith.constant 64 : i32
      %add3A_1407 = arith.addi %select_n3A_1357, %add3A_1406 : i32
      %add3A_1408 = vector.broadcast %add3A_1407 : i32 to vector<16xi32>
      %add3A_1409 = arith.addi %add3A_1408, %iota3A : vector<16xi32>
      %min3A_1410 = arith.constant 7039 : i32
      %min3A_1411 = vector.broadcast %min3A_1410 : i32 to vector<16xi32>
      %min3A_1412 = arith.minsi %add3A_1409, %min3A_1411 : vector<16xi32>
      %gather3A_1413 = tpu.vector_load_idx %arg9[%min3A_1412] : memref<7040xf32, #tpu.memory_space<vmem>>[vector<16xi32>], vector<16xf32>,
      %get3A_1414 = arith.constant 64 : index
      %get3A_1415 = tpu.vector_load %arg11[%get3A_1414] {strides = array<i32>} : memref<128xf32, #tpu.memory_space<vmem>>, vector<16xf32>,
      %mul3A_1416 = arith.mulf %gather3A_1413, %get3A_1415 : vector<16xf32>
      %add3A_1417 = arith.addf %add3A_1405, %mul3A_1416 : vector<16xf32>
      %add3A_1418 = arith.constant 80 : i32
      %add3A_1419 = arith.addi %select_n3A_1357, %add3A_1418 : i32
      %add3A_1420 = vector.broadcast %add3A_1419 : i32 to vector<16xi32>
      %add3A_1421 = arith.addi %add3A_1420, %iota3A : vector<16xi32>
      %min3A_1422 = arith.constant 7039 : i32
      %min3A_1423 = vector.broadcast %min3A_1422 : i32 to vector<16xi32>
      %min3A_1424 = arith.minsi %add3A_1421, %min3A_1423 : vector<16xi32>
      %gather3A_1425 = tpu.vector_load_idx %arg9[%min3A_1424] : memref<7040xf32, #tpu.memory_space<vmem>>[vector<16xi32>], vector<16xf32>,
      %get3A_1426 = arith.constant 80 : index
      %get3A_1427 = tpu.vector_load %arg11[%get3A_1426] {strides = array<i32>} : memref<128xf32, #tpu.memory_space<vmem>>, vector<16xf32>,
      %mul3A_1428 = arith.mulf %gather3A_1425, %get3A_1427 : vector<16xf32>
      %add3A_1429 = arith.addf %add3A_1417, %mul3A_1428 : vector<16xf32>
      %add3A_1430 = arith.constant 96 : i32
      %add3A_1431 = arith.addi %select_n3A_1357, %add3A_1430 : i32
      %add3A_1432 = vector.broadcast %add3A_1431 : i32 to vector<16xi32>
      %add3A_1433 = arith.addi %add3A_1432, %iota3A : vector<16xi32>
      %min3A_1434 = arith.constant 7039 : i32
      %min3A_1435 = vector.broadcast %min3A_1434 : i32 to vector<16xi32>
      %min3A_1436 = arith.minsi %add3A_1433, %min3A_1435 : vector<16xi32>
      %gather3A_1437 = tpu.vector_load_idx %arg9[%min3A_1436] : memref<7040xf32, #tpu.memory_space<vmem>>[vector<16xi32>], vector<16xf32>,
      %get3A_1438 = arith.constant 96 : index
      %get3A_1439 = tpu.vector_load %arg11[%get3A_1438] {strides = array<i32>} : memref<128xf32, #tpu.memory_space<vmem>>, vector<16xf32>,
      %mul3A_1440 = arith.mulf %gather3A_1437, %get3A_1439 : vector<16xf32>
      %add3A_1441 = arith.addf %add3A_1429, %mul3A_1440 : vector<16xf32>
      %add3A_1442 = arith.constant 112 : i32
      %add3A_1443 = arith.addi %select_n3A_1357, %add3A_1442 : i32
      %add3A_1444 = vector.broadcast %add3A_1443 : i32 to vector<16xi32>
      %add3A_1445 = arith.addi %add3A_1444, %iota3A : vector<16xi32>
      %min3A_1446 = arith.constant 7039 : i32
      %min3A_1447 = vector.broadcast %min3A_1446 : i32 to vector<16xi32>
      %min3A_1448 = arith.minsi %add3A_1445, %min3A_1447 : vector<16xi32>
      %gather3A_1449 = tpu.vector_load_idx %arg9[%min3A_1448] : memref<7040xf32, #tpu.memory_space<vmem>>[vector<16xi32>], vector<16xf32>,
      %get3A_1450 = arith.constant 112 : index
      %get3A_1451 = tpu.vector_load %arg11[%get3A_1450] {strides = array<i32>} : memref<128xf32, #tpu.memory_space<vmem>>, vector<16xf32>,
      %mul3A_1452 = arith.mulf %gather3A_1449, %get3A_1451 : vector<16xf32>
      %add3A_1453 = arith.addf %add3A_1441, %mul3A_1452 : vector<16xf32>
      %broadcast_in_dim3A_1454 = arith.constant 0 : i32
      %broadcast_in_dim3A_1455 = vector.broadcast %broadcast_in_dim3A_1454 : i32 to vector<16xi32>
      %add3A_1456 = vector.broadcast %add3A_1330 : i32 to vector<16xi32>
      %add3A_1457 = arith.addi %broadcast_in_dim3A_1455, %add3A_1456 : vector<16xi32>
      %gather3A_1458 = tpu.vector_load_idx %arg11[%add3A_1457] : memref<128xf32, #tpu.memory_space<vmem>>[vector<16xi32>], vector<16xf32>,
      %mul3A_1459 = arith.mulf %gather3A_1458, %add3A_1453 : vector<16xf32>
      %add3A_1460 = arith.addf %add3A_1328, %mul3A_1459 : vector<16xf32>
      %swap3A_1461 = arith.constant 0 : index
      %swap3A_1462 = tpu.vector_load %arg15[%swap3A_1461] {strides = array<i32>} : memref<16xf32, #tpu.memory_space<vmem>>, vector<16xf32>,
      tpu.vector_store %arg15[%swap3A_1461], %add3A_1460 {strides = array<i32>} : memref<16xf32, #tpu.memory_space<vmem>>, vector<16xf32>,
      %mul3A_1463 = arith.constant 16 : i32
      %mul3A_1464 = arith.muli %arg1, %mul3A_1463 : i32
      "tpu.region"() ({
        %run_scoped3A = tpu.sem_alloc : memref<!tpu.dma_semaphore, #tpu.memory_space<semaphore_mem>>
        %dma_start3A = tpu.memref_slice %arg20[%mul3A_1464] : memref<256xf32, #tpu.memory_space<vmem_shared>> -> memref<16xf32, #tpu.memory_space<vmem_shared>>
        %dma_start3A_1465 = tpu.memref_slice %arg20[%mul3A_1464] : memref<256xf32, #tpu.memory_space<vmem_shared>> -> memref<16xf32, #tpu.memory_space<vmem_shared>>
        tpu.enqueue_dma source(%arg15 : memref<16xf32, #tpu.memory_space<vmem>>) target(%dma_start3A_1465 : memref<16xf32, #tpu.memory_space<vmem_shared>>) target_semaphore(%run_scoped3A : memref<!tpu.dma_semaphore, #tpu.memory_space<semaphore_mem>>)
        %dma_wait3A = tpu.memref_slice %arg20[%mul3A_1464] : memref<256xf32, #tpu.memory_space<vmem_shared>> -> memref<16xf32, #tpu.memory_space<vmem_shared>>
        %dma_wait3A_1466 = tpu.memref_slice %arg20[%mul3A_1464] : memref<256xf32, #tpu.memory_space<vmem_shared>> -> memref<16xf32, #tpu.memory_space<vmem_shared>>
        tpu.wait_dma2 semaphore(%run_scoped3A : memref<!tpu.dma_semaphore, #tpu.memory_space<semaphore_mem>>) src(%arg15 : memref<16xf32, #tpu.memory_space<vmem>>) dst(%dma_wait3A_1466 : memref<16xf32, #tpu.memory_space<vmem_shared>>)
        tpu.yield
      }) : () -> ()
    } else {
    }
    %barrier3A_10 = arith.constant 0 : index
    tpu.barrier barrier_id(%barrier3A_10)
    %eq3A_11 = arith.constant 0 : i32
    %eq3A_12 = arith.cmpi eq, %arg0, %eq3A_11 : i32
    %eq3A_13 = arith.constant 0 : i32
    %eq3A_14 = arith.cmpi eq, %arg1, %eq3A_13 : i32
    %and3A = arith.andi %eq3A_12, %eq3A_14 : i1
    %convert_element_type3A_15 = arith.extui %and3A : i1 to i32
    %cond3A_16 = arith.constant 0 : i32
    %cond3A_17 = arith.cmpi ne, %convert_element_type3A_15, %cond3A_16 : i32
    scf.if %cond3A_17 {
      "tpu.region"() ({
        %run_scoped3A = tpu.sem_alloc : memref<!tpu.dma_semaphore, #tpu.memory_space<semaphore_mem>>
        tpu.enqueue_dma source(%arg5 : memref<16xf32, #tpu.memory_space<hbm>>) target(%arg16 : memref<16xf32, #tpu.memory_space<vmem>>) target_semaphore(%run_scoped3A : memref<!tpu.dma_semaphore, #tpu.memory_space<semaphore_mem>>)
        tpu.wait_dma2 semaphore(%run_scoped3A : memref<!tpu.dma_semaphore, #tpu.memory_space<semaphore_mem>>) src(%arg5 : memref<16xf32, #tpu.memory_space<hbm>>) dst(%arg16 : memref<16xf32, #tpu.memory_space<vmem>>)
        tpu.yield
      }) : () -> ()
      "tpu.region"() ({
        %run_scoped3A = tpu.sem_alloc : memref<!tpu.dma_semaphore, #tpu.memory_space<semaphore_mem>>
        tpu.enqueue_dma source(%arg20 : memref<256xf32, #tpu.memory_space<vmem_shared>>) target(%arg14 : memref<256xf32, #tpu.memory_space<vmem>>) target_semaphore(%run_scoped3A : memref<!tpu.dma_semaphore, #tpu.memory_space<semaphore_mem>>)
        tpu.wait_dma2 semaphore(%run_scoped3A : memref<!tpu.dma_semaphore, #tpu.memory_space<semaphore_mem>>) src(%arg20 : memref<256xf32, #tpu.memory_space<vmem_shared>>) dst(%arg14 : memref<256xf32, #tpu.memory_space<vmem>>)
        tpu.yield
      }) : () -> ()
      "tpu.region"() ({
        %run_scoped3A = tpu.sem_alloc : memref<!tpu.dma_semaphore, #tpu.memory_space<semaphore_mem>>
        tpu.enqueue_dma source(%arg19 : memref<256xf32, #tpu.memory_space<vmem_shared>>) target(%arg13 : memref<256xf32, #tpu.memory_space<vmem>>) target_semaphore(%run_scoped3A : memref<!tpu.dma_semaphore, #tpu.memory_space<semaphore_mem>>)
        tpu.wait_dma2 semaphore(%run_scoped3A : memref<!tpu.dma_semaphore, #tpu.memory_space<semaphore_mem>>) src(%arg19 : memref<256xf32, #tpu.memory_space<vmem_shared>>) dst(%arg13 : memref<256xf32, #tpu.memory_space<vmem>>)
        tpu.yield
      }) : () -> ()
      %get3A = arith.constant 0 : index
      %get3A_18 = tpu.vector_load %arg14[%get3A] {strides = array<i32>} : memref<256xf32, #tpu.memory_space<vmem>>, vector<16xf32>,
      %add3A = arith.addf %broadcast_in_dim3A_0, %get3A_18 : vector<16xf32>
      %get3A_19 = arith.constant 0 : index
      %get3A_20 = tpu.vector_load %arg13[%get3A_19] {strides = array<i32>} : memref<256xf32, #tpu.memory_space<vmem>>, vector<16xf32>,
      %add3A_21 = arith.addf %broadcast_in_dim3A_0, %get3A_20 : vector<16xf32>
      %get3A_22 = arith.constant 16 : index
      %get3A_23 = tpu.vector_load %arg14[%get3A_22] {strides = array<i32>} : memref<256xf32, #tpu.memory_space<vmem>>, vector<16xf32>,
      %add3A_24 = arith.addf %add3A, %get3A_23 : vector<16xf32>
      %get3A_25 = arith.constant 16 : index
      %get3A_26 = tpu.vector_load %arg13[%get3A_25] {strides = array<i32>} : memref<256xf32, #tpu.memory_space<vmem>>, vector<16xf32>,
      %add3A_27 = arith.addf %add3A_21, %get3A_26 : vector<16xf32>
      %get3A_28 = arith.constant 32 : index
      %get3A_29 = tpu.vector_load %arg14[%get3A_28] {strides = array<i32>} : memref<256xf32, #tpu.memory_space<vmem>>, vector<16xf32>,
      %add3A_30 = arith.addf %add3A_24, %get3A_29 : vector<16xf32>
      %get3A_31 = arith.constant 32 : index
      %get3A_32 = tpu.vector_load %arg13[%get3A_31] {strides = array<i32>} : memref<256xf32, #tpu.memory_space<vmem>>, vector<16xf32>,
      %add3A_33 = arith.addf %add3A_27, %get3A_32 : vector<16xf32>
      %get3A_34 = arith.constant 48 : index
      %get3A_35 = tpu.vector_load %arg14[%get3A_34] {strides = array<i32>} : memref<256xf32, #tpu.memory_space<vmem>>, vector<16xf32>,
      %add3A_36 = arith.addf %add3A_30, %get3A_35 : vector<16xf32>
      %get3A_37 = arith.constant 48 : index
      %get3A_38 = tpu.vector_load %arg13[%get3A_37] {strides = array<i32>} : memref<256xf32, #tpu.memory_space<vmem>>, vector<16xf32>,
      %add3A_39 = arith.addf %add3A_33, %get3A_38 : vector<16xf32>
      %get3A_40 = arith.constant 64 : index
      %get3A_41 = tpu.vector_load %arg14[%get3A_40] {strides = array<i32>} : memref<256xf32, #tpu.memory_space<vmem>>, vector<16xf32>,
      %add3A_42 = arith.addf %add3A_36, %get3A_41 : vector<16xf32>
      %get3A_43 = arith.constant 64 : index
      %get3A_44 = tpu.vector_load %arg13[%get3A_43] {strides = array<i32>} : memref<256xf32, #tpu.memory_space<vmem>>, vector<16xf32>,
      %add3A_45 = arith.addf %add3A_39, %get3A_44 : vector<16xf32>
      %get3A_46 = arith.constant 80 : index
      %get3A_47 = tpu.vector_load %arg14[%get3A_46] {strides = array<i32>} : memref<256xf32, #tpu.memory_space<vmem>>, vector<16xf32>,
      %add3A_48 = arith.addf %add3A_42, %get3A_47 : vector<16xf32>
      %get3A_49 = arith.constant 80 : index
      %get3A_50 = tpu.vector_load %arg13[%get3A_49] {strides = array<i32>} : memref<256xf32, #tpu.memory_space<vmem>>, vector<16xf32>,
      %add3A_51 = arith.addf %add3A_45, %get3A_50 : vector<16xf32>
      %get3A_52 = arith.constant 96 : index
      %get3A_53 = tpu.vector_load %arg14[%get3A_52] {strides = array<i32>} : memref<256xf32, #tpu.memory_space<vmem>>, vector<16xf32>,
      %add3A_54 = arith.addf %add3A_48, %get3A_53 : vector<16xf32>
      %get3A_55 = arith.constant 96 : index
      %get3A_56 = tpu.vector_load %arg13[%get3A_55] {strides = array<i32>} : memref<256xf32, #tpu.memory_space<vmem>>, vector<16xf32>,
      %add3A_57 = arith.addf %add3A_51, %get3A_56 : vector<16xf32>
      %get3A_58 = arith.constant 112 : index
      %get3A_59 = tpu.vector_load %arg14[%get3A_58] {strides = array<i32>} : memref<256xf32, #tpu.memory_space<vmem>>, vector<16xf32>,
      %add3A_60 = arith.addf %add3A_54, %get3A_59 : vector<16xf32>
      %get3A_61 = arith.constant 112 : index
      %get3A_62 = tpu.vector_load %arg13[%get3A_61] {strides = array<i32>} : memref<256xf32, #tpu.memory_space<vmem>>, vector<16xf32>,
      %add3A_63 = arith.addf %add3A_57, %get3A_62 : vector<16xf32>
      %get3A_64 = arith.constant 128 : index
      %get3A_65 = tpu.vector_load %arg14[%get3A_64] {strides = array<i32>} : memref<256xf32, #tpu.memory_space<vmem>>, vector<16xf32>,
      %add3A_66 = arith.addf %add3A_60, %get3A_65 : vector<16xf32>
      %get3A_67 = arith.constant 128 : index
      %get3A_68 = tpu.vector_load %arg13[%get3A_67] {strides = array<i32>} : memref<256xf32, #tpu.memory_space<vmem>>, vector<16xf32>,
      %add3A_69 = arith.addf %add3A_63, %get3A_68 : vector<16xf32>
      %get3A_70 = arith.constant 144 : index
      %get3A_71 = tpu.vector_load %arg14[%get3A_70] {strides = array<i32>} : memref<256xf32, #tpu.memory_space<vmem>>, vector<16xf32>,
      %add3A_72 = arith.addf %add3A_66, %get3A_71 : vector<16xf32>
      %get3A_73 = arith.constant 144 : index
      %get3A_74 = tpu.vector_load %arg13[%get3A_73] {strides = array<i32>} : memref<256xf32, #tpu.memory_space<vmem>>, vector<16xf32>,
      %add3A_75 = arith.addf %add3A_69, %get3A_74 : vector<16xf32>
      %get3A_76 = arith.constant 160 : index
      %get3A_77 = tpu.vector_load %arg14[%get3A_76] {strides = array<i32>} : memref<256xf32, #tpu.memory_space<vmem>>, vector<16xf32>,
      %add3A_78 = arith.addf %add3A_72, %get3A_77 : vector<16xf32>
      %get3A_79 = arith.constant 160 : index
      %get3A_80 = tpu.vector_load %arg13[%get3A_79] {strides = array<i32>} : memref<256xf32, #tpu.memory_space<vmem>>, vector<16xf32>,
      %add3A_81 = arith.addf %add3A_75, %get3A_80 : vector<16xf32>
      %get3A_82 = arith.constant 176 : index
      %get3A_83 = tpu.vector_load %arg14[%get3A_82] {strides = array<i32>} : memref<256xf32, #tpu.memory_space<vmem>>, vector<16xf32>,
      %add3A_84 = arith.addf %add3A_78, %get3A_83 : vector<16xf32>
      %get3A_85 = arith.constant 176 : index
      %get3A_86 = tpu.vector_load %arg13[%get3A_85] {strides = array<i32>} : memref<256xf32, #tpu.memory_space<vmem>>, vector<16xf32>,
      %add3A_87 = arith.addf %add3A_81, %get3A_86 : vector<16xf32>
      %get3A_88 = arith.constant 192 : index
      %get3A_89 = tpu.vector_load %arg14[%get3A_88] {strides = array<i32>} : memref<256xf32, #tpu.memory_space<vmem>>, vector<16xf32>,
      %add3A_90 = arith.addf %add3A_84, %get3A_89 : vector<16xf32>
      %get3A_91 = arith.constant 192 : index
      %get3A_92 = tpu.vector_load %arg13[%get3A_91] {strides = array<i32>} : memref<256xf32, #tpu.memory_space<vmem>>, vector<16xf32>,
      %add3A_93 = arith.addf %add3A_87, %get3A_92 : vector<16xf32>
      %get3A_94 = arith.constant 208 : index
      %get3A_95 = tpu.vector_load %arg14[%get3A_94] {strides = array<i32>} : memref<256xf32, #tpu.memory_space<vmem>>, vector<16xf32>,
      %add3A_96 = arith.addf %add3A_90, %get3A_95 : vector<16xf32>
      %get3A_97 = arith.constant 208 : index
      %get3A_98 = tpu.vector_load %arg13[%get3A_97] {strides = array<i32>} : memref<256xf32, #tpu.memory_space<vmem>>, vector<16xf32>,
      %add3A_99 = arith.addf %add3A_93, %get3A_98 : vector<16xf32>
      %get3A_100 = arith.constant 224 : index
      %get3A_101 = tpu.vector_load %arg14[%get3A_100] {strides = array<i32>} : memref<256xf32, #tpu.memory_space<vmem>>, vector<16xf32>,
      %add3A_102 = arith.addf %add3A_96, %get3A_101 : vector<16xf32>
      %get3A_103 = arith.constant 224 : index
      %get3A_104 = tpu.vector_load %arg13[%get3A_103] {strides = array<i32>} : memref<256xf32, #tpu.memory_space<vmem>>, vector<16xf32>,
      %add3A_105 = arith.addf %add3A_99, %get3A_104 : vector<16xf32>
      %get3A_106 = arith.constant 240 : index
      %get3A_107 = tpu.vector_load %arg14[%get3A_106] {strides = array<i32>} : memref<256xf32, #tpu.memory_space<vmem>>, vector<16xf32>,
      %add3A_108 = arith.addf %add3A_102, %get3A_107 : vector<16xf32>
      %get3A_109 = arith.constant 240 : index
      %get3A_110 = tpu.vector_load %arg13[%get3A_109] {strides = array<i32>} : memref<256xf32, #tpu.memory_space<vmem>>, vector<16xf32>,
      %add3A_111 = arith.addf %add3A_105, %get3A_110 : vector<16xf32>
      %reduce_sum3A = arith.constant true
      %reduce_sum3A_112 = vector.broadcast %reduce_sum3A : i1 to vector<16xi1>
      %reduce_sum3A_113 = tpu.scan <sum>, %add3A_108 masked %reduce_sum3A_112 : vector<16xf32>, vector<16xi1> -> vector<16xf32>
      %reduce_sum3A_114 = vector.extract %reduce_sum3A_113[15] : f32 from vector<16xf32>
      %eq3A_115 = arith.constant 0 : i32
      %eq3A_116 = vector.broadcast %eq3A_115 : i32 to vector<16xi32>
      %eq3A_117 = arith.cmpi eq, %iota3A, %eq3A_116 : vector<16xi32>
      %jit3A = arith.constant 0.000000e+00 : f32
      %broadcast_in_dim3A_118 = vector.broadcast %jit3A : f32 to vector<16xf32>
      %select_n3A = arith.select %eq3A_117, %add3A_111, %broadcast_in_dim3A_118 : vector<16xi1>, vector<16xf32>
      %reduce_sum3A_119 = arith.constant true
      %reduce_sum3A_120 = vector.broadcast %reduce_sum3A_119 : i1 to vector<16xi1>
      %reduce_sum3A_121 = tpu.scan <sum>, %select_n3A masked %reduce_sum3A_120 : vector<16xf32>, vector<16xi1> -> vector<16xf32>
      %reduce_sum3A_122 = vector.extract %reduce_sum3A_121[15] : f32 from vector<16xf32>
      %eq3A_123 = arith.constant 1 : i32
      %eq3A_124 = vector.broadcast %eq3A_123 : i32 to vector<16xi32>
      %eq3A_125 = arith.cmpi eq, %iota3A, %eq3A_124 : vector<16xi32>
      %jit3A_126 = arith.constant 0.000000e+00 : f32
      %broadcast_in_dim3A_127 = vector.broadcast %jit3A_126 : f32 to vector<16xf32>
      %select_n3A_128 = arith.select %eq3A_125, %add3A_111, %broadcast_in_dim3A_127 : vector<16xi1>, vector<16xf32>
      %reduce_sum3A_129 = arith.constant true
      %reduce_sum3A_130 = vector.broadcast %reduce_sum3A_129 : i1 to vector<16xi1>
      %reduce_sum3A_131 = tpu.scan <sum>, %select_n3A_128 masked %reduce_sum3A_130 : vector<16xf32>, vector<16xi1> -> vector<16xf32>
      %reduce_sum3A_132 = vector.extract %reduce_sum3A_131[15] : f32 from vector<16xf32>
      %eq3A_133 = arith.constant 2 : i32
      %eq3A_134 = vector.broadcast %eq3A_133 : i32 to vector<16xi32>
      %eq3A_135 = arith.cmpi eq, %iota3A, %eq3A_134 : vector<16xi32>
      %jit3A_136 = arith.constant 0.000000e+00 : f32
      %broadcast_in_dim3A_137 = vector.broadcast %jit3A_136 : f32 to vector<16xf32>
      %select_n3A_138 = arith.select %eq3A_135, %add3A_111, %broadcast_in_dim3A_137 : vector<16xi1>, vector<16xf32>
      %reduce_sum3A_139 = arith.constant true
      %reduce_sum3A_140 = vector.broadcast %reduce_sum3A_139 : i1 to vector<16xi1>
      %reduce_sum3A_141 = tpu.scan <sum>, %select_n3A_138 masked %reduce_sum3A_140 : vector<16xf32>, vector<16xi1> -> vector<16xf32>
      %reduce_sum3A_142 = vector.extract %reduce_sum3A_141[15] : f32 from vector<16xf32>
      %eq3A_143 = arith.constant 3 : i32
      %eq3A_144 = vector.broadcast %eq3A_143 : i32 to vector<16xi32>
      %eq3A_145 = arith.cmpi eq, %iota3A, %eq3A_144 : vector<16xi32>
      %jit3A_146 = arith.constant 0.000000e+00 : f32
      %broadcast_in_dim3A_147 = vector.broadcast %jit3A_146 : f32 to vector<16xf32>
      %select_n3A_148 = arith.select %eq3A_145, %add3A_111, %broadcast_in_dim3A_147 : vector<16xi1>, vector<16xf32>
      %reduce_sum3A_149 = arith.constant true
      %reduce_sum3A_150 = vector.broadcast %reduce_sum3A_149 : i1 to vector<16xi1>
      %reduce_sum3A_151 = tpu.scan <sum>, %select_n3A_148 masked %reduce_sum3A_150 : vector<16xf32>, vector<16xi1> -> vector<16xf32>
      %reduce_sum3A_152 = vector.extract %reduce_sum3A_151[15] : f32 from vector<16xf32>
      %mul3A = arith.constant 8.192000e+03 : f32
      %mul3A_153 = arith.mulf %mul3A, %reduce_sum3A_122 : f32
      %mul3A_154 = arith.mulf %reduce_sum3A_132, %reduce_sum3A_132 : f32
      %mul3A_155 = arith.mulf %reduce_sum3A_142, %reduce_sum3A_142 : f32
      %add3A_156 = arith.addf %mul3A_154, %mul3A_155 : f32
      %mul3A_157 = arith.mulf %reduce_sum3A_152, %reduce_sum3A_152 : f32
      %add3A_158 = arith.addf %add3A_156, %mul3A_157 : f32
      %mul3A_159 = arith.constant 2.000000e+00 : f32
      %mul3A_160 = arith.mulf %mul3A_159, %add3A_158 : f32
      %sub3A = arith.subf %mul3A_153, %mul3A_160 : f32
      %broadcast_in_dim3A_161 = vector.broadcast %sub3A : f32 to vector<16xf32>
      %bitcast_convert_type3A = tpu.bitcast %broadcast_in_dim3A_161 : vector<16xf32> -> vector<16xi32>
      %shift_right_arithmetic3A = arith.constant 1 : i32
      %shift_right_arithmetic3A_162 = vector.broadcast %shift_right_arithmetic3A : i32 to vector<16xi32>
      %shift_right_arithmetic3A_163 = arith.shrsi %bitcast_convert_type3A, %shift_right_arithmetic3A_162 : vector<16xi32>
      %sub3A_164 = arith.constant 1597463007 : i32
      %sub3A_165 = vector.broadcast %sub3A_164 : i32 to vector<16xi32>
      %sub3A_166 = arith.subi %sub3A_165, %shift_right_arithmetic3A_163 : vector<16xi32>
      %bitcast_convert_type3A_167 = tpu.bitcast %sub3A_166 : vector<16xi32> -> vector<16xf32>
      %mul3A_168 = arith.constant 5.000000e-01 : f32
      %mul3A_169 = vector.broadcast %mul3A_168 : f32 to vector<16xf32>
      %mul3A_170 = arith.mulf %mul3A_169, %broadcast_in_dim3A_161 : vector<16xf32>
      %mul3A_171 = arith.mulf %mul3A_170, %bitcast_convert_type3A_167 : vector<16xf32>
      %mul3A_172 = arith.mulf %mul3A_171, %bitcast_convert_type3A_167 : vector<16xf32>
      %sub3A_173 = arith.constant 1.500000e+00 : f32
      %sub3A_174 = vector.broadcast %sub3A_173 : f32 to vector<16xf32>
      %sub3A_175 = arith.subf %sub3A_174, %mul3A_172 : vector<16xf32>
      %mul3A_176 = arith.mulf %bitcast_convert_type3A_167, %sub3A_175 : vector<16xf32>
      %mul3A_177 = arith.constant 5.000000e-01 : f32
      %mul3A_178 = vector.broadcast %mul3A_177 : f32 to vector<16xf32>
      %mul3A_179 = arith.mulf %mul3A_178, %broadcast_in_dim3A_161 : vector<16xf32>
      %mul3A_180 = arith.mulf %mul3A_179, %mul3A_176 : vector<16xf32>
      %mul3A_181 = arith.mulf %mul3A_180, %mul3A_176 : vector<16xf32>
      %sub3A_182 = arith.constant 1.500000e+00 : f32
      %sub3A_183 = vector.broadcast %sub3A_182 : f32 to vector<16xf32>
      %sub3A_184 = arith.subf %sub3A_183, %mul3A_181 : vector<16xf32>
      %mul3A_185 = arith.mulf %mul3A_176, %sub3A_184 : vector<16xf32>
      %mul3A_186 = arith.constant 5.000000e-01 : f32
      %mul3A_187 = vector.broadcast %mul3A_186 : f32 to vector<16xf32>
      %mul3A_188 = arith.mulf %mul3A_187, %broadcast_in_dim3A_161 : vector<16xf32>
      %mul3A_189 = arith.mulf %mul3A_188, %mul3A_185 : vector<16xf32>
      %mul3A_190 = arith.mulf %mul3A_189, %mul3A_185 : vector<16xf32>
      %sub3A_191 = arith.constant 1.500000e+00 : f32
      %sub3A_192 = vector.broadcast %sub3A_191 : f32 to vector<16xf32>
      %sub3A_193 = arith.subf %sub3A_192, %mul3A_190 : vector<16xf32>
      %mul3A_194 = arith.mulf %mul3A_185, %sub3A_193 : vector<16xf32>
      %mul3A_195 = arith.constant 5.000000e-01 : f32
      %mul3A_196 = vector.broadcast %mul3A_195 : f32 to vector<16xf32>
      %mul3A_197 = arith.mulf %mul3A_196, %broadcast_in_dim3A_161 : vector<16xf32>
      %mul3A_198 = arith.mulf %mul3A_197, %mul3A_194 : vector<16xf32>
      %mul3A_199 = arith.mulf %mul3A_198, %mul3A_194 : vector<16xf32>
      %sub3A_200 = arith.constant 1.500000e+00 : f32
      %sub3A_201 = vector.broadcast %sub3A_200 : f32 to vector<16xf32>
      %sub3A_202 = arith.subf %sub3A_201, %mul3A_199 : vector<16xf32>
      %mul3A_203 = arith.mulf %mul3A_194, %sub3A_202 : vector<16xf32>
      %gt3A = arith.constant 0.000000e+00 : f32
      %gt3A_204 = vector.broadcast %gt3A : f32 to vector<16xf32>
      %gt3A_205 = arith.cmpf ogt, %broadcast_in_dim3A_161, %gt3A_204 : vector<16xf32>
      %jit3A_206 = arith.constant 3.40282347E+38 : f32
      %broadcast_in_dim3A_207 = vector.broadcast %jit3A_206 : f32 to vector<16xf32>
      %select_n3A_208 = arith.select %gt3A_205, %mul3A_203, %broadcast_in_dim3A_207 : vector<16xi1>, vector<16xf32>
      %get3A_209 = arith.constant 0 : index
      %get3A_210 = tpu.vector_load %arg16[%get3A_209] {strides = array<i32>} : memref<16xf32, #tpu.memory_space<vmem>>, vector<16xf32>,
      %mul3A_211 = arith.constant -2.310000e+05 : f32
      %mul3A_212 = arith.mulf %mul3A_211, %reduce_sum3A_114 : f32
      %mul3A_213 = vector.broadcast %mul3A_212 : f32 to vector<16xf32>
      %mul3A_214 = arith.mulf %mul3A_213, %select_n3A_208 : vector<16xf32>
      %add3A_215 = arith.addf %mul3A_214, %get3A_210 : vector<16xf32>
      %swap3A = arith.constant 0 : index
      %swap3A_216 = tpu.vector_load %arg17[%swap3A] {strides = array<i32>} : memref<16xf32, #tpu.memory_space<vmem>>, vector<16xf32>,
      tpu.vector_store %arg17[%swap3A], %add3A_215 {strides = array<i32>} : memref<16xf32, #tpu.memory_space<vmem>>, vector<16xf32>,
      "tpu.region"() ({
        %run_scoped3A = tpu.sem_alloc : memref<!tpu.dma_semaphore, #tpu.memory_space<semaphore_mem>>
        tpu.enqueue_dma source(%arg17 : memref<16xf32, #tpu.memory_space<vmem>>) target(%arg6 : memref<16xf32, #tpu.memory_space<hbm>>) target_semaphore(%run_scoped3A : memref<!tpu.dma_semaphore, #tpu.memory_space<semaphore_mem>>)
        tpu.wait_dma2 semaphore(%run_scoped3A : memref<!tpu.dma_semaphore, #tpu.memory_space<semaphore_mem>>) src(%arg17 : memref<16xf32, #tpu.memory_space<vmem>>) dst(%arg6 : memref<16xf32, #tpu.memory_space<hbm>>)
        tpu.yield
      }) : () -> ()
    } else {
    }
    return
  }
}

</mosaic_0001>

<sc_bundles>
// kernel: kernel.3.cloned.1.call-start
scs
__scs_entry_jumppad:
0x0: {  	(pc) =	sbr.rel $0x88, $3  }
0x1: {  	(tag) =	ssettag $0x0;
	lr =	simm.s32 $0x1  }
0x2: {  	[smem:$0x3F9D] =	sst lr;
	_ =	strace $0xD0000000  }
0x3: {  	_ = 	snop  }
0x4: {  	_ = 	snop  }
0x5: {  	_ = 	snop  }
0x6: {  	_ = 	snop  }
0x7: {  	_ = 	snop  }
__scs_overlays_trampoline_lowered:
0x8: {  	[smem:$0x3FAC] =	sst s0  }
0x9: {  	[smem:$0x3FAD] =	sst s1  }
0xa: {  	[smem:$0x3FAE] =	sst s2  }
0xb: {  	[smem:$0x3FAF] =	sst s3  }
0xc: {  	[smem:$0x3FB0] =	sst s4  }
0xd: {  	[smem:$0x3FB1] =	sst s5  }
0xe: {  	[smem:$0x3FB2] =	sst s6  }
0xf: {  	[smem:$0x3FB3] =	sst s7  }
0x10: {  	[smem:$0x3FB4] =	sst s8  }
0x11: {  	[smem:$0x3FB5] =	sst s9;
	s0 =	simm.s32 @!p0 $0x0  }
0x12: {  	s1 =	sld [smem:$0x3F9B];
	s0 =	simm.s32 @p0 $0x1  }
0x13: {  	[smem:$0x3FB6] =	sst s0;
	s0 =	simm.s32 @!p1 $0x0  }
0x14: {  	s2 =	sld [smem:$0x3F9A];
	s0 =	simm.s32 @p1 $0x1  }
0x15: {  	[smem:$0x3FB7] =	sst s0;
	s0 =	simm.s32 @!p2 $0x0  }
0x16: {  	s3 =	sld [smem:$0x3FDB];
	s0 =	simm.s32 @p2 $0x1  }
0x17: {  	s4 =	simm.s32 $0x1BF5;
	[smem:$0x3FB9] =	sst s0  }
0x18: {  	s0 =	sld [smem:$0x3F9C];
	_ =	swait.ge [sflag:s4], $0x0  }
0x19: {  	s7 =	sld [smem:$0x3F9D]  }
0x1a: {  	s8 =	sadd.s32 $0xFFFFE003, lr  }
0x1b: {  	s9 =	sadd.s32 $0xFFFFFEF7, lr;
	s5 =	simm.s32 $0xFFFFFFFF;
	p2 =	slt.u32 s8, $0xFFFFF086  }
0x1c: {  	p1 =	slt.u32 s9, $0xF7A;
	s5 =	simm.s32 @!p2 $0x0  }
0x1d: {  	s5 =	simm.s32 @p1 $0x1;
	p0 =	seq.s32 s7, s2  }
0x1e: {  	s7 =	smul.u32 @!p0 $0xF7A, s2;
	p2 =	seq.s32 @!p0 s5, $0x0  }
0x1f: {  	s9 =	smul.u32 $0xF7A, s1;
	s8 =	simm.s32 @!p0 $0x1BF5;
	p2 =	por !p2, p0  }
0x20: {  	[sflag:s8] =	ssyncset.s32 @!p0 $0xFFFFF086;
	s6 =	sadd.s32 @!p0 s3, s7;
	s7 =	simm.s32 @!p0 $0x108  }
0x21: {  	s3 =	sadd.s32 s3, s9;
	s6 =	sadd.s32 @!p0 $0x88, s6;
	s7 =	simm.s32 @p2 $0x1082  }
0x22: {  	[simem:s7], [sflag:s8] =	dma.local @!p0 [hbm:s6], $0xF7A  }
0x23: {  	s9 =	sor.u32 $0xD0000000, s2;
	s6 =	simm.s32 $0x108;
	_ =	swait.ge @!p0 [sflag:s8], $0x0  }
0x24: {  	s3 =	sadd.s32 $0x88, s3;
	s6 =	simm.s32 @!p1 $0x1082;
	[sflag:s4] =	ssyncset.s32 $0xFFFFF086  }
0x25: {  	[simem:s6], [sflag:s4] =	dma.local [hbm:s3], $0xF7A  }
0x26: {  	[smem:$0x3F9D] =	sst s1;
	(tag) =	ssettag s2;
	_ =	strace s9  }
0x27: {  	s1 =	sld [smem:$0x3FAD]  }
0x28: {  	s2 =	sld [smem:$0x3FAE]  }
0x29: {  	s4 =	sld [smem:$0x3FB0]  }
0x2a: {  	p0 =	seq.s32 s5, $0x0;
	s5 =	sld [smem:$0x3FB1]  }
0x2b: {  	s6 =	sld [smem:$0x3FB2]  }
0x2c: {  	s7 =	sld [smem:$0x3FB3]  }
0x2d: {  	s3 =	simm.s32 $0x108;
	s8 =	sld [smem:$0x3FB4]  }
0x2e: {  	s3 =	simm.s32 @!p0 $0x1082;
	s9 =	sld [smem:$0x3FB5]  }
0x2f: {  	lr =	sadd.s32 s0, s3;
	s0 =	sld [smem:$0x3FAC]  }
0x30: {  	s3 =	sld [smem:$0x3FAF]  }
0x31: {  	[smem:$0x3FB8] =	sst s10  }
0x32: {  	s10 =	sld [smem:$0x3FB6];
	_ =	sdelay $0x3  }
0x33: {  	p0 =	seq.s32 s10, $0x1;
	s10 =	sld [smem:$0x3FB8];
	_ =	sdelay $0x3  }
0x34: {  	[smem:$0x3FB8] =	sst s10  }
0x35: {  	s10 =	sld [smem:$0x3FB7];
	_ =	sdelay $0x3  }
0x36: {  	p1 =	seq.s32 s10, $0x1;
	s10 =	sld [smem:$0x3FB8];
	_ =	sdelay $0x3  }
0x37: {  	[smem:$0x3FB8] =	sst s10  }
0x38: {  	s10 =	sld [smem:$0x3FB9]  }
0x39: {  	_ = 	snop;
	(pc) =	sbr.ind lr, $3  }
0x3a: {  	_ = 	snop  }
0x3b: {  	_ = 	snop  }
0x3c: {  	p2 =	seq.s32 s10, $0x1;
	s10 =	sld [smem:$0x3FB8]  }
0x3d: {  	_ =	shalt  }
0x3e: {  	_ =	shalt  }
0x3f: {  	_ =	shalt  }
0x40: {  	_ =	shalt  }
0x41: {  	_ =	shalt  }
0x42: {  	_ =	shalt  }
0x43: {  	_ =	shalt  }
0x44: {  	_ =	shalt  }
0x45: {  	_ =	shalt  }
0x46: {  	_ =	shalt  }
0x47: {  	_ =	shalt  }
0x48: {  	_ =	shalt  }
0x49: {  	_ =	shalt  }
0x4a: {  	_ =	shalt  }
0x4b: {  	_ =	shalt  }
0x4c: {  	_ =	shalt  }
0x4d: {  	_ =	shalt  }
0x4e: {  	_ =	shalt  }
0x4f: {  	_ =	shalt  }
0x50: {  	_ =	shalt  }
0x51: {  	_ =	shalt  }
0x52: {  	_ =	shalt  }
0x53: {  	_ =	shalt  }
0x54: {  	_ =	shalt  }
0x55: {  	_ =	shalt  }
0x56: {  	_ =	shalt  }
0x57: {  	_ =	shalt  }
0x58: {  	_ =	shalt  }
0x59: {  	_ =	shalt  }
0x5a: {  	_ =	shalt  }
0x5b: {  	_ =	shalt  }
0x5c: {  	_ =	shalt  }
0x5d: {  	_ =	shalt  }
0x5e: {  	_ =	shalt  }
0x5f: {  	_ =	shalt  }
0x60: {  	_ =	shalt  }
0x61: {  	_ =	shalt  }
0x62: {  	_ =	shalt  }
0x63: {  	_ =	shalt  }
0x64: {  	_ =	shalt  }
0x65: {  	_ =	shalt  }
0x66: {  	_ =	shalt  }
0x67: {  	_ =	shalt  }
0x68: {  	_ =	shalt  }
0x69: {  	_ =	shalt  }
0x6a: {  	_ =	shalt  }
0x6b: {  	_ =	shalt  }
0x6c: {  	_ =	shalt  }
0x6d: {  	_ =	shalt  }
0x6e: {  	_ =	shalt  }
0x6f: {  	_ =	shalt  }
0x70: {  	_ =	shalt  }
0x71: {  	_ =	shalt  }
0x72: {  	_ =	shalt  }
0x73: {  	_ =	shalt  }
0x74: {  	_ =	shalt  }
0x75: {  	_ =	shalt  }
0x76: {  	_ =	shalt  }
0x77: {  	_ =	shalt  }
0x78: {  	_ =	shalt  }
0x79: {  	_ =	shalt  }
0x7a: {  	_ =	shalt  }
0x7b: {  	_ =	shalt  }
0x7c: {  	_ =	shalt  }
0x7d: {  	_ =	shalt  }
0x7e: {  	_ =	shalt  }
0x7f: {  	_ =	shalt  }
0x80: {  	_ =	shalt  }
0x81: {  	_ =	shalt  }
0x82: {  	_ =	shalt  }
0x83: {  	_ =	shalt  }
0x84: {  	_ =	shalt  }
0x85: {  	_ =	shalt  }
0x86: {  	_ =	shalt  }
0x87: {  	_ =	shalt  }
.Lfunc_end0:
.L_simem_size_0:
called_computation_lowered:
.L_overlay_start_0:
0x88: {  	s2 =	sld [smem:$0x3FD9]  }
0x89: {  	s3 =	sld [smem:$0x3FFE];
	_ =	sdelay $0x1  }
0x8a: {  	s1 =	srdreg.scid  }
0x8b: {  	s0 =	sand.u32 $0x1, s1  }
0x8c: {  	s17 =	sshll.u32 s0, $0xA;
	s2 =	sadd.s32 s3, s2  }
0x8d: {  	s2 =	sadd.s32 s2, s17  }
0x8e: {  	[smem:$0x3FC4] =	sst s2  }
0x8f: {  	_ = 	snop  }
0x90: {  	s2 =	sld [smem:$0x3FC8]  }
0x91: {  	s18 =	sld [smem:$0x3FD0];
	(tm) =	ssettm $0x1  }
0x92: {  	s4 =	sld [smem:$0x3FFB];
	_ =	sdelay $0x3  }
0x93: {  	_ =	strace s4  }
0x94: {  	s4 =	sld [smem:$0x3FFC];
	_ =	sdelay $0x3  }
0x95: {  	_ =	strace s4  }
0x96: {  	s4 =	sld [smem:$0x3FFD];
	_ =	sdelay $0x3  }
0x97: {  	_ =	strace s4  }
0x98: {  	_ =	strace $0x8FFFFFFF  }
0x99: {  	s19 =	sld [smem:$0x3FDB];
	_ =	sdelay $0x1  }
0x9a: {  	s5 =	simm.s32 $_scs_section_size  }
0x9b: {  	s6 =	simm.s32 $_size__tile_overlayer_lowered;
	s7 =	simm.s32 $_tile_overlayer_lowered  }
0x9c: {  	s22 =	simm.s32 $0x1BFF;
	s21 =	sshll.u32 s7, $0x1;
	s4 =	sadd.s32 s5, s19  }
0x9d: {  	s8 =	simm.s32 $0x0;
	s20 =	sshll.u32 s6, $0x1;
	s6 =	sadd.s32 s21, s4  }
0x9e: {  	[timem:s8], [sflag:s22] =	dma.local [hbm:s6], s20  }
0x9f: {  	_ =	swait.ge [sflag:s22], s20  }
0xa0: {  	s5 =	ssub.s32 $0x0, s20;
	[sflag:s22] =	ssyncset.done $0x0  }
0xa1: {  	[sflag:s22] =	ssyncadd.s32 s5;
	_ =	sdelay $0x1  }
0xa2: {  	s23 =	simm.s32 $0x1B8B  }
0xa3: {  	_ =	swait.ge [sflag:s23], $0x1  }
0xa4: {  	[sflag:s23] =	ssyncset.done $0x0  }
0xa5: {  	s25 =	simm.s32 $0x1B8E;
	s24 =	sld [smem:$0x3FFE];
	[sflag:s23] =	ssyncadd.s32 $0xFFFFFFFF  }
0xa6: {  	s26 =	simm.s32 $execute0_lowered;
	[smem:$0x3FD2] =	sst s25  }
0xa7: {  	s6 =	sshll.u32 s26, $0x1;
	_ =	strace $0x80000046;
	[dreg:$0x1] =	wrdreg $0xFFFFFFFF  }
0xa8: {  	s28 =	simm.s32 $_size_execute0_lowered;
	s4 =	sadd.s32 s4, s6;
	[dreg:$0x0] =	wrdreg $0x0  }
0xa9: {  	s6 =	sshll.u32 s28, $0x1;
	[dreg:$0x2] =	wrdreg s4  }
0xaa: {  	[dreg:$0x3] =	wrdreg s6  }
0xab: {  	[dreg:$0x4] =	wrdreg $0xC0  }
0xac: {  	_ =	task [dreg:s8], $0x5FFFF  }
0xad: {  	[dreg:$0x1] =	wrdreg $0xFFFFFFFF  }
0xae: {  	[dreg:$0x0] =	wrdreg $0x60  }
0xaf: {  	[dreg:$0x2] =	wrdreg s24  }
0xb0: {  	[dreg:$0x3] =	wrdreg s2  }
0xb1: {  	[dreg:$0x4] =	wrdreg s18  }
0xb2: {  	[dreg:$0x5] =	wrdreg $0x2C000  }
0xb3: {  	[dreg:$0x6] =	wrdreg $0x2C800  }
0xb4: {  	[dreg:$0x7] =	wrdreg $0x2C900  }
0xb5: {  	[dreg:$0x8] =	wrdreg $0x9  }
0xb6: {  	_ =	task.clear_ibuf [dreg:s8], $0x9FFFF;
	_ =	strace $0x90000046  }
0xb7: {  	s29 =	simm.s32 $0x9;
	_ =	strace $0x80000048  }
0xb8: {  	_ =	swait.ge [sflag:s29], $0x1  }
0xb9: {  	[sflag:s29] =	ssyncadd.s32 $0xFFFFFFFF  }
0xba: {  	_ =	strace $0x90000048  }
0xbb: {  	_ =	sfence  }
0xbc: {  	s30 =	sld [smem:$0x0];
	_ =	sdelay $0x2  }
0xbd: {  	s31 =	sshll.u32 s1, $0xD;
	s1 =	sshrl.u32 s1, $0x2  }
0xbe: {  	s3 =	sand.u32 $0x4000, s31;
	s1 =	sadd.s32 s1, s30  }
0xbf: {  	s0 =	sor.u32 s3, s0;
	s1 =	sshll.u32 s1, $0x11  }
0xc0: {  	s0 =	sor.u32 s1, s0  }
0xc1: {  	s0 =	sadd.s32 $0x8F2B, s0  }
0xc2: {  	[sflag:s0] =	ssyncadd.remote.s32 $0x1  }
0xc3: {  	_ =	sfence.sel $0xFFFF  }
0xc4: {  	[dreg:$0x0] =	wrdreg $0xFFFFFFFF;
	(pc) =	sbr.abs _section_cstart, $3  }
0xc5: {  	[dreg:$0x1] =	wrdreg $0xFFFFFFFF  }
0xc6: {  	_ =	task.clear_ibuf [dreg:s8], $0x2FFFF;
	_ =	strace $0x9FFFFFFF  }
0xc7: {  	(tm) =	ssettm $0x7FFFFFFF  }
tec
execute0_lowered:
.L_overlay_start_1:
0x0: {  	(tag) =	ssettag $0x1  }
0x1: {  	s0 =	stileid.u32  }
0x2: {  	s1 =	sadd.s32 $0x1, s0  }
0x3: {  	s17 =	sor.u32 $0x10, s0;
	s4 =	sadd.s32 $0x11, s0;
	s1 =	smul.u32 s0, s1  }
0x4: {  	s19 =	sor.u32 $0x20, s0;
	s11 =	sadd.s32 $0x21, s0;
	s5 =	smul.u32 s4, s17  }
0x5: {  	v0 =	vlaneseq.u32;
	s13 =	smul.u32 s11, s19;
	s1 =	sshrl.u32 s1, $0x1  }
0x6: {  	s8 =	sshrl.u32 s5, $0x1;
	v1 =	vadd.s32 s1, v0  }
0x7: {  	s18 =	sshrl.u32 s13, $0x1;
	s2 =	sadd.s32 $0x10, s1;
	v44 =	vadd.s32 s8, v0;
	[tilespmem:$0x1FB80] =	vst v1  }
0x8: {  	s31 =	sadd.s32 $0x30, s1;
	v54 =	vadd.s32 s18, v0;
	v36 =	vadd.s32 s2, v0;
	[tilespmem:$0x1FC00] =	vst v44  }
0x9: {  	s7 =	sadd.s32 $0x60, s1;
	v2 =	vadd.s32 s31, v0;
	[tilespmem:$0x1FC80] =	vst v54;
	v1 =	vmin.u32 v36, $0x1B7F  }
0xa: {  	s10 =	sadd.s32 $0x30, s8;
	v41 =	vadd.s32 s7, v0;
	v38 =	vmin.u32 v2, $0x1B7F;
	[tilespmem:$0x1FB90] =	vst v1  }
0xb: {  	s15 =	sadd.s32 $0x60, s8;
	v47 =	vadd.s32 s10, v0;
	v42 =	vmin.u32 v41, $0x1B7F;
	[tilespmem:$0x1FBB0] =	vst v38  }
0xc: {  	s20 =	sor.u32 $0x30, s0;
	s23 =	sadd.s32 $0x31, s0;
	s22 =	sadd.s32 $0x30, s18;
	v51 =	vadd.s32 s15, v0;
	v48 =	vmin.u32 v47, $0x1B7F;
	[tilespmem:$0x1FBE0] =	vst v42  }
0xd: {  	s25 =	smul.u32 s23, s20;
	s29 =	sadd.s32 $0x60, s18;
	v57 =	vadd.s32 s22, v0;
	v52 =	vmin.u32 v51, $0x1B7F;
	[tilespmem:$0x1FC30] =	vst v48  }
0xe: {  	s3 =	sadd.s32 $0x20, s1;
	v61 =	vadd.s32 s29, v0;
	v58 =	vmin.u32 v57, $0x1B7F;
	[tilespmem:$0x1FC60] =	vst v52  }
0xf: {  	v37 =	vadd.s32 s3, v0;
	s3 =	sadd.s32 $0x40, s1;
	s31 =	sshrl.u32 s25, $0x1;
	v62 =	vmin.u32 v61, $0x1B7F;
	[tilespmem:$0x1FCB0] =	vst v58  }
0x10: {  	s6 =	sadd.s32 $0x50, s1;
	s9 =	sadd.s32 $0x10, s8;
	v39 =	vadd.s32 s3, v0;
	s5 =	sadd.s32 $0x10, s31;
	v1 =	vmin.u32 v37, $0x1B7F;
	[tilespmem:$0x1FCE0] =	vst v62  }
0x11: {  	s12 =	sadd.s32 $0x40, s8;
	s14 =	sadd.s32 $0x50, s8;
	s7 =	sadd.s32 $0x40, s31;
	v5 =	vadd.s32 s5, v0;
	[tilespmem:$0x1FBA0] =	vst v1;
	v1 =	vmin.u32 v39, $0x1B7F  }
0x12: {  	s16 =	sadd.s32 $0x70, s8;
	s21 =	sadd.s32 $0x10, s18;
	s2 =	sadd.s32 $0x70, s31;
	v9 =	vadd.s32 s7, v0;
	v6 =	vmin.u32 v5, $0x1B7F;
	[tilespmem:$0x1FBC0] =	vst v1  }
0x13: {  	v55 =	vadd.s32 s21, v0;
	s21 =	sor.u32 $0x40, s0;
	s3 =	sadd.s32 $0x20, s8;
	s8 =	sadd.s32 $0x41, s0;
	v13 =	vadd.s32 s2, v0;
	v10 =	vmin.u32 v9, $0x1B7F;
	[tilespmem:$0x1FD10] =	vst v6  }
0x14: {  	v40 =	vadd.s32 s6, v0;
	s1 =	sadd.s32 $0x70, s1;
	v45 =	vadd.s32 s9, v0;
	s10 =	smul.u32 s8, s21;
	v14 =	vmin.u32 v13, $0x1B7F;
	[tilespmem:$0x1FD40] =	vst v10  }
0x15: {  	v43 =	vadd.s32 s1, v0;
	v46 =	vadd.s32 s3, v0;
	s3 =	sadd.s32 $0x20, s18;
	v1 =	vmin.u32 v40, $0x1B7F;
	[tilespmem:$0x1FD70] =	vst v14  }
0x16: {  	v49 =	vadd.s32 s12, v0;
	v56 =	vadd.s32 s3, v0;
	s3 =	sadd.s32 $0x30, s31;
	s12 =	sshrl.u32 s10, $0x1;
	[tilespmem:$0x1FBD0] =	vst v1;
	v1 =	vmin.u32 v43, $0x1B7F  }
0x17: {  	s24 =	sadd.s32 $0x40, s18;
	v50 =	vadd.s32 s14, v0;
	v8 =	vadd.s32 s3, v0;
	s3 =	sadd.s32 $0x20, s12;
	[tilespmem:$0x1FBF0] =	vst v1;
	v1 =	vmin.u32 v45, $0x1B7F  }
0x18: {  	s26 =	sadd.s32 $0x50, s18;
	s30 =	sadd.s32 $0x70, s18;
	v53 =	vadd.s32 s16, v0;
	s18 =	sadd.s32 $0x50, s12;
	v17 =	vadd.s32 s3, v0;
	[tilespmem:$0x1FC10] =	vst v1;
	v1 =	vmin.u32 v46, $0x1B7F  }
0x19: {  	v59 =	vadd.s32 s24, v0;
	s22 =	sor.u32 $0x50, s0;
	s15 =	sadd.s32 $0x51, s0;
	v21 =	vadd.s32 s18, v0;
	v18 =	vmin.u32 v17, $0x1B7F;
	[tilespmem:$0x1FC20] =	vst v1  }
0x1a: {  	v60 =	vadd.s32 s26, v0;
	v63 =	vadd.s32 s30, v0;
	s6 =	sadd.s32 $0x20, s31;
	s3 =	smul.u32 s15, s22;
	v22 =	vmin.u32 v21, $0x1B7F;
	[tilespmem:$0x1FDA0] =	vst v18  }
0x1b: {  	v4 =	vadd.s32 s31, v0;
	s9 =	sadd.s32 $0x50, s31;
	s11 =	sadd.s32 $0x60, s31;
	v7 =	vadd.s32 s6, v0;
	v1 =	vmin.u32 v49, $0x1B7F;
	[tilespmem:$0x1FDD0] =	vst v22  }
0x1c: {  	v11 =	vadd.s32 s9, v0;
	v12 =	vadd.s32 s11, v0;
	s23 =	sadd.s32 $0x60, s12;
	s24 =	sshrl.u32 s3, $0x1;
	[tilespmem:$0x1FC40] =	vst v1;
	v1 =	vmin.u32 v50, $0x1B7F  }
0x1d: {  	s29 =	sadd.s32 $0x61, s0;
	s13 =	sadd.s32 $0x10, s12;
	v23 =	vadd.s32 s23, v0;
	s23 =	sor.u32 $0x60, s0;
	v25 =	vadd.s32 s24, v0;
	[tilespmem:$0x1FC50] =	vst v1;
	v1 =	vmin.u32 v53, $0x1B7F  }
0x1e: {  	v15 =	vadd.s32 s12, v0;
	s14 =	sadd.s32 $0x30, s12;
	v16 =	vadd.s32 s13, v0;
	s31 =	smul.u32 s29, s23;
	s26 =	sadd.s32 $0x30, s24;
	v26 =	vmin.u32 v25, $0x1B7F;
	[tilespmem:$0x1FC70] =	vst v1  }
0x1f: {  	s16 =	sadd.s32 $0x40, s12;
	v19 =	vadd.s32 s14, v0;
	s6 =	sadd.s32 $0x60, s24;
	v29 =	vadd.s32 s26, v0;
	v1 =	vmin.u32 v55, $0x1B7F;
	[tilespmem:$0x1FE00] =	vst v26  }
0x20: {  	s1 =	sadd.s32 $0x70, s12;
	v20 =	vadd.s32 s16, v0;
	s25 =	sadd.s32 $0x10, s24;
	s8 =	sshrl.u32 s31, $0x1;
	v33 =	vadd.s32 s6, v0;
	v30 =	vmin.u32 v29, $0x1B7F;
	[tilespmem:$0x1FC90] =	vst v1  }
0x21: {  	v24 =	vadd.s32 s1, v0;
	s3 =	sadd.s32 $0x20, s24;
	v27 =	vadd.s32 s25, v0;
	s9 =	sadd.s32 $0x10, s8;
	v34 =	vmin.u32 v33, $0x1B7F;
	[tilespmem:$0x1FE30] =	vst v30  }
0x22: {  	s12 =	sadd.s32 $0x71, s0;
	s30 =	sadd.s32 $0x40, s24;
	v28 =	vadd.s32 s3, v0;
	s11 =	sadd.s32 $0x40, s8;
	v37 =	vadd.s32 s9, v0;
	v1 =	vmin.u32 v56, $0x1B7F;
	[tilespmem:$0x1FE60] =	vst v34  }
0x23: {  	s5 =	sadd.s32 $0x50, s24;
	v31 =	vadd.s32 s30, v0;
	s25 =	sor.u32 $0x70, s0;
	s2 =	sadd.s32 $0x70, s8;
	v41 =	vadd.s32 s11, v0;
	v38 =	vmin.u32 v37, $0x1B7F;
	[tilespmem:$0x1FCA0] =	vst v1  }
0x24: {  	s7 =	sadd.s32 $0x70, s24;
	v32 =	vadd.s32 s5, v0;
	s14 =	smul.u32 s12, s25;
	v45 =	vadd.s32 s2, v0;
	v42 =	vmin.u32 v41, $0x1B7F;
	[tilespmem:$0x1FE90] =	vst v38  }
0x25: {  	v35 =	vadd.s32 s7, v0;
	v36 =	vadd.s32 s8, v0;
	s10 =	sadd.s32 $0x20, s8;
	s3 =	sadd.s32 $0x30, s8;
	v46 =	vmin.u32 v45, $0x1B7F;
	[tilespmem:$0x1FEC0] =	vst v42  }
0x26: {  	s13 =	sadd.s32 $0x50, s8;
	s15 =	sadd.s32 $0x60, s8;
	v39 =	vadd.s32 s10, v0;
	v40 =	vadd.s32 s3, v0;
	v1 =	vmin.u32 v59, $0x1B7F;
	s4 =	sshrl.u32 s14, $0x1;
	[tilespmem:$0x1FEF0] =	vst v46  }
0x27: {  	v43 =	vadd.s32 s13, v0;
	v44 =	vadd.s32 s15, v0;
	[tilespmem:$0x1FCC0] =	vst v1;
	v1 =	vmin.u32 v60, $0x1B7F;
	s16 =	sadd.s32 $0x10, s4  }
0x28: {  	v47 =	vadd.s32 s4, v0;
	s18 =	sadd.s32 $0x20, s4;
	s24 =	sadd.s32 $0x30, s4;
	[tilespmem:$0x1FCD0] =	vst v1;
	v1 =	vmin.u32 v63, $0x1B7F;
	v48 =	vadd.s32 s16, v0  }
0x29: {  	s26 =	sadd.s32 $0x40, s4;
	s3 =	sadd.s32 $0x50, s4;
	v49 =	vadd.s32 s18, v0;
	v51 =	vadd.s32 s24, v0;
	[tilespmem:$0x1FCF0] =	vst v1;
	v1 =	vmin.u32 v4, $0x1B7F  }
0x2a: {  	s29 =	sadd.s32 $0x60, s4;
	s4 =	sadd.s32 $0x70, s4;
	v52 =	vadd.s32 s26, v0;
	v53 =	vadd.s32 s3, v0;
	v50 =	vmin.u32 v49, $0x1B7F;
	[tilespmem:$0x1FD00] =	vst v1  }
0x2b: {  	v55 =	vadd.s32 s29, v0;
	v0 =	vadd.s32 s4, v0;
	v54 =	vmin.u32 v53, $0x1B7F;
	[tilespmem:$0x1FF20] =	vst v50  }
0x2c: {  	v0 =	vmin.u32 v0, $0x1B7F;
	[tilespmem:$0x1FF50] =	vst v54  }
0x2d: {  	v1 =	vmin.u32 v7, $0x1B7F;
	[tilespmem:$0x1FF70] =	vst v0  }
0x2e: {  	[tilespmem:$0x1FD20] =	vst v1;
	v1 =	vmin.u32 v8, $0x1B7F  }
0x2f: {  	[tilespmem:$0x1FD30] =	vst v1;
	v1 =	vmin.u32 v11, $0x1B7F  }
0x30: {  	[tilespmem:$0x1FD50] =	vst v1;
	v1 =	vmin.u32 v12, $0x1B7F  }
0x31: {  	[tilespmem:$0x1FD60] =	vst v1;
	v1 =	vmin.u32 v15, $0x1B7F  }
0x32: {  	[tilespmem:$0x1FD80] =	vst v1;
	v1 =	vmin.u32 v16, $0x1B7F  }
0x33: {  	[tilespmem:$0x1FD90] =	vst v1;
	v1 =	vmin.u32 v19, $0x1B7F  }
0x34: {  	[tilespmem:$0x1FDB0] =	vst v1;
	v1 =	vmin.u32 v20, $0x1B7F  }
0x35: {  	[tilespmem:$0x1FDC0] =	vst v1;
	v1 =	vmin.u32 v23, $0x1B7F  }
0x36: {  	[tilespmem:$0x1FDE0] =	vst v1;
	v1 =	vmin.u32 v24, $0x1B7F  }
0x37: {  	[tilespmem:$0x1FDF0] =	vst v1;
	v1 =	vmin.u32 v27, $0x1B7F  }
0x38: {  	[tilespmem:$0x1FE10] =	vst v1;
	v1 =	vmin.u32 v28, $0x1B7F  }
0x39: {  	[tilespmem:$0x1FE20] =	vst v1;
	v1 =	vmin.u32 v31, $0x1B7F  }
0x3a: {  	[tilespmem:$0x1FE40] =	vst v1;
	v1 =	vmin.u32 v32, $0x1B7F  }
0x3b: {  	[tilespmem:$0x1FE50] =	vst v1;
	v1 =	vmin.u32 v35, $0x1B7F  }
0x3c: {  	[tilespmem:$0x1FE70] =	vst v1;
	v1 =	vmin.u32 v36, $0x1B7F  }
0x3d: {  	[tilespmem:$0x1FE80] =	vst v1;
	v1 =	vmin.u32 v39, $0x1B7F  }
0x3e: {  	[tilespmem:$0x1FEA0] =	vst v1;
	v1 =	vmin.u32 v40, $0x1B7F  }
0x3f: {  	vm0 =	vcmask $0xF0C;
	vm1 =	vcmask $0x33C;
	[tilespmem:$0x1FEB0] =	vst v1;
	v1 =	vmin.u32 v43, $0x1B7F  }
0x40: {  	vm2 =	vcmask $0x1B18;
	vm3 =	vcmask $0x338;
	s8 =	rddreg [dreg:$0x0];
	[tilespmem:$0x1FED0] =	vst v1;
	v1 =	vmin.u32 v44, $0x1B7F  }
0x41: {  	vm4 =	vcmask $0x3330;
	s28 =	simm.s32 $0x0;
	v57 =	vmov s19;
	s19 =	simm.s32 $0x2A80;
	s5 =	rddreg [dreg:$0x5];
	[tilespmem:$0x1FEE0] =	vst v1;
	v1 =	vmin.u32 v47, $0x1B7F  }
0x42: {  	v58 =	vmov s20;
	s20 =	simm.s32 $0x1;
	v61 =	vmov s23;
	s23 =	simm.s32 $0x2B00;
	s9 =	rddreg [dreg:$0x1];
	[tilespmem:$0x1FF00] =	vst v1;
	v1 =	vmin.u32 v48, $0x1B7F  }
0x43: {  	vm5 =	vcmask $0x73C;
	vm6 =	vcmask $0x2720;
	s31 =	sshll.u32 s0, $0x7;
	s6 =	simm.s32 $0x0;
	s2 =	rddreg [dreg:$0x3];
	[tilespmem:$0x1FF10] =	vst v1;
	v1 =	vmin.u32 v51, $0x1B7F  }
0x44: {  	vm7 =	vcmask $0x308;
	vm1 =	vmor vm1, vm0;
	s7 =	srdreg.scid;
	s30 =	sshll.u32 s0, $0x5;
	[smem:$0x7FF] =	sst s6;
	[tilespmem:$0x1FF30] =	vst v1;
	v1 =	vmin.u32 v52, $0x1B7F  }
0x45: {  	vm8 =	vcmask $0x70C;
	vm1 =	vmor vm1, vm2;
	s10 =	smul.u32 $0x60, s0;
	s15 =	sand.u32 $0x1, s7;
	s7 =	sadd.s32 $0xC00, s8;
	[tilespmem:$0x1FF40] =	vst v1;
	v1 =	vmin.u32 v55, $0x1B7F  }
0x46: {  	vm2 =	vcmask $0x2724;
	s13 =	sshll.u32 s0, $0x4;
	v62 =	vmov s25;
	s25 =	simm.s32 $0x2880;
	s11 =	ssub.s32 $0x2, s15;
	v56 =	vmov s17;
	[tilespmem:$0x1FF60] =	vst v1  }
0x47: {  	vm9 =	vcmask $0xB10;
	vm1 =	vmor vm1, vm2;
	vm2 =	vcmask $0xF08;
	s9 =	sadd.s32 s9, s30;
	s3 =	rddreg [dreg:$0x4];
	_ =	strace $0x80000047;
	[tilespmem:$0x1FF80] =	vst v56  }
0x48: {  	vm2 =	vmor vm3, vm2;
	vm3 =	vcmask $0x1B14;
	vm1 =	vmor vm1, vm4;
	p0 =	sne.s32 s15, $0x0;
	s17 =	simm.s32 $0x2;
	s10 =	sadd.s32 s10, s8;
	[tilespmem:$0x1FF90] =	vst v57  }
0x49: {  	vm2 =	vmor vm2, vm3;
	vm3 =	vcmask $0x130C;
	s12 =	sshrl.u32 s11, $0x1;
	s8 =	sadd.s32 $0x1000, s8;
	v59 =	vmov s21;
	s21 =	simm.s32 $0x2080;
	[tilespmem:$0x1FFA0] =	vst v58  }
.Ltmp0:
0x4a: {  	vm4 =	vmmov $0x1;
	vm3 =	vmor vm5, vm3;
	s14 =	ssub.s32 s11, s12;
	s10 =	sadd.s32 $0x600, s10;
	v60 =	vmov s22;
	[tilespmem:$0x1FFB0] =	vst v59;
	(pc) =	sbr.rel .LBB2_1-.Ltmp0, $4  }
0x4b: {  	vm5 =	vcmask $0x1F18;
	vm2 =	vmor vm2, vm6;
	vm6 =	vcmask $0x332C;
	s11 =	sadd.s32 s31, s2;
	s22 =	simm.s32 $0x2000;
	s24 =	sor.u32 s0, s15;
	[tilespmem:$0x1FFC0] =	vst v60  }
0x4c: {  	vm3 =	vmor vm3, vm5;
	vm5 =	vcmask $0x2B24;
	vm2 =	vmor vm2, vm6;
	s14 =	smax.u32 s14, $0x1;
	s15 =	simm.s32 $0x400;
	s16 =	simm.s32 $0x300;
	[tilespmem:$0x1FFD0] =	vst v61  }
0x4d: {  	vm3 =	vmor vm3, vm5;
	vm5 =	vcmask $0x3730;
	s18 =	simm.s32 $0x1F80;
	v63 =	vmov s0;
	s26 =	simm.s32 $0x2B80;
	s12 =	sadd.s32 s13, s3;
	[tilespmem:$0x1FFE0] =	vst v62  }
0x4e: {  	vm6 =	vcmask $0xB08;
	vm3 =	vmor vm3, vm5;
	vm5 =	vcmask $0x704;
	s13 =	sadd.s32 s13, s5;
	p1 =	sne.s32 s24, $0x0;
	s24 =	simm.s32 $0x2980;
	[tilespmem:$0x1FFF0] =	vst v63  }
.LBB2_8:
0x4f: {  	s28 =	sadd.s32 $0x1, s28  }
0x50: {  	p2 =	sne.s32 s28, s14  }
.Ltmp1:
0x51: {  	_ = 	snop;
	(pc) =	sbr.rel @!p2 .LBB2_9-.Ltmp1, $1  }
0x52: {  	_ =	sdelay $0x3  }
.LBB2_1:
.Ltmp2:
0x53: {  	(pc) =	sbr.rel @p0 .LBB2_5-.Ltmp2, $1  }
0x54: {  	_ =	sdelay $0x3  }
0x55: {  	s29 =	simm.s32 $0x0  }
0x56: {  	[tilespmem:s15], [sflag:$0x1] =	stream.linear.gather [hbm4b:s7+s29], $0x1B80, $0x38;
	[tilespmem:$0x2CA0] =	vst v63  }
0x57: {  	_ = 	snop  }
0x58: {  	[tilespmem:s16], [sflag:$0x2] =	stream.linear.gather [hbm4b:s9+s29], $0x100, $0x38;
	[tilespmem:$0x2CA0] =	vst v63  }
0x59: {  	_ =	swait.ge [sflag:s17], $0x100  }
0x5a: {  	[sflag:s17] =	ssyncset.done $0x0  }
0x5b: {  	[sflag:s17] =	ssyncadd.s32 $0xFFFFFF00  }
0x5c: {  	[tilespmem:s29], [sflag:$0x2] =	stream.linear.gather [hbm4b:s10+s29], $0x300, $0x38;
	[tilespmem:$0x2CA0] =	vst v63  }
0x5d: {  	_ =	swait.ge [sflag:s17], $0x300  }
0x5e: {  	[sflag:s17] =	ssyncset.done $0x0  }
0x5f: {  	v21 =	vimm.f32 $0.0e+00;
	[sflag:s17] =	ssyncadd.s32 $0xFFFFFD00  }
0x60: {  	[tilespmem:$0x1F80] =	vst v21;
	v9 =	vld [tilespmem:$0x300]  }
0x61: {  	[tilespmem:$0x1F90] =	vst v21  }
0x62: {  	[tilespmem:$0x1FA0] =	vst v21  }
0x63: {  	[tilespmem:$0x1FB0] =	vst v21  }
0x64: {  	[tilespmem:$0x1FC0] =	vst v21  }
0x65: {  	[tilespmem:$0x1FD0] =	vst v21  }
0x66: {  	[tilespmem:$0x1FE0] =	vst v21  }
0x67: {  	v0 =	vimm.f32 $1.000000000e+00;
	[tilespmem:$0x1FF0] =	vst v21  }
0x68: {  	[tilespmem:v9+s18+$0x0] =	vst.idx.add.f32.msk $0xffff, v0  }
0x69: {  	v9 =	vld [tilespmem:$0x310];
	_ =	sdelay $0x7  }
0x6a: {  	[tilespmem:v9+s18+$0x0] =	vst.idx.add.f32.msk $0xffff, v0  }
0x6b: {  	v9 =	vld [tilespmem:$0x320];
	_ =	sdelay $0x7  }
0x6c: {  	[tilespmem:v9+s18+$0x0] =	vst.idx.add.f32.msk $0xffff, v0  }
0x6d: {  	v9 =	vld [tilespmem:$0x330];
	_ =	sdelay $0x7  }
0x6e: {  	[tilespmem:v9+s18+$0x0] =	vst.idx.add.f32.msk $0xffff, v0  }
0x6f: {  	v9 =	vld [tilespmem:$0x340];
	_ =	sdelay $0x7  }
0x70: {  	[tilespmem:v9+s18+$0x0] =	vst.idx.add.f32.msk $0xffff, v0  }
0x71: {  	v9 =	vld [tilespmem:$0x350];
	_ =	sdelay $0x7  }
0x72: {  	[tilespmem:v9+s18+$0x0] =	vst.idx.add.f32.msk $0xffff, v0  }
0x73: {  	v9 =	vld [tilespmem:$0x360];
	_ =	sdelay $0x7  }
0x74: {  	[tilespmem:v9+s18+$0x0] =	vst.idx.add.f32.msk $0xffff, v0  }
0x75: {  	v9 =	vld [tilespmem:$0x370];
	_ =	sdelay $0x7  }
0x76: {  	[tilespmem:v9+s18+$0x0] =	vst.idx.add.f32.msk $0xffff, v0  }
0x77: {  	v9 =	vld [tilespmem:$0x380];
	_ =	sdelay $0x7  }
0x78: {  	[tilespmem:v9+s18+$0x0] =	vst.idx.add.f32.msk $0xffff, v0  }
0x79: {  	v9 =	vld [tilespmem:$0x390];
	_ =	sdelay $0x7  }
0x7a: {  	[tilespmem:v9+s18+$0x0] =	vst.idx.add.f32.msk $0xffff, v0  }
0x7b: {  	v9 =	vld [tilespmem:$0x3A0];
	_ =	sdelay $0x7  }
0x7c: {  	[tilespmem:v9+s18+$0x0] =	vst.idx.add.f32.msk $0xffff, v0  }
0x7d: {  	v9 =	vld [tilespmem:$0x3B0];
	_ =	sdelay $0x7  }
0x7e: {  	[tilespmem:v9+s18+$0x0] =	vst.idx.add.f32.msk $0xffff, v0  }
0x7f: {  	v9 =	vld [tilespmem:$0x3C0];
	_ =	sdelay $0x7  }
0x80: {  	[tilespmem:v9+s18+$0x0] =	vst.idx.add.f32.msk $0xffff, v0  }
0x81: {  	v9 =	vld [tilespmem:$0x3D0];
	_ =	sdelay $0x7  }
0x82: {  	[tilespmem:v9+s18+$0x0] =	vst.idx.add.f32.msk $0xffff, v0  }
0x83: {  	v9 =	vld [tilespmem:$0x3E0];
	_ =	sdelay $0x7  }
0x84: {  	[tilespmem:v9+s18+$0x0] =	vst.idx.add.f32.msk $0xffff, v0  }
0x85: {  	v9 =	vld [tilespmem:$0x3F0];
	_ =	sdelay $0x7  }
0x86: {  	s29 =	simm.s32 $0x0;
	[tilespmem:v9+s18+$0x0] =	vst.idx.add.f32.msk $0xffff, v0  }
0x87: {  	v11 =	vld [tilespmem:s29+$0x20]  }
0x88: {  	v14 =	vld [tilespmem:s29+$0x10]  }
0x89: {  	v12 =	vld [tilespmem:s29+$0x0];
	_ =	sdelay $0x3  }
0x8a: {  	v13 =	vsel vm2, $0x0, v11  }
0x8b: {  	s29 =	simm.s32 $0x30;
	v18 =	vmul.f32 v12, v12;
	v16 =	vsel vm3, $0x0, v14;
	v15 =	vmul.f32 v11, v11  }
0x8c: {  	v9 =	vld [tilespmem:s29+$0x20];
	v19 =	vnsel vm1, $0x0, v12;
	v20 =	vsel vm2, $0x0, v12;
	v17 =	vmul.f32 v14, v14  }
0x8d: {  	v10 =	vld [tilespmem:s29+$0x10];
	v22 =	vsel vm3, $0x0, v12;
	v19 =	vadd.f32 v19, v21;
	v18 =	vadd.f32 v18, v21  }
0x8e: {  	v12 =	vld [tilespmem:s29+$0x0];
	s29 =	simm.s32 $0x180;
	v20 =	vadd.f32 v20, v21;
	v21 =	vadd.f32 v22, v21;
	v22 =	vnsel vm1, $0x0, v14  }
.LBB2_3:
0x8f: {  	p2 =	sne.s32 s29, $0xB40;
	v17 =	vadd.f32 v17, v18;
	v16 =	vadd.f32 v16, v19;
	v14 =	vsel vm2, $0x0, v14  }
0x90: {  	v19 =	vsel vm3, $0x0, v11;
	v18 =	vadd.f32 v22, v20;
	v0 =	vadd.f32 v14, v21  }
0x91: {  	v20 =	vadd.f32 v15, v17;
	v21 =	vadd.f32 v13, v16;
	v15 =	vnsel vm1, $0x0, v11;
	v11 =	vmovc v9  }
.Ltmp3:
0x92: {  	v13 =	vsel vm2, $0x0, v11;
	v22 =	vadd.f32 v19, v18;
	v23 =	vadd.f32 v15, v0;
	v14 =	vmovc v10;
	(pc) =	sbr.rel @p2 .LBB2_3-.Ltmp3, $4  }
0x93: {  	s30 =	sshra.s32 s29, $0x2;
	v15 =	vmul.f32 v9, v11;
	v18 =	vmul.f32 v12, v12;
	v16 =	vsel vm3, $0x0, v14  }
0x94: {  	v19 =	vnsel vm1, $0x0, v12;
	v24 =	vsel vm2, $0x0, v12;
	v17 =	vmul.f32 v10, v14;
	v9 =	vld [tilespmem:s30+$0x20]  }
0x95: {  	v19 =	vadd.f32 v19, v21;
	v21 =	vsel vm3, $0x0, v12;
	v10 =	vld [tilespmem:s30+$0x10];
	v18 =	vadd.f32 v18, v20  }
0x96: {  	s29 =	sadd.s32 $0xC0, s29;
	v20 =	vadd.f32 v24, v22;
	v21 =	vadd.f32 v21, v23;
	v22 =	vnsel vm1, $0x0, v14;
	v12 =	vld [tilespmem:s30+$0x0]  }
0x97: {  	_ =	sdelay $0x1  }
0x98: {  	v17 =	vadd.f32 v17, v18;
	v16 =	vadd.f32 v16, v19;
	v14 =	vsel vm2, $0x0, v14  }
0x99: {  	v2 =	vsel vm3, $0x0, v11;
	v4 =	vnsel vm1, $0x0, v11;
	v1 =	vadd.f32 v22, v20  }
0x9a: {  	v14 =	vadd.f32 v14, v21;
	v15 =	vadd.f32 v15, v17;
	v3 =	vmul.f32 v12, v12  }
0x9b: {  	v13 =	vadd.f32 v13, v16;
	v5 =	vsel vm2, $0x0, v9;
	v18 =	vadd.f32 v2, v1  }
0x9c: {  	v7 =	vmul.f32 v10, v10;
	v6 =	vnsel vm1, $0x0, v12;
	v15 =	vadd.f32 v3, v15  }
0x9d: {  	v23 =	vmul.f32 v9, v9;
	v11 =	vadd.f32 v4, v14;
	v13 =	vadd.f32 v6, v13  }
0x9e: {  	v22 =	vsel vm3, $0x0, v10;
	v24 =	vsel vm2, $0x0, v12;
	v15 =	vadd.f32 v7, v15  }
0x9f: {  	v25 =	vsel vm3, $0x0, v12;
	v18 =	vadd.f32 v24, v18;
	v13 =	vadd.f32 v22, v13  }
0xa0: {  	v26 =	vnsel vm1, $0x0, v10;
	v11 =	vadd.f32 v25, v11;
	v27 =	vadd.f32 v23, v15  }
0xa1: {  	v12 =	vadd.f32 v26, v18;
	v13 =	vadd.f32 v5, v13  }
0xa2: {  	v29 =	vsel vm3, $0x0, v9;
	v28 =	vsel vm2, $0x0, v10;
	(xrf2) =	vadd.scan.msk.f32 $0xffff, v27  }
0xa3: {  	v10 =	vadd.f32 v28, v11;
	v30 =	vadd.f32 v29, v12;
	(xrf2) =	vadd.scan.msk.f32 $0xffff, v13  }
0xa4: {  	v31 =	vnsel vm1, $0x0, v9  }
0xa5: {  	v9 =	vadd.f32 v31, v10;
	(xrf2) =	vadd.scan.msk.f32 $0xffff, v30;
	_ =	sdelay $0x1  }
0xa6: {  	(xrf2) =	vadd.scan.msk.f32 $0xffff, v9;
	_ =	sdelay $0x4  }
0xa7: {  	v32, _, _ =	vpop (xrf2)  }
0xa8: {  	v33, _, _ =	vpop (xrf2)  }
0xa9: {  	v9 =	vbroadcast v32, $0xF;
	v10 =	vbroadcast v33, $0xF  }
0xaa: {  	v11, _, _ =	vpop (xrf2)  }
0xab: {  	v9 =	vnsel vm4, $0x0, v9;
	v11 =	vbroadcast v11, $0xF;
	v10 =	vnsel vm5, $0x0, v10  }
0xac: {  	v34, _, _ =	vpop (xrf2);
	v9 =	vadd.f32 v10, v9  }
0xad: {  	v36 =	vbroadcast v34, $0xF;
	v35 =	vnsel vm6, $0x0, v11  }
0xae: {  	v9 =	vadd.f32 v35, v9  }
0xaf: {  	v37 =	vnsel vm0, $0x0, v36  }
0xb0: {  	v9 =	vadd.f32 v37, v9;
	_ =	sdelay $0x1  }
0xb1: {  	[tilespmem:$0x2A80] =	vst v9  }
0xb2: {  	[spmem:s11] =	stream.linear.scatter [tilespmem:s18], [sflag:$0x2], $0x80, $0x38;
	[tilespmem:$0x2CA0] =	vst v63  }
0xb3: {  	_ =	swait.ge [sflag:s17], $0x80  }
0xb4: {  	[sflag:s17] =	ssyncset.done $0x0  }
0xb5: {  	[sflag:s17] =	ssyncadd.s32 $0xFFFFFF80  }
0xb6: {  	[spmem:s12] =	stream.linear.scatter [tilespmem:s19], [sflag:$0x2], $0x10, $0x38;
	[tilespmem:$0x2CA0] =	vst v63  }
0xb7: {  	_ =	swait.ge [sflag:s17], $0x10  }
0xb8: {  	[sflag:s17] =	ssyncset.done $0x0  }
0xb9: {  	[sflag:s17] =	ssyncadd.s32 $0xFFFFFFF0  }
0xba: {  	_ =	swait.ge [sflag:s20], $0x1B80  }
0xbb: {  	[sflag:s20] =	ssyncset.done $0x0  }
0xbc: {  	[sflag:s20] =	ssyncadd.s32 $0xFFFFE480  }
0xbd: {  	[bflag:$0x0] =	sbarrier.arrive $0xFFFF  }
0xbe: {  	[tilespmem:s21], [sflag:$0x2] =	stream.linear.gather [spmem:s2], $0x800, $0x38;
	[tilespmem:$0x2CA0] =	vst v63  }
0xbf: {  	_ =	swait.ge [sflag:s17], $0x800  }
0xc0: {  	[sflag:s17] =	ssyncset.done $0x0  }
0xc1: {  	[sflag:s17] =	ssyncadd.s32 $0xFFFFF800  }
0xc2: {  	v12 =	vld [tilespmem:$0x2080]  }
0xc3: {  	v13 =	vld [tilespmem:$0x2100]  }
0xc4: {  	v14 =	vld [tilespmem:$0x2180]  }
0xc5: {  	v15 =	vld [tilespmem:$0x2200]  }
0xc6: {  	v16 =	vld [tilespmem:$0x2280]  }
0xc7: {  	v20 =	vld [tilespmem:$0x2300]  }
0xc8: {  	v21 =	vld [tilespmem:$0x2380]  }
0xc9: {  	v22 =	vld [tilespmem:$0x2400]  }
0xca: {  	v10 =	vld [tilespmem:$0x2480]  }
0xcb: {  	v11 =	vld [tilespmem:$0x2500]  }
0xcc: {  	v26 =	vld [tilespmem:$0x2580]  }
0xcd: {  	v39 =	vld [tilespmem:$0x2600]  }
0xce: {  	v0 =	vld [tilespmem:$0x2680]  }
0xcf: {  	v38 =	vld [tilespmem:$0x2700]  }
0xd0: {  	v40 =	vld [tilespmem:$0x2780]  }
0xd1: {  	v41 =	vld [tilespmem:$0x2800]  }
0xd2: {  	v17 =	vld [tilespmem:$0x2090]  }
0xd3: {  	v18 =	vld [tilespmem:$0x2110]  }
0xd4: {  	v19 =	vld [tilespmem:$0x2190]  }
0xd5: {  	v28 =	vld [tilespmem:$0x2210]  }
0xd6: {  	v29 =	vld [tilespmem:$0x2290]  }
0xd7: {  	v30 =	vld [tilespmem:$0x2310]  }
0xd8: {  	v31 =	vld [tilespmem:$0x2390]  }
0xd9: {  	v32 =	vld [tilespmem:$0x2410]  }
0xda: {  	v33 =	vld [tilespmem:$0x2490]  }
0xdb: {  	v34 =	vld [tilespmem:$0x2510]  }
0xdc: {  	v35 =	vld [tilespmem:$0x2590]  }
0xdd: {  	v36 =	vld [tilespmem:$0x2610]  }
0xde: {  	v37 =	vld [tilespmem:$0x2690]  }
0xdf: {  	v42 =	vld [tilespmem:$0x2810]  }
0xe0: {  	v43 =	vld [tilespmem:$0x21A0]  }
0xe1: {  	v44 =	vld [tilespmem:$0x2220]  }
0xe2: {  	v45 =	vld [tilespmem:$0x22A0]  }
0xe3: {  	v46 =	vld [tilespmem:$0x2320]  }
0xe4: {  	v47 =	vld [tilespmem:$0x23A0]  }
0xe5: {  	v48 =	vld [tilespmem:$0x2420]  }
0xe6: {  	v49 =	vld [tilespmem:$0x24A0]  }
0xe7: {  	v50 =	vld [tilespmem:$0x2520]  }
0xe8: {  	v51 =	vld [tilespmem:$0x25A0]  }
0xe9: {  	v52 =	vld [tilespmem:$0x2620]  }
0xea: {  	v53 =	vld [tilespmem:$0x26A0]  }
0xeb: {  	v54 =	vld [tilespmem:$0x2720]  }
0xec: {  	v55 =	vld [tilespmem:$0x27A0]  }
0xed: {  	v56 =	vld [tilespmem:$0x2820]  }
0xee: {  	v57 =	vld [tilespmem:$0x20B0]  }
0xef: {  	v58 =	vld [tilespmem:$0x2130]  }
0xf0: {  	v59 =	vld [tilespmem:$0x21B0]  }
0xf1: {  	v60 =	vld [tilespmem:$0x2230]  }
0xf2: {  	v61 =	vld [tilespmem:$0x22B0]  }
0xf3: {  	v62 =	vld [tilespmem:$0x2330]  }
0xf4: {  	v63 =	vld [tilespmem:$0x23B0]  }
0xf5: {  	v1 =	vld [tilespmem:$0x24B0]  }
0xf6: {  	v2 =	vld [tilespmem:$0x2530]  }
0xf7: {  	v3 =	vld [tilespmem:$0x25B0]  }
0xf8: {  	v4 =	vld [tilespmem:$0x2630]  }
0xf9: {  	v5 =	vld [tilespmem:$0x26B0]  }
0xfa: {  	v6 =	vld [tilespmem:$0x2730]  }
0xfb: {  	v7 =	vld [tilespmem:$0x27B0]  }
0xfc: {  	v9 =	vld [tilespmem:$0x2830]  }
0xfd: {  	v8 =	vld [tilespmem:$0x20C0]  }
0xfe: {  	v23 =	vld [tilespmem:$0x2140]  }
0xff: {  	v24 =	vld [tilespmem:$0x21C0]  }
0x100: {  	v25 =	vld [tilespmem:$0x2240]  }
0x101: {  	v27 =	vld [tilespmem:$0x22C0]  }
0x102: {  	[tilespmem:$0x1FB40] =	vst v38;
	v38 =	vld [tilespmem:$0x2710]  }
0x103: {  	[tilespmem:$0x1FB50] =	vst v40;
	v40 =	vld [tilespmem:$0x2790]  }
0x104: {  	[tilespmem:$0x1FB60] =	vst v41;
	v41 =	vld [tilespmem:$0x20A0];
	v12 =	vadd.f32 $0.0e+00, v12  }
0x105: {  	[tilespmem:$0x1FB70] =	vst v42;
	v42 =	vld [tilespmem:$0x2120];
	v17 =	vadd.f32 $0.0e+00, v17  }
0x106: {  	[tilespmem:$0x1FB30] =	vst v0;
	v0 =	vld [tilespmem:$0x2430];
	v8 =	vadd.f32 $0.0e+00, v8;
	v12 =	vadd.f32 v13, v12  }
0x107: {  	v17 =	vadd.f32 v18, v17;
	v18 =	vadd.f32 $0.0e+00, v57;
	v57 =	vld [tilespmem:$0x23C0]  }
0x108: {  	v8 =	vadd.f32 v23, v8;
	v23 =	vld [tilespmem:$0x2670];
	v12 =	vadd.f32 v14, v12  }
0x109: {  	v14 =	vadd.f32 v19, v17;
	v17 =	vadd.f32 v58, v18;
	v58 =	vld [tilespmem:$0x24C0]  }
0x10a: {  	v19 =	vld [tilespmem:$0x2540]  }
0x10b: {  	v18 =	vld [tilespmem:$0x25C0]  }
0x10c: {  	v8 =	vadd.f32 v24, v8;
	v24 =	vld [tilespmem:$0x26E0]  }
0x10d: {  	v13 =	vadd.f32 $0.0e+00, v41;
	v41 =	vld [tilespmem:$0x2340]  }
0x10e: {  	v12 =	vadd.f32 v15, v12;
	v15 =	vld [tilespmem:$0x2740]  }
0x10f: {  	v8 =	vadd.f32 v25, v8;
	v25 =	vld [tilespmem:$0x26F0]  }
0x110: {  	v14 =	vadd.f32 v28, v14;
	v13 =	vadd.f32 v42, v13;
	v42 =	vld [tilespmem:$0x2440]  }
0x111: {  	v12 =	vadd.f32 v16, v12;
	v16 =	vld [tilespmem:$0x26C0]  }
0x112: {  	v14 =	vadd.f32 v29, v14;
	v8 =	vadd.f32 v27, v8;
	v29 =	vld [tilespmem:$0x27E0]  }
0x113: {  	v13 =	vadd.f32 v43, v13;
	v43 =	vadd.f32 v59, v17;
	v17 =	vld [tilespmem:$0x2640]  }
0x114: {  	v8 =	vadd.f32 v41, v8;
	v41 =	vld [tilespmem:$0x1FBD0]  }
0x115: {  	v59 =	vadd.f32 v60, v43;
	v60 =	vadd.f32 v30, v14;
	v14 =	vld [tilespmem:$0x27C0]  }
0x116: {  	v13 =	vadd.f32 v44, v13;
	v44 =	vld [tilespmem:$0x20D0]  }
0x117: {  	v30 =	vld [tilespmem:$0x21D0]  }
0x118: {  	v8 =	vadd.f32 v57, v8;
	v57 =	vld [tilespmem:$0x24F0]  }
0x119: {  	v13 =	vadd.f32 v45, v13;
	v45 =	vld [tilespmem:$0x2150]  }
0x11a: {  	v12 =	vadd.f32 v20, v12;
	v20 =	vadd.f32 v31, v60;
	v31 =	vld [tilespmem:$0x2350]  }
0x11b: {  	v60 =	vld [tilespmem:$0x20F0]  }
0x11c: {  	v28 =	vadd.f32 v61, v59;
	v61 =	vld [tilespmem:$0x1FB70]  }
0x11d: {  	v8 =	vadd.f32 v42, v8;
	v42 =	vld [tilespmem:$0x1FBE0]  }
0x11e: {  	v43 =	vadd.f32 v46, v13;
	v13 =	vld [tilespmem:$0x2840]  }
0x11f: {  	v20 =	vadd.f32 v32, v20;
	v32 =	vld [tilespmem:$0x2650]  }
0x120: {  	v12 =	vadd.f32 v21, v12;
	v28 =	vadd.f32 v62, v28;
	v62 =	vld [tilespmem:$0x2160]  }
0x121: {  	v8 =	vadd.f32 v58, v8;
	v58 =	vld [tilespmem:$0x1FCC0]  }
0x122: {  	v12 =	vadd.f32 v22, v12;
	v20 =	vadd.f32 v33, v20;
	v33 =	vld [tilespmem:$0x2750]  }
0x123: {  	v21 =	vadd.f32 v47, v43;
	v28 =	vadd.f32 v63, v28;
	v63 =	vld [tilespmem:$0x2170]  }
0x124: {  	v43 =	vld [tilespmem:$0x21F0]  }
0x125: {  	v10 =	vadd.f32 v10, v12;
	v46 =	vadd.f32 v48, v21;
	v21 =	vld [tilespmem:$0x2250]  }
0x126: {  	v0 =	vadd.f32 v0, v28;
	v28 =	vld [tilespmem:$0x22D0]  }
0x127: {  	v10 =	vadd.f32 v11, v10;
	v48 =	vadd.f32 v34, v20;
	v20 =	vld [tilespmem:$0x2450]  }
0x128: {  	v34 =	vld [tilespmem:$0x2850]  }
0x129: {  	v10 =	vadd.f32 v26, v10;
	v26 =	vld [tilespmem:$0x2550]  }
0x12a: {  	v0 =	vadd.f32 v1, v0;
	v1 =	vld [tilespmem:$0x23D0]  }
0x12b: {  	v47 =	vadd.f32 v49, v46;
	v49 =	vld [tilespmem:$0x1FB30]  }
0x12c: {  	v12 =	vadd.f32 v35, v48;
	v48 =	vld [tilespmem:$0x22F0]  }
0x12d: {  	v10 =	vadd.f32 v39, v10;
	v39 =	vadd.f32 $0.0e+00, v44;
	v44 =	vld [tilespmem:$0x2260]  }
0x12e: {  	v0 =	vadd.f32 v2, v0;
	v2 =	vld [tilespmem:$0x24D0]  }
0x12f: {  	v11 =	vadd.f32 v50, v47;
	v50 =	vld [tilespmem:$0x1FB40]  }
0x130: {  	v47 =	vld [tilespmem:$0x22E0]  }
0x131: {  	v12 =	vadd.f32 v36, v12;
	v36 =	vadd.f32 $0.0e+00, v60;
	v60 =	vld [tilespmem:$0x2570]  }
0x132: {  	v0 =	vadd.f32 v3, v0;
	v3 =	vld [tilespmem:$0x25D0]  }
0x133: {  	v11 =	vadd.f32 v51, v11;
	v51 =	vld [tilespmem:$0x1FB50]  }
0x134: {  	v46 =	vadd.f32 v63, v36;
	v63 =	vld [tilespmem:$0x2660]  }
0x135: {  	v36 =	vld [tilespmem:$0x1FB80]  }
0x136: {  	v12 =	vadd.f32 v37, v12;
	v37 =	vld [tilespmem:$0x1FB90]  }
0x137: {  	v0 =	vadd.f32 v4, v0;
	v4 =	vld [tilespmem:$0x26D0]  }
0x138: {  	v10 =	vadd.f32 v49, v10;
	v12 =	vadd.f32 v38, v12;
	v38 =	vld [tilespmem:$0x1FBA0]  }
0x139: {  	v11 =	vadd.f32 v52, v11;
	v49 =	vadd.f32 v43, v46;
	v43 =	vld [tilespmem:$0x1FBF0]  }
0x13a: {  	v46 =	vld [tilespmem:$0x1FC10]  }
0x13b: {  	v11 =	vadd.f32 v53, v11;
	v0 =	vadd.f32 v5, v0;
	v53 =	vld [tilespmem:$0x20E0]  }
0x13c: {  	v10 =	vadd.f32 v50, v10;
	v50 =	vld [tilespmem:$0x2360]  }
0x13d: {  	v5 =	vld [tilespmem:$0x27D0];
	v11 =	vadd.f32 v54, v11;
	v0 =	vadd.f32 v6, v0  }
0x13e: {  	v52 =	vadd.f32 v40, v12;
	v40 =	vld [tilespmem:$0x21E0];
	v10 =	vadd.f32 v51, v10  }
0x13f: {  	v51 =	vld [tilespmem:$0x2370];
	v59 =	vadd.f32 v55, v11;
	v0 =	vadd.f32 v7, v0  }
0x140: {  	v54 =	vld [tilespmem:$0x1FB60];
	v11 =	vadd.f32 v61, v52;
	v6 =	vadd.f32 $0.0e+00, v53  }
0x141: {  	v52 =	vld [tilespmem:$0x23E0];
	v9 =	vadd.f32 v9, v0;
	v0 =	vadd.f32 v45, v39  }
0x142: {  	v45 =	vld [tilespmem:$0x2270];
	v6 =	vadd.f32 v62, v6  }
0x143: {  	v55 =	vld [tilespmem:$0x2470];
	v0 =	vadd.f32 v30, v0  }
0x144: {  	v61 =	vld [tilespmem:$0x25E0];
	v6 =	vadd.f32 v40, v6  }
0x145: {  	v53 =	vld [tilespmem:$0x23F0];
	v0 =	vadd.f32 v21, v0  }
0x146: {  	v39 =	vld [tilespmem:$0x1FBB0];
	v12 =	vadd.f32 v54, v10;
	v6 =	vadd.f32 v44, v6  }
0x147: {  	v54 =	vld [tilespmem:$0x2460];
	v7 =	vadd.f32 v45, v49;
	v0 =	vadd.f32 v28, v0  }
0x148: {  	v10 =	vadd.f32 v56, v59;
	v56 =	vld [tilespmem:$0x24E0];
	v6 =	vadd.f32 v47, v6  }
0x149: {  	v59 =	vld [tilespmem:$0x2560];
	v7 =	vadd.f32 v48, v7;
	v0 =	vadd.f32 v31, v0  }
0x14a: {  	v62 =	vld [tilespmem:$0x25F0];
	v6 =	vadd.f32 v50, v6  }
0x14b: {  	v30 =	vld [tilespmem:$0x27F0];
	v7 =	vadd.f32 v51, v7;
	v0 =	vadd.f32 v1, v0  }
0x14c: {  	v40 =	vld [tilespmem:$0x1FBC0];
	v6 =	vadd.f32 v52, v6  }
0x14d: {  	v44 =	vld [tilespmem:$0x1FFF0];
	v7 =	vadd.f32 v53, v7;
	v0 =	vadd.f32 v20, v0  }
0x14e: {  	v45 =	vld [tilespmem:$0x1FC00];
	v6 =	vadd.f32 v54, v6  }
0x14f: {  	v49 =	vld [tilespmem:$0x1FC40];
	v7 =	vadd.f32 v55, v7;
	v0 =	vadd.f32 v2, v0  }
0x150: {  	v8 =	vadd.f32 v19, v8;
	v28 =	vld [tilespmem:$0x2770];
	v1 =	vadd.f32 v56, v6  }
0x151: {  	v47 =	vld [tilespmem:$0x1FC20];
	v7 =	vadd.f32 v57, v7;
	v0 =	vadd.f32 v26, v0  }
0x152: {  	v8 =	vadd.f32 v18, v8;
	v48 =	vld [tilespmem:$0x1FC30];
	v1 =	vadd.f32 v59, v1  }
0x153: {  	v31 =	vld [tilespmem:$0x2860];
	v7 =	vadd.f32 v60, v7;
	v0 =	vadd.f32 v3, v0  }
0x154: {  	v8 =	vadd.f32 v17, v8;
	v50 =	vld [tilespmem:$0x1FC50];
	v1 =	vadd.f32 v61, v1  }
0x155: {  	v26 =	vld [tilespmem:$0x2760];
	v6 =	vadd.f32 v62, v7;
	v0 =	vadd.f32 v32, v0  }
0x156: {  	v27 =	vadd.f32 v16, v8;
	v51 =	vld [tilespmem:$0x1FC60];
	v1 =	vadd.f32 v63, v1  }
0x157: {  	v52 =	vld [tilespmem:$0x1FC70];
	v6 =	vadd.f32 v23, v6;
	v0 =	vadd.f32 v4, v0  }
0x158: {  	v53 =	vld [tilespmem:$0x1FF80];
	v7 =	vadd.f32 v15, v27;
	v1 =	vadd.f32 v24, v1  }
0x159: {  	v54 =	vld [tilespmem:$0x1FC80];
	v2 =	vadd.f32 v25, v6;
	v0 =	vadd.f32 v33, v0  }
0x15a: {  	[tilespmem:$0x2010] =	vst v11;
	v32 =	vadd.f32 v14, v7;
	v33 =	vld [tilespmem:$0x2870];
	v1 =	vadd.f32 v26, v1  }
0x15b: {  	[tilespmem:$0x2030] =	vst v9;
	v55 =	vld [tilespmem:$0x1FC90];
	v2 =	vadd.f32 v28, v2;
	v0 =	vadd.f32 v5, v0  }
0x15c: {  	[tilespmem:$0x2000] =	vst v12;
	v56 =	vld [tilespmem:$0x1FCA0];
	v16 =	vadd.f32 v13, v32;
	v1 =	vadd.f32 v29, v1  }
0x15d: {  	[tilespmem:$0x2020] =	vst v10;
	v57 =	vld [tilespmem:$0x1FCB0];
	v35 =	vadd.f32 v30, v2;
	v15 =	vadd.f32 v34, v0  }
0x15e: {  	v59 =	vld [tilespmem:$0x1FCD0];
	[tilespmem:$0x2040] =	vst v16;
	v14 =	vadd.f32 v31, v1  }
0x15f: {  	v60 =	vld [tilespmem:$0x1FCE0];
	v13 =	vadd.f32 v33, v35;
	[tilespmem:$0x2050] =	vst v15  }
0x160: {  	v61 =	vld [tilespmem:$0x1FCF0];
	[tilespmem:$0x2060] =	vst v14  }
0x161: {  	v62 =	vld [tilespmem:$0x1FF90];
	[tilespmem:$0x2070] =	vst v13  }
0x162: {  	v0 =	vld.idx.msk [tilespmem:v36+s15+$0x0], $0xffff  }
0x163: {  	v1 =	vld.idx.msk [tilespmem:v37+s15+$0x0], $0xffff  }
0x164: {  	v2 =	vld.idx.msk [tilespmem:v38+s15+$0x0], $0xffff  }
0x165: {  	v3 =	vld.idx.msk [tilespmem:v39+s15+$0x0], $0xffff  }
0x166: {  	v4 =	vld.idx.msk [tilespmem:v40+s15+$0x0], $0xffff  }
0x167: {  	v5 =	vld.idx.msk [tilespmem:v41+s15+$0x0], $0xffff  }
0x168: {  	v6 =	vld.idx.msk [tilespmem:v42+s15+$0x0], $0xffff  }
0x169: {  	v7 =	vld.idx.msk [tilespmem:v43+s15+$0x0], $0xffff  }
0x16a: {  	v8 =	vld.idx.msk [tilespmem:v44+s22+$0x0], $0xffff  }
0x16b: {  	v17 =	vld.idx.msk [tilespmem:v45+s15+$0x0], $0xffff  }
0x16c: {  	v18 =	vld.idx.msk [tilespmem:v46+s15+$0x0], $0xffff  }
0x16d: {  	v19 =	vld.idx.msk [tilespmem:v47+s15+$0x0], $0xffff  }
0x16e: {  	v20 =	vld.idx.msk [tilespmem:v48+s15+$0x0], $0xffff  }
0x16f: {  	v21 =	vld.idx.msk [tilespmem:v49+s15+$0x0], $0xffff  }
0x170: {  	v22 =	vld.idx.msk [tilespmem:v50+s15+$0x0], $0xffff  }
0x171: {  	v23 =	vld.idx.msk [tilespmem:v51+s15+$0x0], $0xffff  }
0x172: {  	v24 =	vld.idx.msk [tilespmem:v52+s15+$0x0], $0xffff  }
0x173: {  	v25 =	vld.idx.msk [tilespmem:v53+s22+$0x0], $0xffff  }
0x174: {  	v26 =	vld.idx.msk [tilespmem:v54+s15+$0x0], $0xffff  }
0x175: {  	v27 =	vld.idx.msk [tilespmem:v55+s15+$0x0], $0xffff  }
0x176: {  	v28 =	vld.idx.msk [tilespmem:v56+s15+$0x0], $0xffff  }
0x177: {  	v29 =	vld.idx.msk [tilespmem:v57+s15+$0x0], $0xffff  }
0x178: {  	v30 =	vld.idx.msk [tilespmem:v58+s15+$0x0], $0xffff  }
0x179: {  	v31 =	vld.idx.msk [tilespmem:v59+s15+$0x0], $0xffff  }
0x17a: {  	v32 =	vld.idx.msk [tilespmem:v60+s15+$0x0], $0xffff  }
0x17b: {  	v33 =	vld.idx.msk [tilespmem:v61+s15+$0x0], $0xffff  }
0x17c: {  	v34 =	vld.idx.msk [tilespmem:v62+s22+$0x0], $0xffff  }
0x17d: {  	v36 =	vld [tilespmem:$0x1FD00]  }
0x17e: {  	v37 =	vld [tilespmem:$0x1FD10]  }
0x17f: {  	v39 =	vld [tilespmem:$0x1FD20]  }
0x180: {  	v41 =	vld [tilespmem:$0x1FD30]  }
0x181: {  	v43 =	vld [tilespmem:$0x1FD40]  }
0x182: {  	v45 =	vld [tilespmem:$0x1FD50]  }
0x183: {  	v47 =	vld [tilespmem:$0x1FD60]  }
0x184: {  	v49 =	vld [tilespmem:$0x1FD70]  }
0x185: {  	v50 =	vld [tilespmem:$0x1FFA0]  }
0x186: {  	v53 =	vld [tilespmem:$0x1FD80]  }
0x187: {  	v56 =	vld [tilespmem:$0x1FD90]  }
0x188: {  	v58 =	vld [tilespmem:$0x1FDA0]  }
0x189: {  	v60 =	vld [tilespmem:$0x1FDB0]  }
0x18a: {  	v62 =	vld [tilespmem:$0x1FDC0]  }
0x18b: {  	v63 =	vmul.f32 v2, v10;
	v2 =	vld.idx.msk [tilespmem:v36+s15+$0x0], $0xffff  }
0x18c: {  	v35 =	vld.idx.msk [tilespmem:v37+s15+$0x0], $0xffff  }
0x18d: {  	v38 =	vmul.f32 v3, v9;
	v3 =	vld.idx.msk [tilespmem:v39+s15+$0x0], $0xffff  }
0x18e: {  	v40 =	vmul.f32 v19, v10;
	v19 =	vld.idx.msk [tilespmem:v41+s15+$0x0], $0xffff  }
0x18f: {  	v42 =	vmul.f32 v4, v16;
	v4 =	vld.idx.msk [tilespmem:v43+s15+$0x0], $0xffff  }
0x190: {  	v44 =	vmul.f32 v20, v9;
	v20 =	vld.idx.msk [tilespmem:v45+s15+$0x0], $0xffff  }
0x191: {  	v46 =	vmul.f32 v26, v12;
	v26 =	vld.idx.msk [tilespmem:v47+s15+$0x0], $0xffff  }
0x192: {  	v48 =	vmul.f32 v21, v16;
	v21 =	vld.idx.msk [tilespmem:v49+s15+$0x0], $0xffff  }
0x193: {  	v36 =	vld.idx.msk [tilespmem:v50+s22+$0x0], $0xffff  }
0x194: {  	v57 =	vmul.f32 v7, v13;
	v7 =	vld.idx.msk [tilespmem:v58+s15+$0x0], $0xffff  }
0x195: {  	v54 =	vmul.f32 v22, v15;
	v22 =	vld.idx.msk [tilespmem:v60+s15+$0x0], $0xffff  }
0x196: {  	v59 =	vmul.f32 v29, v9;
	v29 =	vld.idx.msk [tilespmem:v62+s15+$0x0], $0xffff  }
0x197: {  	v41 =	vld [tilespmem:$0x1FE00]  }
0x198: {  	v45 =	vld [tilespmem:$0x1FE20]  }
0x199: {  	v47 =	vld [tilespmem:$0x1FE30]  }
0x19a: {  	v0 =	vmul.f32 v0, v12;
	v49 =	vld [tilespmem:$0x1FE40]  }
0x19b: {  	v17 =	vmul.f32 v17, v12;
	v50 =	vld [tilespmem:$0x1FE50]  }
0x19c: {  	v1 =	vmul.f32 v1, v11;
	v0 =	vadd.f32 $0.0e+00, v0;
	v58 =	vld [tilespmem:$0x1FE90]  }
0x19d: {  	v18 =	vmul.f32 v18, v11;
	v17 =	vadd.f32 $0.0e+00, v17;
	v60 =	vld [tilespmem:$0x1FF00]  }
0x19e: {  	v27 =	vmul.f32 v27, v11;
	v62 =	vld [tilespmem:$0x1FEA0];
	v0 =	vadd.f32 v1, v0;
	v1 =	vadd.f32 $0.0e+00, v46  }
0x19f: {  	v46 =	vmul.f32 v33, v13;
	v33 =	vld [tilespmem:$0x1FF20]  }
0x1a0: {  	v17 =	vadd.f32 v18, v17;
	v1 =	vadd.f32 v27, v1;
	v27 =	vld.idx.msk [tilespmem:v56+s15+$0x0], $0xffff  }
0x1a1: {  	v0 =	vadd.f32 v63, v0;
	v63 =	vmul.f32 v30, v16;
	v30 =	vld [tilespmem:$0x1FDD0]  }
0x1a2: {  	v17 =	vadd.f32 v40, v17;
	v40 =	vld [tilespmem:$0x1FFB0]  }
0x1a3: {  	v56 =	vld [tilespmem:$0x1FE70]  }
0x1a4: {  	v61 =	vmul.f32 v35, v11;
	v35 =	vld [tilespmem:$0x1FDE0]  }
0x1a5: {  	v0 =	vadd.f32 v38, v0;
	v17 =	vadd.f32 v44, v17;
	v38 =	vld [tilespmem:$0x1FDF0]  }
0x1a6: {  	v44 =	vld [tilespmem:$0x1FE10]  }
0x1a7: {  	v52 =	vadd.f32 v48, v17;
	v17 =	vld.idx.msk [tilespmem:v53+s15+$0x0], $0xffff  }
0x1a8: {  	v0 =	vadd.f32 v42, v0;
	v42 =	vmul.f32 v32, v14;
	v32 =	vld [tilespmem:$0x1FEB0]  }
0x1a9: {  	v5 =	vmul.f32 v5, v15;
	v48 =	vmul.f32 v27, v11;
	v27 =	vld.idx.msk [tilespmem:v49+s15+$0x0], $0xffff  }
0x1aa: {  	v2 =	vmul.f32 v2, v12;
	v49 =	vld [tilespmem:$0x1FF60]  }
0x1ab: {  	v55 =	vmul.f32 v28, v10;
	v0 =	vadd.f32 v5, v0;
	v5 =	vld.idx.msk [tilespmem:v41+s15+$0x0], $0xffff  }
0x1ac: {  	v51 =	vmul.f32 v6, v14;
	v2 =	vadd.f32 $0.0e+00, v2;
	v6 =	vadd.f32 v54, v52;
	v52 =	vld [tilespmem:$0x1FE60]  }
0x1ad: {  	v1 =	vadd.f32 v55, v1;
	v54 =	vld [tilespmem:$0x1FE80]  }
0x1ae: {  	v3 =	vmul.f32 v3, v10;
	v2 =	vadd.f32 v61, v2;
	v18 =	vld.idx.msk [tilespmem:v30+s15+$0x0], $0xffff  }
0x1af: {  	v39 =	vmul.f32 v19, v9;
	v1 =	vadd.f32 v59, v1;
	v19 =	vld.idx.msk [tilespmem:v40+s22+$0x0], $0xffff  }
0x1b0: {  	v2 =	vadd.f32 v3, v2;
	v3 =	vld.idx.msk [tilespmem:v47+s15+$0x0], $0xffff  }
0x1b1: {  	v37 =	vmul.f32 v31, v15;
	v55 =	vmul.f32 v22, v9;
	v1 =	vadd.f32 v63, v1;
	v22 =	vld.idx.msk [tilespmem:v56+s15+$0x0], $0xffff  }
0x1b2: {  	v30 =	vld [tilespmem:$0x1FF10]  }
0x1b3: {  	v1 =	vadd.f32 v37, v1;
	v37 =	vld [tilespmem:$0x1FF30]  }
0x1b4: {  	v23 =	vmul.f32 v23, v14;
	v40 =	vld [tilespmem:$0x1FF40]  }
0x1b5: {  	v47 =	vld [tilespmem:$0x1FEF0]  }
0x1b6: {  	v6 =	vadd.f32 v23, v6;
	v23 =	vld.idx.msk [tilespmem:v35+s15+$0x0], $0xffff  }
0x1b7: {  	v24 =	vmul.f32 v24, v13;
	v28 =	vld.idx.msk [tilespmem:v38+s15+$0x0], $0xffff  }
0x1b8: {  	v43 =	vmul.f32 v4, v16;
	v4 =	vld.idx.msk [tilespmem:v44+s15+$0x0], $0xffff  }
0x1b9: {  	v6 =	vadd.f32 v24, v6;
	v24 =	vld.idx.msk [tilespmem:v45+s15+$0x0], $0xffff  }
0x1ba: {  	v17 =	vmul.f32 v17, v12;
	v35 =	vld [tilespmem:$0x1FEC0]  }
0x1bb: {  	v0 =	vadd.f32 v51, v0;
	v2 =	vadd.f32 v39, v2;
	v38 =	vld [tilespmem:$0x1FED0]  }
0x1bc: {  	v1 =	vadd.f32 v42, v1;
	v42 =	vld [tilespmem:$0x1FEE0];
	v17 =	vadd.f32 $0.0e+00, v17  }
0x1bd: {  	v0 =	vadd.f32 v57, v0;
	v45 =	vld [tilespmem:$0x1FF50]  }
0x1be: {  	v20 =	vmul.f32 v20, v15;
	v2 =	vadd.f32 v43, v2;
	v51 =	vadd.f32 v48, v17;
	v17 =	vld.idx.msk [tilespmem:v52+s15+$0x0], $0xffff  }
0x1bf: {  	v6 =	vmul.f32 v6, v25;
	v25 =	vld.idx.msk [tilespmem:v54+s15+$0x0], $0xffff  }
0x1c0: {  	v0 =	vmul.f32 v0, v8;
	v2 =	vadd.f32 v20, v2;
	v20 =	vld.idx.msk [tilespmem:v58+s15+$0x0], $0xffff  }
0x1c1: {  	v7 =	vmul.f32 v7, v10;
	v5 =	vmul.f32 v5, v12;
	v54 =	vld [tilespmem:$0x1FF70]  }
0x1c2: {  	v53 =	vmul.f32 v26, v14;
	v0 =	vadd.f32 $0.0e+00, v0;
	v57 =	vmul.f32 v24, v10;
	v24 =	vld.idx.msk [tilespmem:v60+s15+$0x0], $0xffff  }
0x1c3: {  	v5 =	vadd.f32 $0.0e+00, v5;
	v4 =	vmul.f32 v4, v11;
	v7 =	vadd.f32 v7, v51;
	v51 =	vld [tilespmem:$0x1FFC0]  }
0x1c4: {  	v21 =	vmul.f32 v21, v13;
	v0 =	vadd.f32 v6, v0;
	v6 =	vld.idx.msk [tilespmem:v50+s15+$0x0], $0xffff;
	v2 =	vadd.f32 v53, v2  }
0x1c5: {  	v59 =	vmul.f32 v29, v16;
	v1 =	vadd.f32 v46, v1;
	v8 =	vld.idx.msk [tilespmem:v30+s15+$0x0], $0xffff;
	v4 =	vadd.f32 v4, v5  }
0x1c6: {  	v31 =	vmul.f32 v27, v16;
	v3 =	vmul.f32 v3, v9;
	v2 =	vadd.f32 v21, v2;
	v21 =	vld.idx.msk [tilespmem:v32+s15+$0x0], $0xffff  }
0x1c7: {  	v1 =	vmul.f32 v1, v34;
	v7 =	vadd.f32 v55, v7;
	v61 =	vadd.f32 v57, v4;
	v4 =	vld.idx.msk [tilespmem:v62+s15+$0x0], $0xffff  }
0x1c8: {  	v18 =	vmul.f32 v18, v15;
	v29 =	vmul.f32 v25, v12;
	v25 =	vld.idx.msk [tilespmem:v33+s15+$0x0], $0xffff  }
0x1c9: {  	v43 =	vmul.f32 v28, v13;
	v0 =	vadd.f32 v1, v0;
	v63 =	vadd.f32 v59, v7;
	v57 =	vld [tilespmem:$0x1FFD0]  }
0x1ca: {  	v20 =	vmul.f32 v20, v11;
	v34 =	vmul.f32 v24, v12;
	v12 =	vld.idx.msk [tilespmem:v35+s15+$0x0], $0xffff;
	v7 =	vadd.f32 $0.0e+00, v29  }
0x1cb: {  	v46 =	vmul.f32 v17, v14;
	v1 =	vadd.f32 v3, v61;
	v8 =	vmul.f32 v8, v11;
	v11 =	vld.idx.msk [tilespmem:v38+s15+$0x0], $0xffff  }
0x1cc: {  	v2 =	vmul.f32 v2, v36;
	v3 =	vadd.f32 $0.0e+00, v34;
	v7 =	vadd.f32 v20, v7;
	v20 =	vld.idx.msk [tilespmem:v37+s15+$0x0], $0xffff  }
0x1cd: {  	v36 =	vmul.f32 v23, v14;
	v5 =	vadd.f32 v18, v63;
	v18 =	vld.idx.msk [tilespmem:v40+s15+$0x0], $0xffff;
	v4 =	vmul.f32 v4, v10  }
0x1ce: {  	v6 =	vmul.f32 v6, v15;
	v0 =	vadd.f32 v2, v0;
	v3 =	vadd.f32 v8, v3;
	v8 =	vld.idx.msk [tilespmem:v42+s15+$0x0], $0xffff  }
0x1cf: {  	v60 =	vld [tilespmem:$0x1FFE0];
	v39 =	vmul.f32 v21, v9;
	v41 =	vmul.f32 v25, v10;
	v4 =	vadd.f32 v4, v7  }
0x1d0: {  	v1 =	vadd.f32 v31, v1;
	v5 =	vadd.f32 v36, v5;
	v44 =	vmul.f32 v12, v16;
	v12 =	vld.idx.msk [tilespmem:v45+s15+$0x0], $0xffff  }
0x1d1: {  	v17 =	vld.idx.msk [tilespmem:v47+s15+$0x0], $0xffff;
	v3 =	vadd.f32 v41, v3;
	v4 =	vadd.f32 v39, v4;
	v9 =	vmul.f32 v20, v9  }
0x1d2: {  	v10 =	vld.idx.msk [tilespmem:v49+s15+$0x0], $0xffff;
	v1 =	vadd.f32 v6, v1;
	v48 =	vmul.f32 v11, v15;
	v50 =	vmul.f32 v18, v16  }
0x1d3: {  	v53 =	vmul.f32 v8, v14;
	v8 =	vld.idx.msk [tilespmem:v54+s15+$0x0], $0xffff;
	v4 =	vadd.f32 v44, v4;
	v3 =	vadd.f32 v9, v3  }
0x1d4: {  	v52 =	vmul.f32 v22, v13;
	v5 =	vadd.f32 v43, v5;
	v1 =	vadd.f32 v46, v1;
	v9 =	vld.idx.msk [tilespmem:v51+s22+$0x0], $0xffff  }
0x1d5: {  	v56 =	vmul.f32 v12, v15;
	v4 =	vadd.f32 v48, v4;
	v55 =	vadd.f32 v50, v3  }
0x1d6: {  	v59 =	vmul.f32 v17, v13;
	v5 =	vmul.f32 v5, v19;
	v6 =	vld.idx.msk [tilespmem:v57+s22+$0x0], $0xffff;
	v1 =	vadd.f32 v52, v1  }
0x1d7: {  	v58 =	vmul.f32 v10, v14;
	v4 =	vadd.f32 v53, v4;
	v2 =	vadd.f32 v56, v55  }
0x1d8: {  	v0 =	vadd.f32 v5, v0;
	v5 =	vld.idx.msk [tilespmem:v60+s22+$0x0], $0xffff;
	v61 =	vmul.f32 v8, v13  }
0x1d9: {  	v1 =	vmul.f32 v1, v9;
	v4 =	vadd.f32 v59, v4;
	v2 =	vadd.f32 v58, v2;
	_ =	sdelay $0x1  }
0x1da: {  	v0 =	vadd.f32 v1, v0;
	v62 =	vmul.f32 v4, v6;
	v2 =	vadd.f32 v61, v2;
	_ =	sdelay $0x1  }
0x1db: {  	v0 =	vadd.f32 v62, v0;
	v63 =	vmul.f32 v2, v5;
	_ =	sdelay $0x1  }
0x1dc: {  	v0 =	vadd.f32 v63, v0;
	_ =	sdelay $0x1  }
.Ltmp4:
0x1dd: {  	[tilespmem:$0x2A80] =	vst v0;
	(pc) =	sbr.rel .LBB2_6-.Ltmp4, $4  }
0x1de: {  	[spmem:s13] =	stream.linear.scatter [tilespmem:s19], [sflag:$0x2], $0x10, $0x38;
	[tilespmem:$0x2CA0] =	vst v63  }
0x1df: {  	_ =	swait.ge [sflag:s17], $0x10  }
0x1e0: {  	[sflag:s17] =	ssyncset.done $0x0  }
0x1e1: {  	[sflag:s17] =	ssyncadd.s32 $0xFFFFFFF0  }
.LBB2_5:
0x1e2: {  	[bflag:$0x0] =	sbarrier.arrive $0xFFFF  }
.LBB2_6:
.Ltmp5:
0x1e3: {  	(pc) =	sbr.rel @p1 .LBB2_8-.Ltmp5, $2  }
0x1e4: {  	_ =	sdelay $0x1  }
0x1e5: {  	[bflag:$0x0] =	sbarrier.arrive $0xFFFF;
	_ =	sdelay $0x1  }
0x1e6: {  	[tilespmem:s23], [sflag:$0x2] =	stream.linear.gather [hbm4b:s8+s6], $0x80, $0x38;
	[tilespmem:$0x2CA0] =	vst v63  }
0x1e7: {  	_ =	swait.ge [sflag:s17], $0x80  }
0x1e8: {  	[sflag:s17] =	ssyncset.done $0x0  }
0x1e9: {  	[sflag:s17] =	ssyncadd.s32 $0xFFFFFF80  }
0x1ea: {  	[tilespmem:s24], [sflag:$0x2] =	stream.linear.gather [spmem:s5], $0x100, $0x38;
	[tilespmem:$0x2CA0] =	vst v63  }
0x1eb: {  	_ =	swait.ge [sflag:s17], $0x100  }
0x1ec: {  	[sflag:s17] =	ssyncset.done $0x0  }
0x1ed: {  	[sflag:s17] =	ssyncadd.s32 $0xFFFFFF00  }
0x1ee: {  	[tilespmem:s25], [sflag:$0x2] =	stream.linear.gather [spmem:s3], $0x100, $0x38;
	[tilespmem:$0x2CA0] =	vst v63  }
0x1ef: {  	_ =	swait.ge [sflag:s17], $0x100  }
0x1f0: {  	[sflag:s17] =	ssyncset.done $0x0  }
0x1f1: {  	[sflag:s17] =	ssyncadd.s32 $0xFFFFFF00  }
0x1f2: {  	v0 =	vld [tilespmem:$0x2980]  }
0x1f3: {  	v1 =	vld [tilespmem:$0x2880]  }
0x1f4: {  	v2 =	vld [tilespmem:$0x2990]  }
0x1f5: {  	v3 =	vld [tilespmem:$0x2890]  }
0x1f6: {  	v4 =	vld [tilespmem:$0x29A0]  }
0x1f7: {  	v5 =	vld [tilespmem:$0x28A0]  }
0x1f8: {  	v6 =	vld [tilespmem:$0x29B0];
	v0 =	vadd.f32 $0.0e+00, v0;
	v1 =	vadd.f32 $0.0e+00, v1  }
0x1f9: {  	v7 =	vld [tilespmem:$0x28B0]  }
0x1fa: {  	v26 =	vld [tilespmem:$0x29C0];
	v0 =	vadd.f32 v2, v0;
	v1 =	vadd.f32 v3, v1  }
0x1fb: {  	v27 =	vld [tilespmem:$0x28C0]  }
0x1fc: {  	v28 =	vld [tilespmem:$0x29D0];
	v0 =	vadd.f32 v4, v0;
	v1 =	vadd.f32 v5, v1  }
0x1fd: {  	v29 =	vld [tilespmem:$0x28D0]  }
0x1fe: {  	v30 =	vld [tilespmem:$0x29E0];
	v0 =	vadd.f32 v6, v0;
	v1 =	vadd.f32 v7, v1  }
0x1ff: {  	v31 =	vld [tilespmem:$0x28E0]  }
0x200: {  	v32 =	vld [tilespmem:$0x29F0];
	v0 =	vadd.f32 v26, v0;
	v1 =	vadd.f32 v27, v1  }
0x201: {  	v33 =	vld [tilespmem:$0x28F0]  }
0x202: {  	v34 =	vld [tilespmem:$0x2A00];
	v0 =	vadd.f32 v28, v0;
	v1 =	vadd.f32 v29, v1  }
0x203: {  	v35 =	vld [tilespmem:$0x2900]  }
0x204: {  	v36 =	vld [tilespmem:$0x2A10];
	v0 =	vadd.f32 v30, v0;
	v1 =	vadd.f32 v31, v1  }
0x205: {  	v37 =	vld [tilespmem:$0x2910]  }
0x206: {  	v38 =	vld [tilespmem:$0x2A20];
	v0 =	vadd.f32 v32, v0;
	v1 =	vadd.f32 v33, v1  }
0x207: {  	v39 =	vld [tilespmem:$0x2920]  }
0x208: {  	v40 =	vld [tilespmem:$0x2A30];
	v0 =	vadd.f32 v34, v0;
	v1 =	vadd.f32 v35, v1  }
0x209: {  	v41 =	vld [tilespmem:$0x2930]  }
0x20a: {  	v42 =	vld [tilespmem:$0x2A40];
	v0 =	vadd.f32 v36, v0;
	v1 =	vadd.f32 v37, v1  }
0x20b: {  	v43 =	vld [tilespmem:$0x2940]  }
0x20c: {  	v44 =	vld [tilespmem:$0x2A50];
	v0 =	vadd.f32 v38, v0;
	v1 =	vadd.f32 v39, v1  }
0x20d: {  	v45 =	vld [tilespmem:$0x2950]  }
0x20e: {  	v46 =	vld [tilespmem:$0x2A60];
	v0 =	vadd.f32 v40, v0;
	v1 =	vadd.f32 v41, v1  }
0x20f: {  	v47 =	vld [tilespmem:$0x2960]  }
0x210: {  	v48 =	vld [tilespmem:$0x2A70];
	v0 =	vadd.f32 v42, v0;
	v1 =	vadd.f32 v43, v1  }
0x211: {  	v49 =	vld [tilespmem:$0x2970]  }
0x212: {  	v0 =	vadd.f32 v44, v0;
	v1 =	vadd.f32 v45, v1;
	_ =	sdelay $0x1  }
0x213: {  	v0 =	vadd.f32 v46, v0;
	v1 =	vadd.f32 v47, v1;
	_ =	sdelay $0x1  }
0x214: {  	v0 =	vadd.f32 v48, v0;
	v1 =	vadd.f32 v49, v1;
	_ =	sdelay $0x1  }
0x215: {  	(xrf2) =	vadd.scan.msk.f32 $0xffff, v0;
	v50 =	vnsel vm4, $0x0, v1  }
0x216: {  	v51 =	vsel vm7, $0x0, v1;
	(xrf2) =	vadd.scan.msk.f32 $0xffff, v50  }
0x217: {  	v52 =	vsel vm8, $0x0, v1;
	(xrf2) =	vadd.scan.msk.f32 $0xffff, v51  }
0x218: {  	(xrf2) =	vadd.scan.msk.f32 $0xffff, v52  }
0x219: {  	v53 =	vsel vm9, $0x0, v1  }
0x21a: {  	(xrf2) =	vadd.scan.msk.f32 $0xffff, v53;
	_ =	sdelay $0x4  }
0x21b: {  	v54, _, _ =	vpop (xrf2)  }
0x21c: {  	v55, _, _ =	vpop (xrf2);
	(v2sf) =	vpush v54, $0xF  }
0x21d: {  	v56, _, _ =	vpop (xrf2);
	(v2sf) =	vpush v55, $0xF  }
0x21e: {  	v57, _, _ =	vpop (xrf2);
	(v2sf) =	vpush v56, $0xF  }
0x21f: {  	(v2sf) =	vpush v57, $0xF  }
0x220: {  	v58, _, _ =	vpop (xrf2)  }
0x221: {  	(v2sf) =	vpush v58, $0xF;
	_ =	sdelay $0x9  }
0x222: {  	s29 =	spop (v2sf)  }
0x223: {  	s30 =	spop (v2sf)  }
0x224: {  	s31 =	spop (v2sf)  }
0x225: {  	s4 =	spop (v2sf);
	s31 =	smul.f32 s31, s31  }
0x226: {  	s4 =	smul.f32 s4, s4  }
0x227: {  	s1 =	spop (v2sf)  }
0x228: {  	s1 =	smul.f32 s1, s1;
	s4 =	sadd.f32 s4, s31  }
0x229: {  	_ = 	snop  }
0x22a: {  	s1 =	sadd.f32 s4, s1;
	_ =	sdelay $0x1  }
0x22b: {  	s31 =	smul.f32 $8.192000000e+03, s30;
	s1 =	sadd.f32 s1, s1  }
0x22c: {  	_ = 	snop  }
0x22d: {  	s1 =	ssub.f32 s31, s1;
	_ =	sdelay $0x1  }
0x22e: {  	v59 =	vmov s1  }
0x22f: {  	v60 =	vshra.s32 v59, $0x1;
	v61 =	vmul.f32 $5.000000000e-01, v59  }
0x230: {  	v1 =	vsub.s32 $0x5F3759DF, v60  }
0x231: {  	v62 =	vmul.f32 v1, v61;
	_ =	sdelay $0x1  }
0x232: {  	v3 =	vmul.f32 v1, v62;
	_ =	sdelay $0x1  }
0x233: {  	v3 =	vsub.f32 $1.500000000e+00, v3;
	_ =	sdelay $0x1  }
0x234: {  	v1 =	vmul.f32 v1, v3;
	_ =	sdelay $0x1  }
0x235: {  	v3 =	vmul.f32 v1, v61;
	_ =	sdelay $0x1  }
0x236: {  	v3 =	vmul.f32 v3, v1;
	_ =	sdelay $0x1  }
0x237: {  	v3 =	vsub.f32 $1.500000000e+00, v3;
	_ =	sdelay $0x1  }
0x238: {  	v1 =	vmul.f32 v3, v1;
	_ =	sdelay $0x1  }
0x239: {  	v3 =	vmul.f32 v1, v61;
	_ =	sdelay $0x1  }
0x23a: {  	v3 =	vmul.f32 v3, v1;
	_ =	sdelay $0x1  }
0x23b: {  	v3 =	vsub.f32 $1.500000000e+00, v3;
	_ =	sdelay $0x1  }
0x23c: {  	v1 =	vmul.f32 v3, v1;
	_ =	sdelay $0x1  }
0x23d: {  	v2 =	vmul.f32 v1, v61;
	_ =	sdelay $0x1  }
0x23e: {  	v2 =	vmul.f32 v2, v1;
	_ =	sdelay $0x1  }
0x23f: {  	v2 =	vsub.f32 $1.500000000e+00, v2;
	_ =	sdelay $0x1  }
0x240: {  	v63 =	vld [tilespmem:$0x2B00];
	v1 =	vmul.f32 v2, v1  }
0x241: {  	s30 =	smul.f32 $-2.310000000e+05, s29;
	vm10 =	vgt.f32 v59, $0.0e+00  }
0x242: {  	v0 =	vnsel vm10, $0x7F7FFFFF, v1  }
0x243: {  	v0 =	vmul.f32 s30, v0;
	_ =	sdelay $0x1  }
0x244: {  	v0 =	vadd.f32 v0, v63;
	_ =	sdelay $0x1  }
.Ltmp6:
0x245: {  	s31 =	rddreg [dreg:$0x2];
	[tilespmem:$0x2B80] =	vst v0;
	(pc) =	sbr.rel .LBB2_8-.Ltmp6, $4  }
0x246: {  	[hbm4b:s31+s6] =	stream.linear.scatter [tilespmem:s26], [sflag:$0x2], $0x80, $0x38;
	[tilespmem:$0x2CA0] =	vst v63  }
0x247: {  	_ =	swait.ge [sflag:s17], $0x80  }
0x248: {  	[sflag:s17] =	ssyncset.done $0x0  }
0x249: {  	[sflag:s17] =	ssyncadd.s32 $0xFFFFFF80  }
.LBB2_9:
0x24a: {  	_ =	sfence.sel $0x180000  }
0x24b: {  	[bflag:$0x0] =	sbarrier.arrive $0xFFFF  }
0x24c: {  	_ =	strace $0x90000047  }
0x24d: {  	[bflag:$0x2] =	sbarrier.arrive $0xFFFF  }
0x24e: {  	p0 =	sne.s32 s0, $0x0;
	s0 =	rddreg [dreg:$0x6]  }
0x24f: {  	s0 =	sadd.s32 @!p0 $0x100000, s0  }
0x250: {  	[sflag:s0] =	ssyncadd.tile.s32 @!p0 $0x1;
	_ =	shalt  }
.Lfunc_end2:
_tile_overlayer_lowered:
.L_overlay_start_2:
0x251: {  	(tag) =	ssettag $0x2  }
0x252: {  	s0 =	rddreg [dreg:$0x0];
	s2 =	stileid.u32  }
0x253: {  	s1 =	rddreg [dreg:$0x1];
	p0 =	sne.s32 s2, $0x0  }
0x254: {  	s3 =	rddreg [dreg:$0x2];
	[bflag:$0x3] =	sbarrier.arrive $0xFFFF;
	s2 =	simm.s32 @!p0 $0x1C02  }
0x255: {  	[timem:s3], [sflag:s2] =	dma.local @!p0 [hbm:s0], s1  }
0x256: {  	s0 =	simm.s32 @!p0 $0x2  }
0x257: {  	_ =	swait.ge @!p0 [sflag:s0], s1  }
0x258: {  	s1 =	ssub.s32 @!p0 $0x0, s1;
	[sflag:s0] =	ssyncset.done @!p0 $0x0  }
0x259: {  	[sflag:s0] =	ssyncadd.s32 @!p0 s1  }
0x25a: {  	[bflag:$0x3] =	sbarrier.arrive $0xFFFF  }
0x25b: {  	_ =	shalt  }

</sc_bundles>
